<compile_context>
chip_gen: v7x
topology: tpu7x:2x2x1
jax: 0.10.2.dev20260603
libtpu: 0.0.44.dev20260713+nightly
codegen_flags: <defaults>
</compile_context>

<pallas_src>
import functools

import jax
import jax.numpy as jnp
from jax import lax
from jax.experimental import pallas as pl
from jax.experimental.pallas import tpu as pltpu
from jax.experimental.pallas import tpu_sc as plsc

N = 10000
E = 320000
D = 128
H = 128
C = 40
CP = 48

NC = 2
NS = 16
CH = 80
NW = NC * NS
EPW = E // NW
TCHUNK = EPW // CH
NP = 10240
RPT = NP // NS


@functools.cache
def _sc_kernels():
    mesh = plsc.VectorSubcoreMesh(core_axis_name="c", subcore_axis_name="s",
                                  num_cores=NC, num_subcores=NS)
    params = pltpu.CompilerParams(use_tc_tiling_on_sc=False)

    @functools.partial(
        pl.kernel,
        out_type=jax.ShapeDtypeStruct((NC, NP, 8), jnp.float32),
        mesh=mesh,
        compiler_params=params,
        scratch_types=[
            pltpu.VMEM((TCHUNK * NC, CH), jnp.int32),
            pltpu.VMEM((CH, 8), jnp.float32),
            pltpu.VMEM_SHARED((NP, 8), jnp.float32),
        ],
    )
    def deg_kernel(dst_hbm, ones_hbm, zeros_hbm, out_hbm, d_v, ones_v, acc_sh):
        c = lax.axis_index("c")
        s = lax.axis_index("s")
        w = c * NS + s
        pltpu.sync_copy(zeros_hbm.at[pl.ds(s * RPT, RPT)], acc_sh.at[pl.ds(s * RPT, RPT)])
        pltpu.sync_copy(ones_hbm, ones_v)
        pltpu.sync_copy(dst_hbm.at[w], d_v)

        def body(j, carry):
            pltpu.sync_copy(ones_v, acc_sh.at[d_v.at[j]], add=True)
            return carry

        lax.fori_loop(0, TCHUNK * NC, body, 0)
        plsc.subcore_barrier()
        pltpu.sync_copy(acc_sh.at[pl.ds(s * RPT, RPT)], out_hbm.at[c, pl.ds(s * RPT, RPT)])

    def make_agg(F):
        @functools.partial(
            pl.kernel,
            out_type=jax.ShapeDtypeStruct((NC, NP, F), jnp.float32),
            mesh=mesh,
            compiler_params=params,
            scratch_types=[
                pltpu.VMEM((TCHUNK, CH), jnp.int32),
                pltpu.VMEM((TCHUNK, CH), jnp.int32),
                pltpu.VMEM((CH, F), jnp.float32),
                pltpu.VMEM((CH, F), jnp.float32),
                pltpu.VMEM_SHARED((NP, F), jnp.float32),
                pltpu.SemaphoreType.DMA,
                pltpu.SemaphoreType.DMA,
            ],
        )
        def agg(g_hbm, src_hbm, dst_hbm, zeros_hbm, out_hbm,
                src_v, dst_v, buf_a, buf_b, acc_sh, sem_a, sem_b):
            c = lax.axis_index("c")
            s = lax.axis_index("s")
            w = s * NC + c
            pltpu.sync_copy(zeros_hbm.at[pl.ds(s * RPT, RPT)], acc_sh.at[pl.ds(s * RPT, RPT)])

            pltpu.sync_copy(src_hbm.at[w], src_v)
            pltpu.sync_copy(dst_hbm.at[w], dst_v)

            pltpu.async_copy(g_hbm.at[src_v.at[0]], buf_a, sem_a)

            def body(i, carry):
                j0 = 2 * i
                j1 = j0 + 1
                pltpu.async_copy(g_hbm.at[src_v.at[j1]], buf_b, sem_b)
                pltpu.make_async_copy(g_hbm.at[src_v.at[j0]], buf_a, sem_a).wait()
                pltpu.sync_copy(buf_a, acc_sh.at[dst_v.at[j0]], add=True)
                pltpu.async_copy(g_hbm.at[src_v.at[j0 + 2]], buf_a, sem_a)
                pltpu.make_async_copy(g_hbm.at[src_v.at[j1]], buf_b, sem_b).wait()
                pltpu.sync_copy(buf_b, acc_sh.at[dst_v.at[j1]], add=True)
                return carry

            lax.fori_loop(0, TCHUNK // 2, body, 0)
            pltpu.make_async_copy(g_hbm.at[src_v.at[0]], buf_a, sem_a).wait()
            pltpu.sync_copy(buf_a, acc_sh.at[dst_v.at[TCHUNK - 1]], add=True)
            plsc.subcore_barrier()
            pltpu.sync_copy(acc_sh.at[pl.ds(s * RPT, RPT)], out_hbm.at[c, pl.ds(s * RPT, RPT)])

        return agg

    return deg_kernel, make_agg(H), make_agg(CP)


_BR = 1000
_BRP = 1024


def _stage_b_body(x1_ref, x2_ref, w1_ref, degcat_ref, g_ref):
    dc = degcat_ref[...]
    di1 = lax.rsqrt(dc[:, 0:1] + 1.0)
    di2 = lax.rsqrt(dc[:, 8:9] + 1.0)
    w1 = w1_ref[...]
    g_ref[0] = jnp.dot(x1_ref[...], w1, preferred_element_type=jnp.float32) * di1
    g_ref[1] = jnp.dot(x2_ref[...], w1, preferred_element_type=jnp.float32) * di2


def _stage_b(x1, x2, W1, degcat):
    grid = NP // _BRP
    row = lambda i: (i, 0)
    return pl.pallas_call(
        _stage_b_body,
        grid=(grid,),
        in_specs=[
            pl.BlockSpec((_BRP, D), row),
            pl.BlockSpec((_BRP, D), row),
            pl.BlockSpec((D, H), lambda i: (0, 0)),
            pl.BlockSpec((_BRP, 16), row),
        ],
        out_specs=pl.BlockSpec((2, _BRP, H), lambda i: (0, i, 0)),
        out_shape=jax.ShapeDtypeStruct((2, NP, H), jnp.float32),
    )(x1, x2, W1, degcat)


def _stage_d_body(g1_ref, a10_ref, a11_ref, g2_ref, a20_ref, a21_ref,
                  w2_ref, b1_ref, degcat_ref, gy_ref):
    dc = degcat_ref[...]
    di1 = lax.rsqrt(dc[:, 0:1] + 1.0)
    di2 = lax.rsqrt(dc[:, 8:9] + 1.0)
    w2 = w2_ref[...]
    b1 = b1_ref[...]
    h1 = jnp.maximum(di1 * (a10_ref[0] + a11_ref[0] + g1_ref[0]) + b1, 0.0)
    h2 = jnp.maximum(di2 * (a20_ref[0] + a21_ref[0] + g2_ref[0]) + b1, 0.0)
    gy_ref[0] = jnp.dot(h1, w2, preferred_element_type=jnp.float32) * di1
    gy_ref[1] = jnp.dot(h2, w2, preferred_element_type=jnp.float32) * di2


def _stage_d(g, a1, a2, W2p, b1r, degcat):
    grid = NP // _BRP
    g0 = lambda i: (0, i, 0)
    g1 = lambda i: (1, i, 0)
    fixed = lambda i: (0, 0)
    return pl.pallas_call(
        _stage_d_body,
        grid=(grid,),
        in_specs=[
            pl.BlockSpec((1, _BRP, H), g0),
            pl.BlockSpec((1, _BRP, H), g0),
            pl.BlockSpec((1, _BRP, H), g1),
            pl.BlockSpec((1, _BRP, H), g1),
            pl.BlockSpec((1, _BRP, H), g0),
            pl.BlockSpec((1, _BRP, H), g1),
            pl.BlockSpec((H, CP), fixed),
            pl.BlockSpec((1, H), fixed),
            pl.BlockSpec((_BRP, 16), lambda i: (i, 0)),
        ],
        out_specs=pl.BlockSpec((2, _BRP, CP), lambda i: (0, i, 0)),
        out_shape=jax.ShapeDtypeStruct((2, NP, CP), jnp.float32),
    )(g, a1, a1, g, a2, a2, W2p, b1r, degcat)


def _stage_f_body(gy1_ref, ay10_ref, ay11_ref, gy2_ref, ay20_ref, ay21_ref,
                  b2_ref, degcat_ref, ly_ref, lz_ref, cd_ref):
    dc = degcat_ref[...]
    di1 = lax.rsqrt(dc[:, 0:1] + 1.0)
    di2 = lax.rsqrt(dc[:, 8:9] + 1.0)
    b2 = b2_ref[...]
    y = di1 * (ay10_ref[0] + ay11_ref[0] + gy1_ref[0]) + b2
    z = di2 * (ay20_ref[0] + ay21_ref[0] + gy2_ref[0]) + b2
    ny = jnp.maximum(jnp.sqrt(jnp.sum(y * y, axis=1, keepdims=True)), 1e-8)
    nz = jnp.maximum(jnp.sqrt(jnp.sum(z * z, axis=1, keepdims=True)), 1e-8)
    cos = jnp.sum(y * z, axis=1, keepdims=True) / (ny * nz)
    cd_ref[...] = 1.0 - cos
    mask = lax.broadcasted_iota(jnp.int32, (_BR, CP), 1) < C
    neg = jnp.float32(-1e30)
    my = jnp.max(jnp.where(mask, y, neg), axis=1, keepdims=True)
    mz = jnp.max(jnp.where(mask, z, neg), axis=1, keepdims=True)
    lse_y = jnp.log(jnp.sum(jnp.where(mask, jnp.exp(y - my), 0.0), axis=1, keepdims=True))
    lse_z = jnp.log(jnp.sum(jnp.where(mask, jnp.exp(z - mz), 0.0), axis=1, keepdims=True))
    ly_ref[...] = y - my - lse_y
    lz_ref[...] = z - mz - lse_z


def _stage_f(gy, ay1, ay2, b2p, degcat):
    grid = N // _BR
    g0 = lambda i: (0, i, 0)
    g1 = lambda i: (1, i, 0)
    row = lambda i: (i, 0)
    fixed = lambda i: (0, 0)
    return pl.pallas_call(
        _stage_f_body,
        grid=(grid,),
        in_specs=[
            pl.BlockSpec((1, _BR, CP), g0),
            pl.BlockSpec((1, _BR, CP), g0),
            pl.BlockSpec((1, _BR, CP), g1),
            pl.BlockSpec((1, _BR, CP), g1),
            pl.BlockSpec((1, _BR, CP), g0),
            pl.BlockSpec((1, _BR, CP), g1),
            pl.BlockSpec((1, CP), fixed),
            pl.BlockSpec((_BR, 16), row),
        ],
        out_specs=[
            pl.BlockSpec((_BR, CP), row),
            pl.BlockSpec((_BR, CP), row),
            pl.BlockSpec((_BR, 1), row),
        ],
        out_shape=[
            jax.ShapeDtypeStruct((N, CP), jnp.float32),
            jax.ShapeDtypeStruct((N, CP), jnp.float32),
            jax.ShapeDtypeStruct((N, 1), jnp.float32),
        ],
    )(gy, ay1, ay1, gy, ay2, ay2, b2p, degcat)


def kernel(x1, edge_index1, x2, edge_index2, W1, b1, W2, b2):
    src1 = edge_index1[0].reshape(NW, TCHUNK, CH)
    dst1 = edge_index1[1].reshape(NW, TCHUNK, CH)
    src2 = edge_index2[0].reshape(NW, TCHUNK, CH) + NP
    dst2 = edge_index2[1].reshape(NW, TCHUNK, CH)
    dst_deg = jnp.stack([edge_index1[1].reshape(NS, TCHUNK * NC, CH),
                         edge_index2[1].reshape(NS, TCHUNK * NC, CH)]).reshape(NC * NS, TCHUNK * NC, CH)

    ones8 = jnp.ones((CH, 8), jnp.float32)
    zeros8 = jnp.zeros((NP, 8), jnp.float32)
    zeros_h = jnp.zeros((NP, H), jnp.float32)
    zeros_c = jnp.zeros((NP, CP), jnp.float32)

    W2p = jnp.zeros((H, CP), jnp.float32).at[:, :C].set(W2)
    b1r = b1.reshape(1, H)
    b2p = jnp.zeros((1, CP), jnp.float32).at[0, :C].set(b2)

    _deg_kernel, _agg_h, _agg_c = _sc_kernels()

    degp = _deg_kernel(dst_deg, ones8, zeros8)
    degcat = jnp.concatenate([degp[0, :N], degp[1, :N]], axis=1)

    g = _stage_b(x1, x2, W1, degcat)
    gflat = g.reshape(2 * NP, H)
    a1 = _agg_h(gflat, src1, dst1, zeros_h)
    a2 = _agg_h(gflat, src2, dst2, zeros_h)
    gy = _stage_d(g, a1, a2, W2p, b1r, degcat)
    gyflat = gy.reshape(2 * NP, CP)
    ay1 = _agg_c(gyflat, src1, dst1, zeros_c)
    ay2 = _agg_c(gyflat, src2, dst2, zeros_c)
    ly64, lz64, cd = _stage_f(gy, ay1, ay2, b2p, degcat)

    ly = ly64[:, :C]
    lz = lz64[:, :C]
    return (ly, cd[:, 0], lz, ly, ly)

# --- scband reference (transcript-rebuilt; emitter-appended) ---
"""Pipeline reference for scband-trans-gcn-60198261621555 (READ-ONLY COPY).

The authoritative reference and input builder live on the scoring server;
editing this copy changes nothing except your own understanding.
"""

import jax, jax.numpy as jnp
import numpy as np

N = 10000
E = 320000
D = 128
H = 128
C = 40


def setup_inputs(seed: int = 0) -> dict:
    key = jax.random.key(seed)
    ks = jax.random.split(key, 8)
    x1 = jax.random.normal(ks[0], (N, D), dtype=jnp.float32)
    x2 = jax.random.normal(ks[1], (N, D), dtype=jnp.float32)
    edge_index1 = jax.random.randint(ks[2], (2, E), 0, N, dtype=jnp.int32)
    edge_index2 = jax.random.randint(ks[3], (2, E), 0, N, dtype=jnp.int32)
    W1 = jax.random.normal(ks[4], (D, H), dtype=jnp.float32) * (1.0 / np.sqrt(D))
    b1 = jnp.zeros((H,), dtype=jnp.float32)
    W2 = jax.random.normal(ks[5], (H, C), dtype=jnp.float32) * (1.0 / np.sqrt(H))
    b2 = jnp.zeros((C,), dtype=jnp.float32)
    return {"x1": x1, "edge_index1": edge_index1, "x2": x2, "edge_index2": edge_index2,
            "W1": W1, "b1": b1, "W2": W2, "b2": b2}


def gcn_conv(x, edge_index, W, b):
    # GCNConv: linear transform, add self loops, symmetric degree normalization, scatter-add aggregate
    h = x @ W
    src = edge_index[0]
    dst = edge_index[1]
    loop = jnp.arange(N, dtype=edge_index.dtype)
    src = jnp.concatenate([src, loop])
    dst = jnp.concatenate([dst, loop])
    deg = jnp.zeros((N,), dtype=jnp.float32).at[dst].add(1.0)
    dinv = jnp.where(deg > 0, jax.lax.rsqrt(jnp.maximum(deg, 1e-12)), 0.0)
    norm = dinv[src] * dinv[dst]
    msg = h[src] * norm[:, None]
    out = jnp.zeros((N, h.shape[1]), dtype=jnp.float32).at[dst].add(msg)
    return out + b


def forward_once(x, edge_index, W1, b1, W2, b2):
    h = gcn_conv(x, edge_index, W1, b1)
    h = jax.nn.relu(h)
    return gcn_conv(h, edge_index, W2, b2)


def reference(x1, edge_index1, x2, edge_index2, W1, b1, W2, b2):
    y = forward_once(x1, edge_index1, W1, b1, W2, b2)
    z = forward_once(x2, edge_index2, W1, b1, W2, b2)
    eps = 1e-8
    ny = jnp.maximum(jnp.sqrt(jnp.sum(y * y, axis=1)), eps)
    nz = jnp.maximum(jnp.sqrt(jnp.sum(z * z, axis=1)), eps)
    cos = jnp.sum(y * z, axis=1) / (ny * nz)
    ly = jax.nn.log_softmax(y, axis=1)
    lz = jax.nn.log_softmax(z, axis=1)
    return (ly, 1.0 - cos, lz, ly, ly)

if __name__ == "__main__":
    import jax
    _d = setup_inputs()
    print(jax.jit(kernel)(*tuple(_d.values())))

</pallas_src>

<mosaic_0001>
#map = affine_map<(d0, d1) -> (0, 0)>
#map1 = affine_map<(d0, d1) -> (0, 0, 0)>
module attributes {stable_mosaic.version = 14 : i64} {
  func.func @agg(%arg0: i32, %arg1: i32, %arg2: memref<20480x128xf32, #tpu.memory_space<hbm>>, %arg3: memref<32x125x80xi32, #tpu.memory_space<hbm>>, %arg4: memref<32x125x80xi32, #tpu.memory_space<hbm>>, %arg5: memref<10240x128xf32, #tpu.memory_space<hbm>>, %arg6: memref<2x10240x128xf32, #tpu.memory_space<hbm>>, %arg7: memref<125x80xi32, #tpu.memory_space<vmem>>, %arg8: memref<125x80xi32, #tpu.memory_space<vmem>>, %arg9: memref<80x128xf32, #tpu.memory_space<vmem>>, %arg10: memref<80x128xf32, #tpu.memory_space<vmem>>, %arg11: memref<10240x128xf32, #tpu.memory_space<vmem_shared>>, %arg12: memref<!tpu.dma_semaphore, #tpu.memory_space<semaphore_mem>>, %arg13: memref<!tpu.dma_semaphore, #tpu.memory_space<semaphore_mem>>) attributes {dimension_semantics = [#tpu.dimension_semantics<core_parallel>, #tpu.dimension_semantics<subcore_parallel>], iteration_bounds = array<i64: 2, 16>, scalar_prefetch = 0 : i64, scratch_operands = 7 : i64, tpu.core_type = #tpu.core_type<sc_vector_subcore>, window_params = [{transform_indices = #map}, {transform_indices = #map1}, {transform_indices = #map1}, {transform_indices = #map}, {transform_indices = #map1}]} {
    %mul3A = arith.constant 2 : i32
    %mul3A_0 = arith.muli %arg1, %mul3A : i32
    %add3A = arith.addi %mul3A_0, %arg0 : i32
    %mul3A_1 = arith.constant 640 : i32
    %mul3A_2 = arith.muli %arg1, %mul3A_1 : i32
    %mul3A_3 = arith.constant 640 : i32
    %mul3A_4 = arith.muli %arg1, %mul3A_3 : i32
    "tpu.region"() ({
      %run_scoped3A_26 = tpu.sem_alloc : memref<!tpu.dma_semaphore, #tpu.memory_space<semaphore_mem>>
      %dma_start3A_27 = arith.constant 0 : i32
      %dma_start3A_28 = tpu.memref_slice %arg11[%mul3A_4, %dma_start3A_27] : memref<10240x128xf32, #tpu.memory_space<vmem_shared>> -> memref<640x128xf32, #tpu.memory_space<vmem_shared>>
      %dma_start3A_29 = arith.constant 0 : i32
      %dma_start3A_30 = tpu.memref_slice %arg5[%mul3A_2, %dma_start3A_29] : memref<10240x128xf32, #tpu.memory_space<hbm>> -> memref<640x128xf32, #tpu.memory_space<hbm>>
      tpu.enqueue_dma source(%dma_start3A_30 : memref<640x128xf32, #tpu.memory_space<hbm>>) target(%dma_start3A_28 : memref<640x128xf32, #tpu.memory_space<vmem_shared>>) target_semaphore(%run_scoped3A_26 : memref<!tpu.dma_semaphore, #tpu.memory_space<semaphore_mem>>)
      %dma_wait3A_31 = arith.constant 0 : i32
      %dma_wait3A_32 = tpu.memref_slice %arg11[%mul3A_4, %dma_wait3A_31] : memref<10240x128xf32, #tpu.memory_space<vmem_shared>> -> memref<640x128xf32, #tpu.memory_space<vmem_shared>>
      %dma_wait3A_33 = arith.constant 0 : i32
      %dma_wait3A_34 = tpu.memref_slice %arg5[%mul3A_2, %dma_wait3A_33] : memref<10240x128xf32, #tpu.memory_space<hbm>> -> memref<640x128xf32, #tpu.memory_space<hbm>>
      tpu.wait_dma2 semaphore(%run_scoped3A_26 : memref<!tpu.dma_semaphore, #tpu.memory_space<semaphore_mem>>) src(%dma_wait3A_34 : memref<640x128xf32, #tpu.memory_space<hbm>>) dst(%dma_wait3A_32 : memref<640x128xf32, #tpu.memory_space<vmem_shared>>)
      tpu.yield
    }) : () -> ()
    "tpu.region"() ({
      %run_scoped3A_26 = tpu.sem_alloc : memref<!tpu.dma_semaphore, #tpu.memory_space<semaphore_mem>>
      %dma_start3A_27 = arith.constant 0 : i32
      %dma_start3A_28 = arith.constant 0 : i32
      %dma_start3A_29 = tpu.memref_slice %arg3[%add3A, %dma_start3A_27, %dma_start3A_28] : memref<32x125x80xi32, #tpu.memory_space<hbm>> -> memref<1x125x80xi32, #tpu.memory_space<hbm>>
      %dma_start3A_30 = tpu.memref_squeeze %dma_start3A_29 : memref<1x125x80xi32, #tpu.memory_space<hbm>> -> memref<125x80xi32, #tpu.memory_space<hbm>>
      %dma_start3A_31 = arith.constant 0 : i32
      %dma_start3A_32 = arith.constant 0 : i32
      %dma_start3A_33 = tpu.memref_slice %arg3[%add3A, %dma_start3A_31, %dma_start3A_32] : memref<32x125x80xi32, #tpu.memory_space<hbm>> -> memref<1x125x80xi32, #tpu.memory_space<hbm>>
      %dma_start3A_34 = tpu.memref_squeeze %dma_start3A_33 : memref<1x125x80xi32, #tpu.memory_space<hbm>> -> memref<125x80xi32, #tpu.memory_space<hbm>>
      tpu.enqueue_dma source(%dma_start3A_34 : memref<125x80xi32, #tpu.memory_space<hbm>>) target(%arg7 : memref<125x80xi32, #tpu.memory_space<vmem>>) target_semaphore(%run_scoped3A_26 : memref<!tpu.dma_semaphore, #tpu.memory_space<semaphore_mem>>)
      %dma_wait3A_35 = arith.constant 0 : i32
      %dma_wait3A_36 = arith.constant 0 : i32
      %dma_wait3A_37 = tpu.memref_slice %arg3[%add3A, %dma_wait3A_35, %dma_wait3A_36] : memref<32x125x80xi32, #tpu.memory_space<hbm>> -> memref<1x125x80xi32, #tpu.memory_space<hbm>>
      %dma_wait3A_38 = tpu.memref_squeeze %dma_wait3A_37 : memref<1x125x80xi32, #tpu.memory_space<hbm>> -> memref<125x80xi32, #tpu.memory_space<hbm>>
      %dma_wait3A_39 = arith.constant 0 : i32
      %dma_wait3A_40 = arith.constant 0 : i32
      %dma_wait3A_41 = tpu.memref_slice %arg3[%add3A, %dma_wait3A_39, %dma_wait3A_40] : memref<32x125x80xi32, #tpu.memory_space<hbm>> -> memref<1x125x80xi32, #tpu.memory_space<hbm>>
      %dma_wait3A_42 = tpu.memref_squeeze %dma_wait3A_41 : memref<1x125x80xi32, #tpu.memory_space<hbm>> -> memref<125x80xi32, #tpu.memory_space<hbm>>
      tpu.wait_dma2 semaphore(%run_scoped3A_26 : memref<!tpu.dma_semaphore, #tpu.memory_space<semaphore_mem>>) src(%dma_wait3A_42 : memref<125x80xi32, #tpu.memory_space<hbm>>) dst(%arg7 : memref<125x80xi32, #tpu.memory_space<vmem>>)
      tpu.yield
    }) : () -> ()
    "tpu.region"() ({
      %run_scoped3A_26 = tpu.sem_alloc : memref<!tpu.dma_semaphore, #tpu.memory_space<semaphore_mem>>
      %dma_start3A_27 = arith.constant 0 : i32
      %dma_start3A_28 = arith.constant 0 : i32
      %dma_start3A_29 = tpu.memref_slice %arg4[%add3A, %dma_start3A_27, %dma_start3A_28] : memref<32x125x80xi32, #tpu.memory_space<hbm>> -> memref<1x125x80xi32, #tpu.memory_space<hbm>>
      %dma_start3A_30 = tpu.memref_squeeze %dma_start3A_29 : memref<1x125x80xi32, #tpu.memory_space<hbm>> -> memref<125x80xi32, #tpu.memory_space<hbm>>
      %dma_start3A_31 = arith.constant 0 : i32
      %dma_start3A_32 = arith.constant 0 : i32
      %dma_start3A_33 = tpu.memref_slice %arg4[%add3A, %dma_start3A_31, %dma_start3A_32] : memref<32x125x80xi32, #tpu.memory_space<hbm>> -> memref<1x125x80xi32, #tpu.memory_space<hbm>>
      %dma_start3A_34 = tpu.memref_squeeze %dma_start3A_33 : memref<1x125x80xi32, #tpu.memory_space<hbm>> -> memref<125x80xi32, #tpu.memory_space<hbm>>
      tpu.enqueue_dma source(%dma_start3A_34 : memref<125x80xi32, #tpu.memory_space<hbm>>) target(%arg8 : memref<125x80xi32, #tpu.memory_space<vmem>>) target_semaphore(%run_scoped3A_26 : memref<!tpu.dma_semaphore, #tpu.memory_space<semaphore_mem>>)
      %dma_wait3A_35 = arith.constant 0 : i32
      %dma_wait3A_36 = arith.constant 0 : i32
      %dma_wait3A_37 = tpu.memref_slice %arg4[%add3A, %dma_wait3A_35, %dma_wait3A_36] : memref<32x125x80xi32, #tpu.memory_space<hbm>> -> memref<1x125x80xi32, #tpu.memory_space<hbm>>
      %dma_wait3A_38 = tpu.memref_squeeze %dma_wait3A_37 : memref<1x125x80xi32, #tpu.memory_space<hbm>> -> memref<125x80xi32, #tpu.memory_space<hbm>>
      %dma_wait3A_39 = arith.constant 0 : i32
      %dma_wait3A_40 = arith.constant 0 : i32
      %dma_wait3A_41 = tpu.memref_slice %arg4[%add3A, %dma_wait3A_39, %dma_wait3A_40] : memref<32x125x80xi32, #tpu.memory_space<hbm>> -> memref<1x125x80xi32, #tpu.memory_space<hbm>>
      %dma_wait3A_42 = tpu.memref_squeeze %dma_wait3A_41 : memref<1x125x80xi32, #tpu.memory_space<hbm>> -> memref<125x80xi32, #tpu.memory_space<hbm>>
      tpu.wait_dma2 semaphore(%run_scoped3A_26 : memref<!tpu.dma_semaphore, #tpu.memory_space<semaphore_mem>>) src(%dma_wait3A_42 : memref<125x80xi32, #tpu.memory_space<hbm>>) dst(%arg8 : memref<125x80xi32, #tpu.memory_space<vmem>>)
      tpu.yield
    }) : () -> ()
    %dma_start3A = arith.constant 0 : i32
    %dma_start3A_5 = arith.constant 0 : i32
    %dma_start3A_6 = tpu.memref_slice %arg7[%dma_start3A, %dma_start3A_5] : memref<125x80xi32, #tpu.memory_space<vmem>> -> memref<1x80xi32, #tpu.memory_space<vmem>>
    %dma_start3A_7 = tpu.memref_squeeze %dma_start3A_6 : memref<1x80xi32, #tpu.memory_space<vmem>> -> memref<80xi32, #tpu.memory_space<vmem>>
    %dma_start3A_8 = arith.constant 0 : i32
    %dma_start3A_9 = arith.constant 0 : i32
    %dma_start3A_10 = tpu.memref_slice %arg2[%dma_start3A_8, %dma_start3A_9] : memref<20480x128xf32, #tpu.memory_space<hbm>> -> memref<20480x128xf32, #tpu.memory_space<hbm>>
    tpu.enqueue_indirect_dma source(%dma_start3A_10 : memref<20480x128xf32, #tpu.memory_space<hbm>>) target(%arg9 : memref<80x128xf32, #tpu.memory_space<vmem>>) offsets(%dma_start3A_7 : memref<80xi32, #tpu.memory_space<vmem>>) semaphore(%arg12 : memref<!tpu.dma_semaphore, #tpu.memory_space<semaphore_mem>>)
    %scan3A = arith.constant 0 : i32
    %scan3A_11 = arith.constant 0 : i32
    %scan3A_12 = arith.constant 62 : i32
    %scan3A_13 = arith.addi %scan3A_11, %scan3A_12 : i32
    %scan3A_14 = arith.constant 1 : i32
    scf.for %scan3A_26 = %scan3A_11 to %scan3A_13 step %scan3A_14  : i32 {
      %mul3A_27 = arith.constant 2 : i32
      %mul3A_28 = arith.muli %mul3A_27, %scan3A_26 : i32
      %add3A_29 = arith.constant 1 : i32
      %add3A_30 = arith.addi %mul3A_28, %add3A_29 : i32
      %dma_start3A_31 = arith.constant 0 : i32
      %dma_start3A_32 = tpu.memref_slice %arg7[%add3A_30, %dma_start3A_31] : memref<125x80xi32, #tpu.memory_space<vmem>> -> memref<1x80xi32, #tpu.memory_space<vmem>>
      %dma_start3A_33 = tpu.memref_squeeze %dma_start3A_32 : memref<1x80xi32, #tpu.memory_space<vmem>> -> memref<80xi32, #tpu.memory_space<vmem>>
      %dma_start3A_34 = arith.constant 0 : i32
      %dma_start3A_35 = arith.constant 0 : i32
      %dma_start3A_36 = tpu.memref_slice %arg2[%dma_start3A_34, %dma_start3A_35] : memref<20480x128xf32, #tpu.memory_space<hbm>> -> memref<20480x128xf32, #tpu.memory_space<hbm>>
      tpu.enqueue_indirect_dma source(%dma_start3A_36 : memref<20480x128xf32, #tpu.memory_space<hbm>>) target(%arg10 : memref<80x128xf32, #tpu.memory_space<vmem>>) offsets(%dma_start3A_33 : memref<80xi32, #tpu.memory_space<vmem>>) semaphore(%arg13 : memref<!tpu.dma_semaphore, #tpu.memory_space<semaphore_mem>>)
      %dma_wait3A_37 = arith.constant 0 : i32
      %dma_wait3A_38 = tpu.memref_slice %arg7[%mul3A_28, %dma_wait3A_37] : memref<125x80xi32, #tpu.memory_space<vmem>> -> memref<1x80xi32, #tpu.memory_space<vmem>>
      %dma_wait3A_39 = tpu.memref_squeeze %dma_wait3A_38 : memref<1x80xi32, #tpu.memory_space<vmem>> -> memref<80xi32, #tpu.memory_space<vmem>>
      %dma_wait3A_40 = arith.constant 0 : i32
      %dma_wait3A_41 = arith.constant 0 : i32
      %dma_wait3A_42 = tpu.memref_slice %arg2[%dma_wait3A_40, %dma_wait3A_41] : memref<20480x128xf32, #tpu.memory_space<hbm>> -> memref<20480x128xf32, #tpu.memory_space<hbm>>
      tpu.wait_indirect_dma semaphore(%arg12 : memref<!tpu.dma_semaphore, #tpu.memory_space<semaphore_mem>>) src(%dma_wait3A_42 : memref<20480x128xf32, #tpu.memory_space<hbm>>) dst(%arg9 : memref<80x128xf32, #tpu.memory_space<vmem>>)
      "tpu.region"() ({
        %run_scoped3A_57 = tpu.sem_alloc : memref<!tpu.dma_semaphore, #tpu.memory_space<semaphore_mem>>
        %dma_start3A_58 = arith.constant 0 : i32
        %dma_start3A_59 = tpu.memref_slice %arg8[%mul3A_28, %dma_start3A_58] : memref<125x80xi32, #tpu.memory_space<vmem>> -> memref<1x80xi32, #tpu.memory_space<vmem>>
        %dma_start3A_60 = tpu.memref_squeeze %dma_start3A_59 : memref<1x80xi32, #tpu.memory_space<vmem>> -> memref<80xi32, #tpu.memory_space<vmem>>
        %dma_start3A_61 = arith.constant 0 : i32
        %dma_start3A_62 = arith.constant 0 : i32
        %dma_start3A_63 = tpu.memref_slice %arg11[%dma_start3A_61, %dma_start3A_62] : memref<10240x128xf32, #tpu.memory_space<vmem_shared>> -> memref<10240x128xf32, #tpu.memory_space<vmem_shared>>
        tpu.enqueue_indirect_dma source(%arg9 : memref<80x128xf32, #tpu.memory_space<vmem>>) target(%dma_start3A_63 : memref<10240x128xf32, #tpu.memory_space<vmem_shared>>) offsets(%dma_start3A_60 : memref<80xi32, #tpu.memory_space<vmem>>) semaphore(%run_scoped3A_57 : memref<!tpu.dma_semaphore, #tpu.memory_space<semaphore_mem>>) {add = true}
        %dma_wait3A_64 = arith.constant 0 : i32
        %dma_wait3A_65 = tpu.memref_slice %arg8[%mul3A_28, %dma_wait3A_64] : memref<125x80xi32, #tpu.memory_space<vmem>> -> memref<1x80xi32, #tpu.memory_space<vmem>>
        %dma_wait3A_66 = tpu.memref_squeeze %dma_wait3A_65 : memref<1x80xi32, #tpu.memory_space<vmem>> -> memref<80xi32, #tpu.memory_space<vmem>>
        %dma_wait3A_67 = arith.constant 0 : i32
        %dma_wait3A_68 = arith.constant 0 : i32
        %dma_wait3A_69 = tpu.memref_slice %arg11[%dma_wait3A_67, %dma_wait3A_68] : memref<10240x128xf32, #tpu.memory_space<vmem_shared>> -> memref<10240x128xf32, #tpu.memory_space<vmem_shared>>
        tpu.wait_indirect_dma semaphore(%run_scoped3A_57 : memref<!tpu.dma_semaphore, #tpu.memory_space<semaphore_mem>>) src(%arg9 : memref<80x128xf32, #tpu.memory_space<vmem>>) dst(%dma_wait3A_69 : memref<10240x128xf32, #tpu.memory_space<vmem_shared>>)
        tpu.yield
      }) : () -> ()
      %add3A_43 = arith.constant 2 : i32
      %add3A_44 = arith.addi %mul3A_28, %add3A_43 : i32
      %dma_start3A_45 = arith.constant 0 : i32
      %dma_start3A_46 = tpu.memref_slice %arg7[%add3A_44, %dma_start3A_45] : memref<125x80xi32, #tpu.memory_space<vmem>> -> memref<1x80xi32, #tpu.memory_space<vmem>>
      %dma_start3A_47 = tpu.memref_squeeze %dma_start3A_46 : memref<1x80xi32, #tpu.memory_space<vmem>> -> memref<80xi32, #tpu.memory_space<vmem>>
      %dma_start3A_48 = arith.constant 0 : i32
      %dma_start3A_49 = arith.constant 0 : i32
      %dma_start3A_50 = tpu.memref_slice %arg2[%dma_start3A_48, %dma_start3A_49] : memref<20480x128xf32, #tpu.memory_space<hbm>> -> memref<20480x128xf32, #tpu.memory_space<hbm>>
      tpu.enqueue_indirect_dma source(%dma_start3A_50 : memref<20480x128xf32, #tpu.memory_space<hbm>>) target(%arg9 : memref<80x128xf32, #tpu.memory_space<vmem>>) offsets(%dma_start3A_47 : memref<80xi32, #tpu.memory_space<vmem>>) semaphore(%arg12 : memref<!tpu.dma_semaphore, #tpu.memory_space<semaphore_mem>>)
      %dma_wait3A_51 = arith.constant 0 : i32
      %dma_wait3A_52 = tpu.memref_slice %arg7[%add3A_30, %dma_wait3A_51] : memref<125x80xi32, #tpu.memory_space<vmem>> -> memref<1x80xi32, #tpu.memory_space<vmem>>
      %dma_wait3A_53 = tpu.memref_squeeze %dma_wait3A_52 : memref<1x80xi32, #tpu.memory_space<vmem>> -> memref<80xi32, #tpu.memory_space<vmem>>
      %dma_wait3A_54 = arith.constant 0 : i32
      %dma_wait3A_55 = arith.constant 0 : i32
      %dma_wait3A_56 = tpu.memref_slice %arg2[%dma_wait3A_54, %dma_wait3A_55] : memref<20480x128xf32, #tpu.memory_space<hbm>> -> memref<20480x128xf32, #tpu.memory_space<hbm>>
      tpu.wait_indirect_dma semaphore(%arg13 : memref<!tpu.dma_semaphore, #tpu.memory_space<semaphore_mem>>) src(%dma_wait3A_56 : memref<20480x128xf32, #tpu.memory_space<hbm>>) dst(%arg10 : memref<80x128xf32, #tpu.memory_space<vmem>>)
      "tpu.region"() ({
        %run_scoped3A_57 = tpu.sem_alloc : memref<!tpu.dma_semaphore, #tpu.memory_space<semaphore_mem>>
        %dma_start3A_58 = arith.constant 0 : i32
        %dma_start3A_59 = tpu.memref_slice %arg8[%add3A_30, %dma_start3A_58] : memref<125x80xi32, #tpu.memory_space<vmem>> -> memref<1x80xi32, #tpu.memory_space<vmem>>
        %dma_start3A_60 = tpu.memref_squeeze %dma_start3A_59 : memref<1x80xi32, #tpu.memory_space<vmem>> -> memref<80xi32, #tpu.memory_space<vmem>>
        %dma_start3A_61 = arith.constant 0 : i32
        %dma_start3A_62 = arith.constant 0 : i32
        %dma_start3A_63 = tpu.memref_slice %arg11[%dma_start3A_61, %dma_start3A_62] : memref<10240x128xf32, #tpu.memory_space<vmem_shared>> -> memref<10240x128xf32, #tpu.memory_space<vmem_shared>>
        tpu.enqueue_indirect_dma source(%arg10 : memref<80x128xf32, #tpu.memory_space<vmem>>) target(%dma_start3A_63 : memref<10240x128xf32, #tpu.memory_space<vmem_shared>>) offsets(%dma_start3A_60 : memref<80xi32, #tpu.memory_space<vmem>>) semaphore(%run_scoped3A_57 : memref<!tpu.dma_semaphore, #tpu.memory_space<semaphore_mem>>) {add = true}
        %dma_wait3A_64 = arith.constant 0 : i32
        %dma_wait3A_65 = tpu.memref_slice %arg8[%add3A_30, %dma_wait3A_64] : memref<125x80xi32, #tpu.memory_space<vmem>> -> memref<1x80xi32, #tpu.memory_space<vmem>>
        %dma_wait3A_66 = tpu.memref_squeeze %dma_wait3A_65 : memref<1x80xi32, #tpu.memory_space<vmem>> -> memref<80xi32, #tpu.memory_space<vmem>>
        %dma_wait3A_67 = arith.constant 0 : i32
        %dma_wait3A_68 = arith.constant 0 : i32
        %dma_wait3A_69 = tpu.memref_slice %arg11[%dma_wait3A_67, %dma_wait3A_68] : memref<10240x128xf32, #tpu.memory_space<vmem_shared>> -> memref<10240x128xf32, #tpu.memory_space<vmem_shared>>
        tpu.wait_indirect_dma semaphore(%run_scoped3A_57 : memref<!tpu.dma_semaphore, #tpu.memory_space<semaphore_mem>>) src(%arg10 : memref<80x128xf32, #tpu.memory_space<vmem>>) dst(%dma_wait3A_69 : memref<10240x128xf32, #tpu.memory_space<vmem_shared>>)
        tpu.yield
      }) : () -> ()
    }
    %scan3A_15 = arith.constant 62 : i32
    %dma_wait3A = arith.constant 0 : i32
    %dma_wait3A_16 = arith.constant 0 : i32
    %dma_wait3A_17 = tpu.memref_slice %arg7[%dma_wait3A, %dma_wait3A_16] : memref<125x80xi32, #tpu.memory_space<vmem>> -> memref<1x80xi32, #tpu.memory_space<vmem>>
    %dma_wait3A_18 = tpu.memref_squeeze %dma_wait3A_17 : memref<1x80xi32, #tpu.memory_space<vmem>> -> memref<80xi32, #tpu.memory_space<vmem>>
    %dma_wait3A_19 = arith.constant 0 : i32
    %dma_wait3A_20 = arith.constant 0 : i32
    %dma_wait3A_21 = tpu.memref_slice %arg2[%dma_wait3A_19, %dma_wait3A_20] : memref<20480x128xf32, #tpu.memory_space<hbm>> -> memref<20480x128xf32, #tpu.memory_space<hbm>>
    tpu.wait_indirect_dma semaphore(%arg12 : memref<!tpu.dma_semaphore, #tpu.memory_space<semaphore_mem>>) src(%dma_wait3A_21 : memref<20480x128xf32, #tpu.memory_space<hbm>>) dst(%arg9 : memref<80x128xf32, #tpu.memory_space<vmem>>)
    %run_scoped3A = arith.constant 124 : i32
    "tpu.region"() ({
      %run_scoped3A_26 = tpu.sem_alloc : memref<!tpu.dma_semaphore, #tpu.memory_space<semaphore_mem>>
      %dma_start3A_27 = arith.constant 0 : i32
      %dma_start3A_28 = tpu.memref_slice %arg8[%run_scoped3A, %dma_start3A_27] : memref<125x80xi32, #tpu.memory_space<vmem>> -> memref<1x80xi32, #tpu.memory_space<vmem>>
      %dma_start3A_29 = tpu.memref_squeeze %dma_start3A_28 : memref<1x80xi32, #tpu.memory_space<vmem>> -> memref<80xi32, #tpu.memory_space<vmem>>
      %dma_start3A_30 = arith.constant 0 : i32
      %dma_start3A_31 = arith.constant 0 : i32
      %dma_start3A_32 = tpu.memref_slice %arg11[%dma_start3A_30, %dma_start3A_31] : memref<10240x128xf32, #tpu.memory_space<vmem_shared>> -> memref<10240x128xf32, #tpu.memory_space<vmem_shared>>
      tpu.enqueue_indirect_dma source(%arg9 : memref<80x128xf32, #tpu.memory_space<vmem>>) target(%dma_start3A_32 : memref<10240x128xf32, #tpu.memory_space<vmem_shared>>) offsets(%dma_start3A_29 : memref<80xi32, #tpu.memory_space<vmem>>) semaphore(%run_scoped3A_26 : memref<!tpu.dma_semaphore, #tpu.memory_space<semaphore_mem>>) {add = true}
      %dma_wait3A_33 = arith.constant 0 : i32
      %dma_wait3A_34 = tpu.memref_slice %arg8[%run_scoped3A, %dma_wait3A_33] : memref<125x80xi32, #tpu.memory_space<vmem>> -> memref<1x80xi32, #tpu.memory_space<vmem>>
      %dma_wait3A_35 = tpu.memref_squeeze %dma_wait3A_34 : memref<1x80xi32, #tpu.memory_space<vmem>> -> memref<80xi32, #tpu.memory_space<vmem>>
      %dma_wait3A_36 = arith.constant 0 : i32
      %dma_wait3A_37 = arith.constant 0 : i32
      %dma_wait3A_38 = tpu.memref_slice %arg11[%dma_wait3A_36, %dma_wait3A_37] : memref<10240x128xf32, #tpu.memory_space<vmem_shared>> -> memref<10240x128xf32, #tpu.memory_space<vmem_shared>>
      tpu.wait_indirect_dma semaphore(%run_scoped3A_26 : memref<!tpu.dma_semaphore, #tpu.memory_space<semaphore_mem>>) src(%arg9 : memref<80x128xf32, #tpu.memory_space<vmem>>) dst(%dma_wait3A_38 : memref<10240x128xf32, #tpu.memory_space<vmem_shared>>)
      tpu.yield
    }) : () -> ()
    %barrier3A = arith.constant 0 : index
    tpu.barrier barrier_id(%barrier3A)
    %mul3A_22 = arith.constant 640 : i32
    %mul3A_23 = arith.muli %arg1, %mul3A_22 : i32
    %mul3A_24 = arith.constant 640 : i32
    %mul3A_25 = arith.muli %arg1, %mul3A_24 : i32
    "tpu.region"() ({
      %run_scoped3A_26 = tpu.sem_alloc : memref<!tpu.dma_semaphore, #tpu.memory_space<semaphore_mem>>
      %dma_start3A_27 = arith.constant 0 : i32
      %dma_start3A_28 = tpu.memref_slice %arg6[%arg0, %mul3A_25, %dma_start3A_27] : memref<2x10240x128xf32, #tpu.memory_space<hbm>> -> memref<1x640x128xf32, #tpu.memory_space<hbm>>
      %dma_start3A_29 = tpu.memref_squeeze %dma_start3A_28 : memref<1x640x128xf32, #tpu.memory_space<hbm>> -> memref<640x128xf32, #tpu.memory_space<hbm>>
      %dma_start3A_30 = arith.constant 0 : i32
      %dma_start3A_31 = tpu.memref_slice %arg11[%mul3A_23, %dma_start3A_30] : memref<10240x128xf32, #tpu.memory_space<vmem_shared>> -> memref<640x128xf32, #tpu.memory_space<vmem_shared>>
      tpu.enqueue_dma source(%dma_start3A_31 : memref<640x128xf32, #tpu.memory_space<vmem_shared>>) target(%dma_start3A_29 : memref<640x128xf32, #tpu.memory_space<hbm>>) target_semaphore(%run_scoped3A_26 : memref<!tpu.dma_semaphore, #tpu.memory_space<semaphore_mem>>)
      %dma_wait3A_32 = arith.constant 0 : i32
      %dma_wait3A_33 = tpu.memref_slice %arg6[%arg0, %mul3A_25, %dma_wait3A_32] : memref<2x10240x128xf32, #tpu.memory_space<hbm>> -> memref<1x640x128xf32, #tpu.memory_space<hbm>>
      %dma_wait3A_34 = tpu.memref_squeeze %dma_wait3A_33 : memref<1x640x128xf32, #tpu.memory_space<hbm>> -> memref<640x128xf32, #tpu.memory_space<hbm>>
      %dma_wait3A_35 = arith.constant 0 : i32
      %dma_wait3A_36 = tpu.memref_slice %arg11[%mul3A_23, %dma_wait3A_35] : memref<10240x128xf32, #tpu.memory_space<vmem_shared>> -> memref<640x128xf32, #tpu.memory_space<vmem_shared>>
      tpu.wait_dma2 semaphore(%run_scoped3A_26 : memref<!tpu.dma_semaphore, #tpu.memory_space<semaphore_mem>>) src(%dma_wait3A_36 : memref<640x128xf32, #tpu.memory_space<vmem_shared>>) dst(%dma_wait3A_34 : memref<640x128xf32, #tpu.memory_space<hbm>>)
      tpu.yield
    }) : () -> ()
    return
  }
}

#map = affine_map<(d0, d1) -> (0, 0)>
#map1 = affine_map<(d0, d1) -> (0, 0, 0)>
module attributes {stable_mosaic.version = 14 : i64} {
  func.func @agg(%arg0: i32, %arg1: i32, %arg2: memref<20480x128xf32, #tpu.memory_space<hbm>>, %arg3: memref<32x125x80xi32, #tpu.memory_space<hbm>>, %arg4: memref<32x125x80xi32, #tpu.memory_space<hbm>>, %arg5: memref<10240x128xf32, #tpu.memory_space<hbm>>, %arg6: memref<2x10240x128xf32, #tpu.memory_space<hbm>>, %arg7: memref<125x80xi32, #tpu.memory_space<vmem>>, %arg8: memref<125x80xi32, #tpu.memory_space<vmem>>, %arg9: memref<80x128xf32, #tpu.memory_space<vmem>>, %arg10: memref<80x128xf32, #tpu.memory_space<vmem>>, %arg11: memref<10240x128xf32, #tpu.memory_space<vmem_shared>>, %arg12: memref<!tpu.dma_semaphore, #tpu.memory_space<semaphore_mem>>, %arg13: memref<!tpu.dma_semaphore, #tpu.memory_space<semaphore_mem>>) attributes {dimension_semantics = [#tpu.dimension_semantics<core_parallel>, #tpu.dimension_semantics<subcore_parallel>], iteration_bounds = array<i64: 2, 16>, scalar_prefetch = 0 : i64, scratch_operands = 7 : i64, tpu.core_type = #tpu.core_type<sc_vector_subcore>, window_params = [{transform_indices = #map}, {transform_indices = #map1}, {transform_indices = #map1}, {transform_indices = #map}, {transform_indices = #map1}]} {
    %mul3A = arith.constant 2 : i32
    %mul3A_0 = arith.muli %arg1, %mul3A : i32
    %add3A = arith.addi %mul3A_0, %arg0 : i32
    %mul3A_1 = arith.constant 640 : i32
    %mul3A_2 = arith.muli %arg1, %mul3A_1 : i32
    %mul3A_3 = arith.constant 640 : i32
    %mul3A_4 = arith.muli %arg1, %mul3A_3 : i32
    "tpu.region"() ({
      %run_scoped3A_26 = tpu.sem_alloc : memref<!tpu.dma_semaphore, #tpu.memory_space<semaphore_mem>>
      %dma_start3A_27 = arith.constant 0 : i32
      %dma_start3A_28 = tpu.memref_slice %arg11[%mul3A_4, %dma_start3A_27] : memref<10240x128xf32, #tpu.memory_space<vmem_shared>> -> memref<640x128xf32, #tpu.memory_space<vmem_shared>>
      %dma_start3A_29 = arith.constant 0 : i32
      %dma_start3A_30 = tpu.memref_slice %arg5[%mul3A_2, %dma_start3A_29] : memref<10240x128xf32, #tpu.memory_space<hbm>> -> memref<640x128xf32, #tpu.memory_space<hbm>>
      tpu.enqueue_dma source(%dma_start3A_30 : memref<640x128xf32, #tpu.memory_space<hbm>>) target(%dma_start3A_28 : memref<640x128xf32, #tpu.memory_space<vmem_shared>>) target_semaphore(%run_scoped3A_26 : memref<!tpu.dma_semaphore, #tpu.memory_space<semaphore_mem>>)
      %dma_wait3A_31 = arith.constant 0 : i32
      %dma_wait3A_32 = tpu.memref_slice %arg11[%mul3A_4, %dma_wait3A_31] : memref<10240x128xf32, #tpu.memory_space<vmem_shared>> -> memref<640x128xf32, #tpu.memory_space<vmem_shared>>
      %dma_wait3A_33 = arith.constant 0 : i32
      %dma_wait3A_34 = tpu.memref_slice %arg5[%mul3A_2, %dma_wait3A_33] : memref<10240x128xf32, #tpu.memory_space<hbm>> -> memref<640x128xf32, #tpu.memory_space<hbm>>
      tpu.wait_dma2 semaphore(%run_scoped3A_26 : memref<!tpu.dma_semaphore, #tpu.memory_space<semaphore_mem>>) src(%dma_wait3A_34 : memref<640x128xf32, #tpu.memory_space<hbm>>) dst(%dma_wait3A_32 : memref<640x128xf32, #tpu.memory_space<vmem_shared>>)
      tpu.yield
    }) : () -> ()
    "tpu.region"() ({
      %run_scoped3A_26 = tpu.sem_alloc : memref<!tpu.dma_semaphore, #tpu.memory_space<semaphore_mem>>
      %dma_start3A_27 = arith.constant 0 : i32
      %dma_start3A_28 = arith.constant 0 : i32
      %dma_start3A_29 = tpu.memref_slice %arg3[%add3A, %dma_start3A_27, %dma_start3A_28] : memref<32x125x80xi32, #tpu.memory_space<hbm>> -> memref<1x125x80xi32, #tpu.memory_space<hbm>>
      %dma_start3A_30 = tpu.memref_squeeze %dma_start3A_29 : memref<1x125x80xi32, #tpu.memory_space<hbm>> -> memref<125x80xi32, #tpu.memory_space<hbm>>
      %dma_start3A_31 = arith.constant 0 : i32
      %dma_start3A_32 = arith.constant 0 : i32
      %dma_start3A_33 = tpu.memref_slice %arg3[%add3A, %dma_start3A_31, %dma_start3A_32] : memref<32x125x80xi32, #tpu.memory_space<hbm>> -> memref<1x125x80xi32, #tpu.memory_space<hbm>>
      %dma_start3A_34 = tpu.memref_squeeze %dma_start3A_33 : memref<1x125x80xi32, #tpu.memory_space<hbm>> -> memref<125x80xi32, #tpu.memory_space<hbm>>
      tpu.enqueue_dma source(%dma_start3A_34 : memref<125x80xi32, #tpu.memory_space<hbm>>) target(%arg7 : memref<125x80xi32, #tpu.memory_space<vmem>>) target_semaphore(%run_scoped3A_26 : memref<!tpu.dma_semaphore, #tpu.memory_space<semaphore_mem>>)
      %dma_wait3A_35 = arith.constant 0 : i32
      %dma_wait3A_36 = arith.constant 0 : i32
      %dma_wait3A_37 = tpu.memref_slice %arg3[%add3A, %dma_wait3A_35, %dma_wait3A_36] : memref<32x125x80xi32, #tpu.memory_space<hbm>> -> memref<1x125x80xi32, #tpu.memory_space<hbm>>
      %dma_wait3A_38 = tpu.memref_squeeze %dma_wait3A_37 : memref<1x125x80xi32, #tpu.memory_space<hbm>> -> memref<125x80xi32, #tpu.memory_space<hbm>>
      %dma_wait3A_39 = arith.constant 0 : i32
      %dma_wait3A_40 = arith.constant 0 : i32
      %dma_wait3A_41 = tpu.memref_slice %arg3[%add3A, %dma_wait3A_39, %dma_wait3A_40] : memref<32x125x80xi32, #tpu.memory_space<hbm>> -> memref<1x125x80xi32, #tpu.memory_space<hbm>>
      %dma_wait3A_42 = tpu.memref_squeeze %dma_wait3A_41 : memref<1x125x80xi32, #tpu.memory_space<hbm>> -> memref<125x80xi32, #tpu.memory_space<hbm>>
      tpu.wait_dma2 semaphore(%run_scoped3A_26 : memref<!tpu.dma_semaphore, #tpu.memory_space<semaphore_mem>>) src(%dma_wait3A_42 : memref<125x80xi32, #tpu.memory_space<hbm>>) dst(%arg7 : memref<125x80xi32, #tpu.memory_space<vmem>>)
      tpu.yield
    }) : () -> ()
    "tpu.region"() ({
      %run_scoped3A_26 = tpu.sem_alloc : memref<!tpu.dma_semaphore, #tpu.memory_space<semaphore_mem>>
      %dma_start3A_27 = arith.constant 0 : i32
      %dma_start3A_28 = arith.constant 0 : i32
      %dma_start3A_29 = tpu.memref_slice %arg4[%add3A, %dma_start3A_27, %dma_start3A_28] : memref<32x125x80xi32, #tpu.memory_space<hbm>> -> memref<1x125x80xi32, #tpu.memory_space<hbm>>
      %dma_start3A_30 = tpu.memref_squeeze %dma_start3A_29 : memref<1x125x80xi32, #tpu.memory_space<hbm>> -> memref<125x80xi32, #tpu.memory_space<hbm>>
      %dma_start3A_31 = arith.constant 0 : i32
      %dma_start3A_32 = arith.constant 0 : i32
      %dma_start3A_33 = tpu.memref_slice %arg4[%add3A, %dma_start3A_31, %dma_start3A_32] : memref<32x125x80xi32, #tpu.memory_space<hbm>> -> memref<1x125x80xi32, #tpu.memory_space<hbm>>
      %dma_start3A_34 = tpu.memref_squeeze %dma_start3A_33 : memref<1x125x80xi32, #tpu.memory_space<hbm>> -> memref<125x80xi32, #tpu.memory_space<hbm>>
      tpu.enqueue_dma source(%dma_start3A_34 : memref<125x80xi32, #tpu.memory_space<hbm>>) target(%arg8 : memref<125x80xi32, #tpu.memory_space<vmem>>) target_semaphore(%run_scoped3A_26 : memref<!tpu.dma_semaphore, #tpu.memory_space<semaphore_mem>>)
      %dma_wait3A_35 = arith.constant 0 : i32
      %dma_wait3A_36 = arith.constant 0 : i32
      %dma_wait3A_37 = tpu.memref_slice %arg4[%add3A, %dma_wait3A_35, %dma_wait3A_36] : memref<32x125x80xi32, #tpu.memory_space<hbm>> -> memref<1x125x80xi32, #tpu.memory_space<hbm>>
      %dma_wait3A_38 = tpu.memref_squeeze %dma_wait3A_37 : memref<1x125x80xi32, #tpu.memory_space<hbm>> -> memref<125x80xi32, #tpu.memory_space<hbm>>
      %dma_wait3A_39 = arith.constant 0 : i32
      %dma_wait3A_40 = arith.constant 0 : i32
      %dma_wait3A_41 = tpu.memref_slice %arg4[%add3A, %dma_wait3A_39, %dma_wait3A_40] : memref<32x125x80xi32, #tpu.memory_space<hbm>> -> memref<1x125x80xi32, #tpu.memory_space<hbm>>
      %dma_wait3A_42 = tpu.memref_squeeze %dma_wait3A_41 : memref<1x125x80xi32, #tpu.memory_space<hbm>> -> memref<125x80xi32, #tpu.memory_space<hbm>>
      tpu.wait_dma2 semaphore(%run_scoped3A_26 : memref<!tpu.dma_semaphore, #tpu.memory_space<semaphore_mem>>) src(%dma_wait3A_42 : memref<125x80xi32, #tpu.memory_space<hbm>>) dst(%arg8 : memref<125x80xi32, #tpu.memory_space<vmem>>)
      tpu.yield
    }) : () -> ()
    %dma_start3A = arith.constant 0 : i32
    %dma_start3A_5 = arith.constant 0 : i32
    %dma_start3A_6 = tpu.memref_slice %arg7[%dma_start3A, %dma_start3A_5] : memref<125x80xi32, #tpu.memory_space<vmem>> -> memref<1x80xi32, #tpu.memory_space<vmem>>
    %dma_start3A_7 = tpu.memref_squeeze %dma_start3A_6 : memref<1x80xi32, #tpu.memory_space<vmem>> -> memref<80xi32, #tpu.memory_space<vmem>>
    %dma_start3A_8 = arith.constant 0 : i32
    %dma_start3A_9 = arith.constant 0 : i32
    %dma_start3A_10 = tpu.memref_slice %arg2[%dma_start3A_8, %dma_start3A_9] : memref<20480x128xf32, #tpu.memory_space<hbm>> -> memref<20480x128xf32, #tpu.memory_space<hbm>>
    tpu.enqueue_indirect_dma source(%dma_start3A_10 : memref<20480x128xf32, #tpu.memory_space<hbm>>) target(%arg9 : memref<80x128xf32, #tpu.memory_space<vmem>>) offsets(%dma_start3A_7 : memref<80xi32, #tpu.memory_space<vmem>>) semaphore(%arg12 : memref<!tpu.dma_semaphore, #tpu.memory_space<semaphore_mem>>)
    %scan3A = arith.constant 0 : i32
    %scan3A_11 = arith.constant 0 : i32
    %scan3A_12 = arith.constant 62 : i32
    %scan3A_13 = arith.addi %scan3A_11, %scan3A_12 : i32
    %scan3A_14 = arith.constant 1 : i32
    scf.for %scan3A_26 = %scan3A_11 to %scan3A_13 step %scan3A_14  : i32 {
      %mul3A_27 = arith.constant 2 : i32
      %mul3A_28 = arith.muli %mul3A_27, %scan3A_26 : i32
      %add3A_29 = arith.constant 1 : i32
      %add3A_30 = arith.addi %mul3A_28, %add3A_29 : i32
      %dma_start3A_31 = arith.constant 0 : i32
      %dma_start3A_32 = tpu.memref_slice %arg7[%add3A_30, %dma_start3A_31] : memref<125x80xi32, #tpu.memory_space<vmem>> -> memref<1x80xi32, #tpu.memory_space<vmem>>
      %dma_start3A_33 = tpu.memref_squeeze %dma_start3A_32 : memref<1x80xi32, #tpu.memory_space<vmem>> -> memref<80xi32, #tpu.memory_space<vmem>>
      %dma_start3A_34 = arith.constant 0 : i32
      %dma_start3A_35 = arith.constant 0 : i32
      %dma_start3A_36 = tpu.memref_slice %arg2[%dma_start3A_34, %dma_start3A_35] : memref<20480x128xf32, #tpu.memory_space<hbm>> -> memref<20480x128xf32, #tpu.memory_space<hbm>>
      tpu.enqueue_indirect_dma source(%dma_start3A_36 : memref<20480x128xf32, #tpu.memory_space<hbm>>) target(%arg10 : memref<80x128xf32, #tpu.memory_space<vmem>>) offsets(%dma_start3A_33 : memref<80xi32, #tpu.memory_space<vmem>>) semaphore(%arg13 : memref<!tpu.dma_semaphore, #tpu.memory_space<semaphore_mem>>)
      %dma_wait3A_37 = arith.constant 0 : i32
      %dma_wait3A_38 = tpu.memref_slice %arg7[%mul3A_28, %dma_wait3A_37] : memref<125x80xi32, #tpu.memory_space<vmem>> -> memref<1x80xi32, #tpu.memory_space<vmem>>
      %dma_wait3A_39 = tpu.memref_squeeze %dma_wait3A_38 : memref<1x80xi32, #tpu.memory_space<vmem>> -> memref<80xi32, #tpu.memory_space<vmem>>
      %dma_wait3A_40 = arith.constant 0 : i32
      %dma_wait3A_41 = arith.constant 0 : i32
      %dma_wait3A_42 = tpu.memref_slice %arg2[%dma_wait3A_40, %dma_wait3A_41] : memref<20480x128xf32, #tpu.memory_space<hbm>> -> memref<20480x128xf32, #tpu.memory_space<hbm>>
      tpu.wait_indirect_dma semaphore(%arg12 : memref<!tpu.dma_semaphore, #tpu.memory_space<semaphore_mem>>) src(%dma_wait3A_42 : memref<20480x128xf32, #tpu.memory_space<hbm>>) dst(%arg9 : memref<80x128xf32, #tpu.memory_space<vmem>>)
      "tpu.region"() ({
        %run_scoped3A_57 = tpu.sem_alloc : memref<!tpu.dma_semaphore, #tpu.memory_space<semaphore_mem>>
        %dma_start3A_58 = arith.constant 0 : i32
        %dma_start3A_59 = tpu.memref_slice %arg8[%mul3A_28, %dma_start3A_58] : memref<125x80xi32, #tpu.memory_space<vmem>> -> memref<1x80xi32, #tpu.memory_space<vmem>>
        %dma_start3A_60 = tpu.memref_squeeze %dma_start3A_59 : memref<1x80xi32, #tpu.memory_space<vmem>> -> memref<80xi32, #tpu.memory_space<vmem>>
        %dma_start3A_61 = arith.constant 0 : i32
        %dma_start3A_62 = arith.constant 0 : i32
        %dma_start3A_63 = tpu.memref_slice %arg11[%dma_start3A_61, %dma_start3A_62] : memref<10240x128xf32, #tpu.memory_space<vmem_shared>> -> memref<10240x128xf32, #tpu.memory_space<vmem_shared>>
        tpu.enqueue_indirect_dma source(%arg9 : memref<80x128xf32, #tpu.memory_space<vmem>>) target(%dma_start3A_63 : memref<10240x128xf32, #tpu.memory_space<vmem_shared>>) offsets(%dma_start3A_60 : memref<80xi32, #tpu.memory_space<vmem>>) semaphore(%run_scoped3A_57 : memref<!tpu.dma_semaphore, #tpu.memory_space<semaphore_mem>>) {add = true}
        %dma_wait3A_64 = arith.constant 0 : i32
        %dma_wait3A_65 = tpu.memref_slice %arg8[%mul3A_28, %dma_wait3A_64] : memref<125x80xi32, #tpu.memory_space<vmem>> -> memref<1x80xi32, #tpu.memory_space<vmem>>
        %dma_wait3A_66 = tpu.memref_squeeze %dma_wait3A_65 : memref<1x80xi32, #tpu.memory_space<vmem>> -> memref<80xi32, #tpu.memory_space<vmem>>
        %dma_wait3A_67 = arith.constant 0 : i32
        %dma_wait3A_68 = arith.constant 0 : i32
        %dma_wait3A_69 = tpu.memref_slice %arg11[%dma_wait3A_67, %dma_wait3A_68] : memref<10240x128xf32, #tpu.memory_space<vmem_shared>> -> memref<10240x128xf32, #tpu.memory_space<vmem_shared>>
        tpu.wait_indirect_dma semaphore(%run_scoped3A_57 : memref<!tpu.dma_semaphore, #tpu.memory_space<semaphore_mem>>) src(%arg9 : memref<80x128xf32, #tpu.memory_space<vmem>>) dst(%dma_wait3A_69 : memref<10240x128xf32, #tpu.memory_space<vmem_shared>>)
        tpu.yield
      }) : () -> ()
      %add3A_43 = arith.constant 2 : i32
      %add3A_44 = arith.addi %mul3A_28, %add3A_43 : i32
      %dma_start3A_45 = arith.constant 0 : i32
      %dma_start3A_46 = tpu.memref_slice %arg7[%add3A_44, %dma_start3A_45] : memref<125x80xi32, #tpu.memory_space<vmem>> -> memref<1x80xi32, #tpu.memory_space<vmem>>
      %dma_start3A_47 = tpu.memref_squeeze %dma_start3A_46 : memref<1x80xi32, #tpu.memory_space<vmem>> -> memref<80xi32, #tpu.memory_space<vmem>>
      %dma_start3A_48 = arith.constant 0 : i32
      %dma_start3A_49 = arith.constant 0 : i32
      %dma_start3A_50 = tpu.memref_slice %arg2[%dma_start3A_48, %dma_start3A_49] : memref<20480x128xf32, #tpu.memory_space<hbm>> -> memref<20480x128xf32, #tpu.memory_space<hbm>>
      tpu.enqueue_indirect_dma source(%dma_start3A_50 : memref<20480x128xf32, #tpu.memory_space<hbm>>) target(%arg9 : memref<80x128xf32, #tpu.memory_space<vmem>>) offsets(%dma_start3A_47 : memref<80xi32, #tpu.memory_space<vmem>>) semaphore(%arg12 : memref<!tpu.dma_semaphore, #tpu.memory_space<semaphore_mem>>)
      %dma_wait3A_51 = arith.constant 0 : i32
      %dma_wait3A_52 = tpu.memref_slice %arg7[%add3A_30, %dma_wait3A_51] : memref<125x80xi32, #tpu.memory_space<vmem>> -> memref<1x80xi32, #tpu.memory_space<vmem>>
      %dma_wait3A_53 = tpu.memref_squeeze %dma_wait3A_52 : memref<1x80xi32, #tpu.memory_space<vmem>> -> memref<80xi32, #tpu.memory_space<vmem>>
      %dma_wait3A_54 = arith.constant 0 : i32
      %dma_wait3A_55 = arith.constant 0 : i32
      %dma_wait3A_56 = tpu.memref_slice %arg2[%dma_wait3A_54, %dma_wait3A_55] : memref<20480x128xf32, #tpu.memory_space<hbm>> -> memref<20480x128xf32, #tpu.memory_space<hbm>>
      tpu.wait_indirect_dma semaphore(%arg13 : memref<!tpu.dma_semaphore, #tpu.memory_space<semaphore_mem>>) src(%dma_wait3A_56 : memref<20480x128xf32, #tpu.memory_space<hbm>>) dst(%arg10 : memref<80x128xf32, #tpu.memory_space<vmem>>)
      "tpu.region"() ({
        %run_scoped3A_57 = tpu.sem_alloc : memref<!tpu.dma_semaphore, #tpu.memory_space<semaphore_mem>>
        %dma_start3A_58 = arith.constant 0 : i32
        %dma_start3A_59 = tpu.memref_slice %arg8[%add3A_30, %dma_start3A_58] : memref<125x80xi32, #tpu.memory_space<vmem>> -> memref<1x80xi32, #tpu.memory_space<vmem>>
        %dma_start3A_60 = tpu.memref_squeeze %dma_start3A_59 : memref<1x80xi32, #tpu.memory_space<vmem>> -> memref<80xi32, #tpu.memory_space<vmem>>
        %dma_start3A_61 = arith.constant 0 : i32
        %dma_start3A_62 = arith.constant 0 : i32
        %dma_start3A_63 = tpu.memref_slice %arg11[%dma_start3A_61, %dma_start3A_62] : memref<10240x128xf32, #tpu.memory_space<vmem_shared>> -> memref<10240x128xf32, #tpu.memory_space<vmem_shared>>
        tpu.enqueue_indirect_dma source(%arg10 : memref<80x128xf32, #tpu.memory_space<vmem>>) target(%dma_start3A_63 : memref<10240x128xf32, #tpu.memory_space<vmem_shared>>) offsets(%dma_start3A_60 : memref<80xi32, #tpu.memory_space<vmem>>) semaphore(%run_scoped3A_57 : memref<!tpu.dma_semaphore, #tpu.memory_space<semaphore_mem>>) {add = true}
        %dma_wait3A_64 = arith.constant 0 : i32
        %dma_wait3A_65 = tpu.memref_slice %arg8[%add3A_30, %dma_wait3A_64] : memref<125x80xi32, #tpu.memory_space<vmem>> -> memref<1x80xi32, #tpu.memory_space<vmem>>
        %dma_wait3A_66 = tpu.memref_squeeze %dma_wait3A_65 : memref<1x80xi32, #tpu.memory_space<vmem>> -> memref<80xi32, #tpu.memory_space<vmem>>
        %dma_wait3A_67 = arith.constant 0 : i32
        %dma_wait3A_68 = arith.constant 0 : i32
        %dma_wait3A_69 = tpu.memref_slice %arg11[%dma_wait3A_67, %dma_wait3A_68] : memref<10240x128xf32, #tpu.memory_space<vmem_shared>> -> memref<10240x128xf32, #tpu.memory_space<vmem_shared>>
        tpu.wait_indirect_dma semaphore(%run_scoped3A_57 : memref<!tpu.dma_semaphore, #tpu.memory_space<semaphore_mem>>) src(%arg10 : memref<80x128xf32, #tpu.memory_space<vmem>>) dst(%dma_wait3A_69 : memref<10240x128xf32, #tpu.memory_space<vmem_shared>>)
        tpu.yield
      }) : () -> ()
    }
    %scan3A_15 = arith.constant 62 : i32
    %dma_wait3A = arith.constant 0 : i32
    %dma_wait3A_16 = arith.constant 0 : i32
    %dma_wait3A_17 = tpu.memref_slice %arg7[%dma_wait3A, %dma_wait3A_16] : memref<125x80xi32, #tpu.memory_space<vmem>> -> memref<1x80xi32, #tpu.memory_space<vmem>>
    %dma_wait3A_18 = tpu.memref_squeeze %dma_wait3A_17 : memref<1x80xi32, #tpu.memory_space<vmem>> -> memref<80xi32, #tpu.memory_space<vmem>>
    %dma_wait3A_19 = arith.constant 0 : i32
    %dma_wait3A_20 = arith.constant 0 : i32
    %dma_wait3A_21 = tpu.memref_slice %arg2[%dma_wait3A_19, %dma_wait3A_20] : memref<20480x128xf32, #tpu.memory_space<hbm>> -> memref<20480x128xf32, #tpu.memory_space<hbm>>
    tpu.wait_indirect_dma semaphore(%arg12 : memref<!tpu.dma_semaphore, #tpu.memory_space<semaphore_mem>>) src(%dma_wait3A_21 : memref<20480x128xf32, #tpu.memory_space<hbm>>) dst(%arg9 : memref<80x128xf32, #tpu.memory_space<vmem>>)
    %run_scoped3A = arith.constant 124 : i32
    "tpu.region"() ({
      %run_scoped3A_26 = tpu.sem_alloc : memref<!tpu.dma_semaphore, #tpu.memory_space<semaphore_mem>>
      %dma_start3A_27 = arith.constant 0 : i32
      %dma_start3A_28 = tpu.memref_slice %arg8[%run_scoped3A, %dma_start3A_27] : memref<125x80xi32, #tpu.memory_space<vmem>> -> memref<1x80xi32, #tpu.memory_space<vmem>>
      %dma_start3A_29 = tpu.memref_squeeze %dma_start3A_28 : memref<1x80xi32, #tpu.memory_space<vmem>> -> memref<80xi32, #tpu.memory_space<vmem>>
      %dma_start3A_30 = arith.constant 0 : i32
      %dma_start3A_31 = arith.constant 0 : i32
      %dma_start3A_32 = tpu.memref_slice %arg11[%dma_start3A_30, %dma_start3A_31] : memref<10240x128xf32, #tpu.memory_space<vmem_shared>> -> memref<10240x128xf32, #tpu.memory_space<vmem_shared>>
      tpu.enqueue_indirect_dma source(%arg9 : memref<80x128xf32, #tpu.memory_space<vmem>>) target(%dma_start3A_32 : memref<10240x128xf32, #tpu.memory_space<vmem_shared>>) offsets(%dma_start3A_29 : memref<80xi32, #tpu.memory_space<vmem>>) semaphore(%run_scoped3A_26 : memref<!tpu.dma_semaphore, #tpu.memory_space<semaphore_mem>>) {add = true}
      %dma_wait3A_33 = arith.constant 0 : i32
      %dma_wait3A_34 = tpu.memref_slice %arg8[%run_scoped3A, %dma_wait3A_33] : memref<125x80xi32, #tpu.memory_space<vmem>> -> memref<1x80xi32, #tpu.memory_space<vmem>>
      %dma_wait3A_35 = tpu.memref_squeeze %dma_wait3A_34 : memref<1x80xi32, #tpu.memory_space<vmem>> -> memref<80xi32, #tpu.memory_space<vmem>>
      %dma_wait3A_36 = arith.constant 0 : i32
      %dma_wait3A_37 = arith.constant 0 : i32
      %dma_wait3A_38 = tpu.memref_slice %arg11[%dma_wait3A_36, %dma_wait3A_37] : memref<10240x128xf32, #tpu.memory_space<vmem_shared>> -> memref<10240x128xf32, #tpu.memory_space<vmem_shared>>
      tpu.wait_indirect_dma semaphore(%run_scoped3A_26 : memref<!tpu.dma_semaphore, #tpu.memory_space<semaphore_mem>>) src(%arg9 : memref<80x128xf32, #tpu.memory_space<vmem>>) dst(%dma_wait3A_38 : memref<10240x128xf32, #tpu.memory_space<vmem_shared>>)
      tpu.yield
    }) : () -> ()
    %barrier3A = arith.constant 0 : index
    tpu.barrier barrier_id(%barrier3A)
    %mul3A_22 = arith.constant 640 : i32
    %mul3A_23 = arith.muli %arg1, %mul3A_22 : i32
    %mul3A_24 = arith.constant 640 : i32
    %mul3A_25 = arith.muli %arg1, %mul3A_24 : i32
    "tpu.region"() ({
      %run_scoped3A_26 = tpu.sem_alloc : memref<!tpu.dma_semaphore, #tpu.memory_space<semaphore_mem>>
      %dma_start3A_27 = arith.constant 0 : i32
      %dma_start3A_28 = tpu.memref_slice %arg6[%arg0, %mul3A_25, %dma_start3A_27] : memref<2x10240x128xf32, #tpu.memory_space<hbm>> -> memref<1x640x128xf32, #tpu.memory_space<hbm>>
      %dma_start3A_29 = tpu.memref_squeeze %dma_start3A_28 : memref<1x640x128xf32, #tpu.memory_space<hbm>> -> memref<640x128xf32, #tpu.memory_space<hbm>>
      %dma_start3A_30 = arith.constant 0 : i32
      %dma_start3A_31 = tpu.memref_slice %arg11[%mul3A_23, %dma_start3A_30] : memref<10240x128xf32, #tpu.memory_space<vmem_shared>> -> memref<640x128xf32, #tpu.memory_space<vmem_shared>>
      tpu.enqueue_dma source(%dma_start3A_31 : memref<640x128xf32, #tpu.memory_space<vmem_shared>>) target(%dma_start3A_29 : memref<640x128xf32, #tpu.memory_space<hbm>>) target_semaphore(%run_scoped3A_26 : memref<!tpu.dma_semaphore, #tpu.memory_space<semaphore_mem>>)
      %dma_wait3A_32 = arith.constant 0 : i32
      %dma_wait3A_33 = tpu.memref_slice %arg6[%arg0, %mul3A_25, %dma_wait3A_32] : memref<2x10240x128xf32, #tpu.memory_space<hbm>> -> memref<1x640x128xf32, #tpu.memory_space<hbm>>
      %dma_wait3A_34 = tpu.memref_squeeze %dma_wait3A_33 : memref<1x640x128xf32, #tpu.memory_space<hbm>> -> memref<640x128xf32, #tpu.memory_space<hbm>>
      %dma_wait3A_35 = arith.constant 0 : i32
      %dma_wait3A_36 = tpu.memref_slice %arg11[%mul3A_23, %dma_wait3A_35] : memref<10240x128xf32, #tpu.memory_space<vmem_shared>> -> memref<640x128xf32, #tpu.memory_space<vmem_shared>>
      tpu.wait_dma2 semaphore(%run_scoped3A_26 : memref<!tpu.dma_semaphore, #tpu.memory_space<semaphore_mem>>) src(%dma_wait3A_36 : memref<640x128xf32, #tpu.memory_space<vmem_shared>>) dst(%dma_wait3A_34 : memref<640x128xf32, #tpu.memory_space<hbm>>)
      tpu.yield
    }) : () -> ()
    return
  }
}

#map = affine_map<(d0, d1) -> (0, 0, 0)>
#map1 = affine_map<(d0, d1) -> (0, 0)>
module attributes {stable_mosaic.version = 14 : i64} {
  func.func @deg_kernel(%arg0: i32, %arg1: i32, %arg2: memref<32x250x80xi32, #tpu.memory_space<hbm>>, %arg3: memref<80x8xf32, #tpu.memory_space<hbm>>, %arg4: memref<10240x8xf32, #tpu.memory_space<hbm>>, %arg5: memref<2x10240x8xf32, #tpu.memory_space<hbm>>, %arg6: memref<250x80xi32, #tpu.memory_space<vmem>>, %arg7: memref<80x8xf32, #tpu.memory_space<vmem>>, %arg8: memref<10240x8xf32, #tpu.memory_space<vmem_shared>>) attributes {dimension_semantics = [#tpu.dimension_semantics<core_parallel>, #tpu.dimension_semantics<subcore_parallel>], iteration_bounds = array<i64: 2, 16>, scalar_prefetch = 0 : i64, scratch_operands = 3 : i64, tpu.core_type = #tpu.core_type<sc_vector_subcore>, window_params = [{transform_indices = #map}, {transform_indices = #map1}, {transform_indices = #map1}, {transform_indices = #map}]} {
    %mul3A = arith.constant 16 : i32
    %mul3A_0 = arith.muli %arg0, %mul3A : i32
    %add3A = arith.addi %mul3A_0, %arg1 : i32
    %mul3A_1 = arith.constant 640 : i32
    %mul3A_2 = arith.muli %arg1, %mul3A_1 : i32
    %mul3A_3 = arith.constant 640 : i32
    %mul3A_4 = arith.muli %arg1, %mul3A_3 : i32
    "tpu.region"() ({
      %run_scoped3A = tpu.sem_alloc : memref<!tpu.dma_semaphore, #tpu.memory_space<semaphore_mem>>
      %dma_start3A = arith.constant 0 : i32
      %dma_start3A_14 = tpu.memref_slice %arg8[%mul3A_4, %dma_start3A] : memref<10240x8xf32, #tpu.memory_space<vmem_shared>> -> memref<640x8xf32, #tpu.memory_space<vmem_shared>>
      %dma_start3A_15 = arith.constant 0 : i32
      %dma_start3A_16 = tpu.memref_slice %arg4[%mul3A_2, %dma_start3A_15] : memref<10240x8xf32, #tpu.memory_space<hbm>> -> memref<640x8xf32, #tpu.memory_space<hbm>>
      tpu.enqueue_dma source(%dma_start3A_16 : memref<640x8xf32, #tpu.memory_space<hbm>>) target(%dma_start3A_14 : memref<640x8xf32, #tpu.memory_space<vmem_shared>>) target_semaphore(%run_scoped3A : memref<!tpu.dma_semaphore, #tpu.memory_space<semaphore_mem>>)
      %dma_wait3A = arith.constant 0 : i32
      %dma_wait3A_17 = tpu.memref_slice %arg8[%mul3A_4, %dma_wait3A] : memref<10240x8xf32, #tpu.memory_space<vmem_shared>> -> memref<640x8xf32, #tpu.memory_space<vmem_shared>>
      %dma_wait3A_18 = arith.constant 0 : i32
      %dma_wait3A_19 = tpu.memref_slice %arg4[%mul3A_2, %dma_wait3A_18] : memref<10240x8xf32, #tpu.memory_space<hbm>> -> memref<640x8xf32, #tpu.memory_space<hbm>>
      tpu.wait_dma2 semaphore(%run_scoped3A : memref<!tpu.dma_semaphore, #tpu.memory_space<semaphore_mem>>) src(%dma_wait3A_19 : memref<640x8xf32, #tpu.memory_space<hbm>>) dst(%dma_wait3A_17 : memref<640x8xf32, #tpu.memory_space<vmem_shared>>)
      tpu.yield
    }) : () -> ()
    "tpu.region"() ({
      %run_scoped3A = tpu.sem_alloc : memref<!tpu.dma_semaphore, #tpu.memory_space<semaphore_mem>>
      tpu.enqueue_dma source(%arg3 : memref<80x8xf32, #tpu.memory_space<hbm>>) target(%arg7 : memref<80x8xf32, #tpu.memory_space<vmem>>) target_semaphore(%run_scoped3A : memref<!tpu.dma_semaphore, #tpu.memory_space<semaphore_mem>>)
      tpu.wait_dma2 semaphore(%run_scoped3A : memref<!tpu.dma_semaphore, #tpu.memory_space<semaphore_mem>>) src(%arg3 : memref<80x8xf32, #tpu.memory_space<hbm>>) dst(%arg7 : memref<80x8xf32, #tpu.memory_space<vmem>>)
      tpu.yield
    }) : () -> ()
    "tpu.region"() ({
      %run_scoped3A = tpu.sem_alloc : memref<!tpu.dma_semaphore, #tpu.memory_space<semaphore_mem>>
      %dma_start3A = arith.constant 0 : i32
      %dma_start3A_14 = arith.constant 0 : i32
      %dma_start3A_15 = tpu.memref_slice %arg2[%add3A, %dma_start3A, %dma_start3A_14] : memref<32x250x80xi32, #tpu.memory_space<hbm>> -> memref<1x250x80xi32, #tpu.memory_space<hbm>>
      %dma_start3A_16 = tpu.memref_squeeze %dma_start3A_15 : memref<1x250x80xi32, #tpu.memory_space<hbm>> -> memref<250x80xi32, #tpu.memory_space<hbm>>
      %dma_start3A_17 = arith.constant 0 : i32
      %dma_start3A_18 = arith.constant 0 : i32
      %dma_start3A_19 = tpu.memref_slice %arg2[%add3A, %dma_start3A_17, %dma_start3A_18] : memref<32x250x80xi32, #tpu.memory_space<hbm>> -> memref<1x250x80xi32, #tpu.memory_space<hbm>>
      %dma_start3A_20 = tpu.memref_squeeze %dma_start3A_19 : memref<1x250x80xi32, #tpu.memory_space<hbm>> -> memref<250x80xi32, #tpu.memory_space<hbm>>
      tpu.enqueue_dma source(%dma_start3A_20 : memref<250x80xi32, #tpu.memory_space<hbm>>) target(%arg6 : memref<250x80xi32, #tpu.memory_space<vmem>>) target_semaphore(%run_scoped3A : memref<!tpu.dma_semaphore, #tpu.memory_space<semaphore_mem>>)
      %dma_wait3A = arith.constant 0 : i32
      %dma_wait3A_21 = arith.constant 0 : i32
      %dma_wait3A_22 = tpu.memref_slice %arg2[%add3A, %dma_wait3A, %dma_wait3A_21] : memref<32x250x80xi32, #tpu.memory_space<hbm>> -> memref<1x250x80xi32, #tpu.memory_space<hbm>>
      %dma_wait3A_23 = tpu.memref_squeeze %dma_wait3A_22 : memref<1x250x80xi32, #tpu.memory_space<hbm>> -> memref<250x80xi32, #tpu.memory_space<hbm>>
      %dma_wait3A_24 = arith.constant 0 : i32
      %dma_wait3A_25 = arith.constant 0 : i32
      %dma_wait3A_26 = tpu.memref_slice %arg2[%add3A, %dma_wait3A_24, %dma_wait3A_25] : memref<32x250x80xi32, #tpu.memory_space<hbm>> -> memref<1x250x80xi32, #tpu.memory_space<hbm>>
      %dma_wait3A_27 = tpu.memref_squeeze %dma_wait3A_26 : memref<1x250x80xi32, #tpu.memory_space<hbm>> -> memref<250x80xi32, #tpu.memory_space<hbm>>
      tpu.wait_dma2 semaphore(%run_scoped3A : memref<!tpu.dma_semaphore, #tpu.memory_space<semaphore_mem>>) src(%dma_wait3A_27 : memref<250x80xi32, #tpu.memory_space<hbm>>) dst(%arg6 : memref<250x80xi32, #tpu.memory_space<vmem>>)
      tpu.yield
    }) : () -> ()
    %scan3A = arith.constant 0 : i32
    %scan3A_5 = arith.constant 0 : i32
    %scan3A_6 = arith.constant 250 : i32
    %scan3A_7 = arith.addi %scan3A_5, %scan3A_6 : i32
    %scan3A_8 = arith.constant 1 : i32
    scf.for %scan3A_14 = %scan3A_5 to %scan3A_7 step %scan3A_8  : i32 {
      "tpu.region"() ({
        %run_scoped3A = tpu.sem_alloc : memref<!tpu.dma_semaphore, #tpu.memory_space<semaphore_mem>>
        %dma_start3A = arith.constant 0 : i32
        %dma_start3A_15 = tpu.memref_slice %arg6[%scan3A_14, %dma_start3A] : memref<250x80xi32, #tpu.memory_space<vmem>> -> memref<1x80xi32, #tpu.memory_space<vmem>>
        %dma_start3A_16 = tpu.memref_squeeze %dma_start3A_15 : memref<1x80xi32, #tpu.memory_space<vmem>> -> memref<80xi32, #tpu.memory_space<vmem>>
        %dma_start3A_17 = arith.constant 0 : i32
        %dma_start3A_18 = arith.constant 0 : i32
        %dma_start3A_19 = tpu.memref_slice %arg8[%dma_start3A_17, %dma_start3A_18] : memref<10240x8xf32, #tpu.memory_space<vmem_shared>> -> memref<10240x8xf32, #tpu.memory_space<vmem_shared>>
        tpu.enqueue_indirect_dma source(%arg7 : memref<80x8xf32, #tpu.memory_space<vmem>>) target(%dma_start3A_19 : memref<10240x8xf32, #tpu.memory_space<vmem_shared>>) offsets(%dma_start3A_16 : memref<80xi32, #tpu.memory_space<vmem>>) semaphore(%run_scoped3A : memref<!tpu.dma_semaphore, #tpu.memory_space<semaphore_mem>>) {add = true}
        %dma_wait3A = arith.constant 0 : i32
        %dma_wait3A_20 = tpu.memref_slice %arg6[%scan3A_14, %dma_wait3A] : memref<250x80xi32, #tpu.memory_space<vmem>> -> memref<1x80xi32, #tpu.memory_space<vmem>>
        %dma_wait3A_21 = tpu.memref_squeeze %dma_wait3A_20 : memref<1x80xi32, #tpu.memory_space<vmem>> -> memref<80xi32, #tpu.memory_space<vmem>>
        %dma_wait3A_22 = arith.constant 0 : i32
        %dma_wait3A_23 = arith.constant 0 : i32
        %dma_wait3A_24 = tpu.memref_slice %arg8[%dma_wait3A_22, %dma_wait3A_23] : memref<10240x8xf32, #tpu.memory_space<vmem_shared>> -> memref<10240x8xf32, #tpu.memory_space<vmem_shared>>
        tpu.wait_indirect_dma semaphore(%run_scoped3A : memref<!tpu.dma_semaphore, #tpu.memory_space<semaphore_mem>>) src(%arg7 : memref<80x8xf32, #tpu.memory_space<vmem>>) dst(%dma_wait3A_24 : memref<10240x8xf32, #tpu.memory_space<vmem_shared>>)
        tpu.yield
      }) : () -> ()
    }
    %scan3A_9 = arith.constant 250 : i32
    %barrier3A = arith.constant 0 : index
    tpu.barrier barrier_id(%barrier3A)
    %mul3A_10 = arith.constant 640 : i32
    %mul3A_11 = arith.muli %arg1, %mul3A_10 : i32
    %mul3A_12 = arith.constant 640 : i32
    %mul3A_13 = arith.muli %arg1, %mul3A_12 : i32
    "tpu.region"() ({
      %run_scoped3A = tpu.sem_alloc : memref<!tpu.dma_semaphore, #tpu.memory_space<semaphore_mem>>
      %dma_start3A = arith.constant 0 : i32
      %dma_start3A_14 = tpu.memref_slice %arg5[%arg0, %mul3A_13, %dma_start3A] : memref<2x10240x8xf32, #tpu.memory_space<hbm>> -> memref<1x640x8xf32, #tpu.memory_space<hbm>>
      %dma_start3A_15 = tpu.memref_squeeze %dma_start3A_14 : memref<1x640x8xf32, #tpu.memory_space<hbm>> -> memref<640x8xf32, #tpu.memory_space<hbm>>
      %dma_start3A_16 = arith.constant 0 : i32
      %dma_start3A_17 = tpu.memref_slice %arg8[%mul3A_11, %dma_start3A_16] : memref<10240x8xf32, #tpu.memory_space<vmem_shared>> -> memref<640x8xf32, #tpu.memory_space<vmem_shared>>
      tpu.enqueue_dma source(%dma_start3A_17 : memref<640x8xf32, #tpu.memory_space<vmem_shared>>) target(%dma_start3A_15 : memref<640x8xf32, #tpu.memory_space<hbm>>) target_semaphore(%run_scoped3A : memref<!tpu.dma_semaphore, #tpu.memory_space<semaphore_mem>>)
      %dma_wait3A = arith.constant 0 : i32
      %dma_wait3A_18 = tpu.memref_slice %arg5[%arg0, %mul3A_13, %dma_wait3A] : memref<2x10240x8xf32, #tpu.memory_space<hbm>> -> memref<1x640x8xf32, #tpu.memory_space<hbm>>
      %dma_wait3A_19 = tpu.memref_squeeze %dma_wait3A_18 : memref<1x640x8xf32, #tpu.memory_space<hbm>> -> memref<640x8xf32, #tpu.memory_space<hbm>>
      %dma_wait3A_20 = arith.constant 0 : i32
      %dma_wait3A_21 = tpu.memref_slice %arg8[%mul3A_11, %dma_wait3A_20] : memref<10240x8xf32, #tpu.memory_space<vmem_shared>> -> memref<640x8xf32, #tpu.memory_space<vmem_shared>>
      tpu.wait_dma2 semaphore(%run_scoped3A : memref<!tpu.dma_semaphore, #tpu.memory_space<semaphore_mem>>) src(%dma_wait3A_21 : memref<640x8xf32, #tpu.memory_space<vmem_shared>>) dst(%dma_wait3A_19 : memref<640x8xf32, #tpu.memory_space<hbm>>)
      tpu.yield
    }) : () -> ()
    return
  }
}

#map = affine_map<(d0, d1) -> (0, 0)>
#map1 = affine_map<(d0, d1) -> (0, 0, 0)>
module attributes {stable_mosaic.version = 14 : i64} {
  func.func @agg(%arg0: i32, %arg1: i32, %arg2: memref<20480x48xf32, #tpu.memory_space<hbm>>, %arg3: memref<32x125x80xi32, #tpu.memory_space<hbm>>, %arg4: memref<32x125x80xi32, #tpu.memory_space<hbm>>, %arg5: memref<10240x48xf32, #tpu.memory_space<hbm>>, %arg6: memref<2x10240x48xf32, #tpu.memory_space<hbm>>, %arg7: memref<125x80xi32, #tpu.memory_space<vmem>>, %arg8: memref<125x80xi32, #tpu.memory_space<vmem>>, %arg9: memref<80x48xf32, #tpu.memory_space<vmem>>, %arg10: memref<80x48xf32, #tpu.memory_space<vmem>>, %arg11: memref<10240x48xf32, #tpu.memory_space<vmem_shared>>, %arg12: memref<!tpu.dma_semaphore, #tpu.memory_space<semaphore_mem>>, %arg13: memref<!tpu.dma_semaphore, #tpu.memory_space<semaphore_mem>>) attributes {dimension_semantics = [#tpu.dimension_semantics<core_parallel>, #tpu.dimension_semantics<subcore_parallel>], iteration_bounds = array<i64: 2, 16>, scalar_prefetch = 0 : i64, scratch_operands = 7 : i64, tpu.core_type = #tpu.core_type<sc_vector_subcore>, window_params = [{transform_indices = #map}, {transform_indices = #map1}, {transform_indices = #map1}, {transform_indices = #map}, {transform_indices = #map1}]} {
    %mul3A = arith.constant 2 : i32
    %mul3A_0 = arith.muli %arg1, %mul3A : i32
    %add3A = arith.addi %mul3A_0, %arg0 : i32
    %mul3A_1 = arith.constant 640 : i32
    %mul3A_2 = arith.muli %arg1, %mul3A_1 : i32
    %mul3A_3 = arith.constant 640 : i32
    %mul3A_4 = arith.muli %arg1, %mul3A_3 : i32
    "tpu.region"() ({
      %run_scoped3A_26 = tpu.sem_alloc : memref<!tpu.dma_semaphore, #tpu.memory_space<semaphore_mem>>
      %dma_start3A_27 = arith.constant 0 : i32
      %dma_start3A_28 = tpu.memref_slice %arg11[%mul3A_4, %dma_start3A_27] : memref<10240x48xf32, #tpu.memory_space<vmem_shared>> -> memref<640x48xf32, #tpu.memory_space<vmem_shared>>
      %dma_start3A_29 = arith.constant 0 : i32
      %dma_start3A_30 = tpu.memref_slice %arg5[%mul3A_2, %dma_start3A_29] : memref<10240x48xf32, #tpu.memory_space<hbm>> -> memref<640x48xf32, #tpu.memory_space<hbm>>
      tpu.enqueue_dma source(%dma_start3A_30 : memref<640x48xf32, #tpu.memory_space<hbm>>) target(%dma_start3A_28 : memref<640x48xf32, #tpu.memory_space<vmem_shared>>) target_semaphore(%run_scoped3A_26 : memref<!tpu.dma_semaphore, #tpu.memory_space<semaphore_mem>>)
      %dma_wait3A_31 = arith.constant 0 : i32
      %dma_wait3A_32 = tpu.memref_slice %arg11[%mul3A_4, %dma_wait3A_31] : memref<10240x48xf32, #tpu.memory_space<vmem_shared>> -> memref<640x48xf32, #tpu.memory_space<vmem_shared>>
      %dma_wait3A_33 = arith.constant 0 : i32
      %dma_wait3A_34 = tpu.memref_slice %arg5[%mul3A_2, %dma_wait3A_33] : memref<10240x48xf32, #tpu.memory_space<hbm>> -> memref<640x48xf32, #tpu.memory_space<hbm>>
      tpu.wait_dma2 semaphore(%run_scoped3A_26 : memref<!tpu.dma_semaphore, #tpu.memory_space<semaphore_mem>>) src(%dma_wait3A_34 : memref<640x48xf32, #tpu.memory_space<hbm>>) dst(%dma_wait3A_32 : memref<640x48xf32, #tpu.memory_space<vmem_shared>>)
      tpu.yield
    }) : () -> ()
    "tpu.region"() ({
      %run_scoped3A_26 = tpu.sem_alloc : memref<!tpu.dma_semaphore, #tpu.memory_space<semaphore_mem>>
      %dma_start3A_27 = arith.constant 0 : i32
      %dma_start3A_28 = arith.constant 0 : i32
      %dma_start3A_29 = tpu.memref_slice %arg3[%add3A, %dma_start3A_27, %dma_start3A_28] : memref<32x125x80xi32, #tpu.memory_space<hbm>> -> memref<1x125x80xi32, #tpu.memory_space<hbm>>
      %dma_start3A_30 = tpu.memref_squeeze %dma_start3A_29 : memref<1x125x80xi32, #tpu.memory_space<hbm>> -> memref<125x80xi32, #tpu.memory_space<hbm>>
      %dma_start3A_31 = arith.constant 0 : i32
      %dma_start3A_32 = arith.constant 0 : i32
      %dma_start3A_33 = tpu.memref_slice %arg3[%add3A, %dma_start3A_31, %dma_start3A_32] : memref<32x125x80xi32, #tpu.memory_space<hbm>> -> memref<1x125x80xi32, #tpu.memory_space<hbm>>
      %dma_start3A_34 = tpu.memref_squeeze %dma_start3A_33 : memref<1x125x80xi32, #tpu.memory_space<hbm>> -> memref<125x80xi32, #tpu.memory_space<hbm>>
      tpu.enqueue_dma source(%dma_start3A_34 : memref<125x80xi32, #tpu.memory_space<hbm>>) target(%arg7 : memref<125x80xi32, #tpu.memory_space<vmem>>) target_semaphore(%run_scoped3A_26 : memref<!tpu.dma_semaphore, #tpu.memory_space<semaphore_mem>>)
      %dma_wait3A_35 = arith.constant 0 : i32
      %dma_wait3A_36 = arith.constant 0 : i32
      %dma_wait3A_37 = tpu.memref_slice %arg3[%add3A, %dma_wait3A_35, %dma_wait3A_36] : memref<32x125x80xi32, #tpu.memory_space<hbm>> -> memref<1x125x80xi32, #tpu.memory_space<hbm>>
      %dma_wait3A_38 = tpu.memref_squeeze %dma_wait3A_37 : memref<1x125x80xi32, #tpu.memory_space<hbm>> -> memref<125x80xi32, #tpu.memory_space<hbm>>
      %dma_wait3A_39 = arith.constant 0 : i32
      %dma_wait3A_40 = arith.constant 0 : i32
      %dma_wait3A_41 = tpu.memref_slice %arg3[%add3A, %dma_wait3A_39, %dma_wait3A_40] : memref<32x125x80xi32, #tpu.memory_space<hbm>> -> memref<1x125x80xi32, #tpu.memory_space<hbm>>
      %dma_wait3A_42 = tpu.memref_squeeze %dma_wait3A_41 : memref<1x125x80xi32, #tpu.memory_space<hbm>> -> memref<125x80xi32, #tpu.memory_space<hbm>>
      tpu.wait_dma2 semaphore(%run_scoped3A_26 : memref<!tpu.dma_semaphore, #tpu.memory_space<semaphore_mem>>) src(%dma_wait3A_42 : memref<125x80xi32, #tpu.memory_space<hbm>>) dst(%arg7 : memref<125x80xi32, #tpu.memory_space<vmem>>)
      tpu.yield
    }) : () -> ()
    "tpu.region"() ({
      %run_scoped3A_26 = tpu.sem_alloc : memref<!tpu.dma_semaphore, #tpu.memory_space<semaphore_mem>>
      %dma_start3A_27 = arith.constant 0 : i32
      %dma_start3A_28 = arith.constant 0 : i32
      %dma_start3A_29 = tpu.memref_slice %arg4[%add3A, %dma_start3A_27, %dma_start3A_28] : memref<32x125x80xi32, #tpu.memory_space<hbm>> -> memref<1x125x80xi32, #tpu.memory_space<hbm>>
      %dma_start3A_30 = tpu.memref_squeeze %dma_start3A_29 : memref<1x125x80xi32, #tpu.memory_space<hbm>> -> memref<125x80xi32, #tpu.memory_space<hbm>>
      %dma_start3A_31 = arith.constant 0 : i32
      %dma_start3A_32 = arith.constant 0 : i32
      %dma_start3A_33 = tpu.memref_slice %arg4[%add3A, %dma_start3A_31, %dma_start3A_32] : memref<32x125x80xi32, #tpu.memory_space<hbm>> -> memref<1x125x80xi32, #tpu.memory_space<hbm>>
      %dma_start3A_34 = tpu.memref_squeeze %dma_start3A_33 : memref<1x125x80xi32, #tpu.memory_space<hbm>> -> memref<125x80xi32, #tpu.memory_space<hbm>>
      tpu.enqueue_dma source(%dma_start3A_34 : memref<125x80xi32, #tpu.memory_space<hbm>>) target(%arg8 : memref<125x80xi32, #tpu.memory_space<vmem>>) target_semaphore(%run_scoped3A_26 : memref<!tpu.dma_semaphore, #tpu.memory_space<semaphore_mem>>)
      %dma_wait3A_35 = arith.constant 0 : i32
      %dma_wait3A_36 = arith.constant 0 : i32
      %dma_wait3A_37 = tpu.memref_slice %arg4[%add3A, %dma_wait3A_35, %dma_wait3A_36] : memref<32x125x80xi32, #tpu.memory_space<hbm>> -> memref<1x125x80xi32, #tpu.memory_space<hbm>>
      %dma_wait3A_38 = tpu.memref_squeeze %dma_wait3A_37 : memref<1x125x80xi32, #tpu.memory_space<hbm>> -> memref<125x80xi32, #tpu.memory_space<hbm>>
      %dma_wait3A_39 = arith.constant 0 : i32
      %dma_wait3A_40 = arith.constant 0 : i32
      %dma_wait3A_41 = tpu.memref_slice %arg4[%add3A, %dma_wait3A_39, %dma_wait3A_40] : memref<32x125x80xi32, #tpu.memory_space<hbm>> -> memref<1x125x80xi32, #tpu.memory_space<hbm>>
      %dma_wait3A_42 = tpu.memref_squeeze %dma_wait3A_41 : memref<1x125x80xi32, #tpu.memory_space<hbm>> -> memref<125x80xi32, #tpu.memory_space<hbm>>
      tpu.wait_dma2 semaphore(%run_scoped3A_26 : memref<!tpu.dma_semaphore, #tpu.memory_space<semaphore_mem>>) src(%dma_wait3A_42 : memref<125x80xi32, #tpu.memory_space<hbm>>) dst(%arg8 : memref<125x80xi32, #tpu.memory_space<vmem>>)
      tpu.yield
    }) : () -> ()
    %dma_start3A = arith.constant 0 : i32
    %dma_start3A_5 = arith.constant 0 : i32
    %dma_start3A_6 = tpu.memref_slice %arg7[%dma_start3A, %dma_start3A_5] : memref<125x80xi32, #tpu.memory_space<vmem>> -> memref<1x80xi32, #tpu.memory_space<vmem>>
    %dma_start3A_7 = tpu.memref_squeeze %dma_start3A_6 : memref<1x80xi32, #tpu.memory_space<vmem>> -> memref<80xi32, #tpu.memory_space<vmem>>
    %dma_start3A_8 = arith.constant 0 : i32
    %dma_start3A_9 = arith.constant 0 : i32
    %dma_start3A_10 = tpu.memref_slice %arg2[%dma_start3A_8, %dma_start3A_9] : memref<20480x48xf32, #tpu.memory_space<hbm>> -> memref<20480x48xf32, #tpu.memory_space<hbm>>
    tpu.enqueue_indirect_dma source(%dma_start3A_10 : memref<20480x48xf32, #tpu.memory_space<hbm>>) target(%arg9 : memref<80x48xf32, #tpu.memory_space<vmem>>) offsets(%dma_start3A_7 : memref<80xi32, #tpu.memory_space<vmem>>) semaphore(%arg12 : memref<!tpu.dma_semaphore, #tpu.memory_space<semaphore_mem>>)
    %scan3A = arith.constant 0 : i32
    %scan3A_11 = arith.constant 0 : i32
    %scan3A_12 = arith.constant 62 : i32
    %scan3A_13 = arith.addi %scan3A_11, %scan3A_12 : i32
    %scan3A_14 = arith.constant 1 : i32
    scf.for %scan3A_26 = %scan3A_11 to %scan3A_13 step %scan3A_14  : i32 {
      %mul3A_27 = arith.constant 2 : i32
      %mul3A_28 = arith.muli %mul3A_27, %scan3A_26 : i32
      %add3A_29 = arith.constant 1 : i32
      %add3A_30 = arith.addi %mul3A_28, %add3A_29 : i32
      %dma_start3A_31 = arith.constant 0 : i32
      %dma_start3A_32 = tpu.memref_slice %arg7[%add3A_30, %dma_start3A_31] : memref<125x80xi32, #tpu.memory_space<vmem>> -> memref<1x80xi32, #tpu.memory_space<vmem>>
      %dma_start3A_33 = tpu.memref_squeeze %dma_start3A_32 : memref<1x80xi32, #tpu.memory_space<vmem>> -> memref<80xi32, #tpu.memory_space<vmem>>
      %dma_start3A_34 = arith.constant 0 : i32
      %dma_start3A_35 = arith.constant 0 : i32
      %dma_start3A_36 = tpu.memref_slice %arg2[%dma_start3A_34, %dma_start3A_35] : memref<20480x48xf32, #tpu.memory_space<hbm>> -> memref<20480x48xf32, #tpu.memory_space<hbm>>
      tpu.enqueue_indirect_dma source(%dma_start3A_36 : memref<20480x48xf32, #tpu.memory_space<hbm>>) target(%arg10 : memref<80x48xf32, #tpu.memory_space<vmem>>) offsets(%dma_start3A_33 : memref<80xi32, #tpu.memory_space<vmem>>) semaphore(%arg13 : memref<!tpu.dma_semaphore, #tpu.memory_space<semaphore_mem>>)
      %dma_wait3A_37 = arith.constant 0 : i32
      %dma_wait3A_38 = tpu.memref_slice %arg7[%mul3A_28, %dma_wait3A_37] : memref<125x80xi32, #tpu.memory_space<vmem>> -> memref<1x80xi32, #tpu.memory_space<vmem>>
      %dma_wait3A_39 = tpu.memref_squeeze %dma_wait3A_38 : memref<1x80xi32, #tpu.memory_space<vmem>> -> memref<80xi32, #tpu.memory_space<vmem>>
      %dma_wait3A_40 = arith.constant 0 : i32
      %dma_wait3A_41 = arith.constant 0 : i32
      %dma_wait3A_42 = tpu.memref_slice %arg2[%dma_wait3A_40, %dma_wait3A_41] : memref<20480x48xf32, #tpu.memory_space<hbm>> -> memref<20480x48xf32, #tpu.memory_space<hbm>>
      tpu.wait_indirect_dma semaphore(%arg12 : memref<!tpu.dma_semaphore, #tpu.memory_space<semaphore_mem>>) src(%dma_wait3A_42 : memref<20480x48xf32, #tpu.memory_space<hbm>>) dst(%arg9 : memref<80x48xf32, #tpu.memory_space<vmem>>)
      "tpu.region"() ({
        %run_scoped3A_57 = tpu.sem_alloc : memref<!tpu.dma_semaphore, #tpu.memory_space<semaphore_mem>>
        %dma_start3A_58 = arith.constant 0 : i32
        %dma_start3A_59 = tpu.memref_slice %arg8[%mul3A_28, %dma_start3A_58] : memref<125x80xi32, #tpu.memory_space<vmem>> -> memref<1x80xi32, #tpu.memory_space<vmem>>
        %dma_start3A_60 = tpu.memref_squeeze %dma_start3A_59 : memref<1x80xi32, #tpu.memory_space<vmem>> -> memref<80xi32, #tpu.memory_space<vmem>>
        %dma_start3A_61 = arith.constant 0 : i32
        %dma_start3A_62 = arith.constant 0 : i32
        %dma_start3A_63 = tpu.memref_slice %arg11[%dma_start3A_61, %dma_start3A_62] : memref<10240x48xf32, #tpu.memory_space<vmem_shared>> -> memref<10240x48xf32, #tpu.memory_space<vmem_shared>>
        tpu.enqueue_indirect_dma source(%arg9 : memref<80x48xf32, #tpu.memory_space<vmem>>) target(%dma_start3A_63 : memref<10240x48xf32, #tpu.memory_space<vmem_shared>>) offsets(%dma_start3A_60 : memref<80xi32, #tpu.memory_space<vmem>>) semaphore(%run_scoped3A_57 : memref<!tpu.dma_semaphore, #tpu.memory_space<semaphore_mem>>) {add = true}
        %dma_wait3A_64 = arith.constant 0 : i32
        %dma_wait3A_65 = tpu.memref_slice %arg8[%mul3A_28, %dma_wait3A_64] : memref<125x80xi32, #tpu.memory_space<vmem>> -> memref<1x80xi32, #tpu.memory_space<vmem>>
        %dma_wait3A_66 = tpu.memref_squeeze %dma_wait3A_65 : memref<1x80xi32, #tpu.memory_space<vmem>> -> memref<80xi32, #tpu.memory_space<vmem>>
        %dma_wait3A_67 = arith.constant 0 : i32
        %dma_wait3A_68 = arith.constant 0 : i32
        %dma_wait3A_69 = tpu.memref_slice %arg11[%dma_wait3A_67, %dma_wait3A_68] : memref<10240x48xf32, #tpu.memory_space<vmem_shared>> -> memref<10240x48xf32, #tpu.memory_space<vmem_shared>>
        tpu.wait_indirect_dma semaphore(%run_scoped3A_57 : memref<!tpu.dma_semaphore, #tpu.memory_space<semaphore_mem>>) src(%arg9 : memref<80x48xf32, #tpu.memory_space<vmem>>) dst(%dma_wait3A_69 : memref<10240x48xf32, #tpu.memory_space<vmem_shared>>)
        tpu.yield
      }) : () -> ()
      %add3A_43 = arith.constant 2 : i32
      %add3A_44 = arith.addi %mul3A_28, %add3A_43 : i32
      %dma_start3A_45 = arith.constant 0 : i32
      %dma_start3A_46 = tpu.memref_slice %arg7[%add3A_44, %dma_start3A_45] : memref<125x80xi32, #tpu.memory_space<vmem>> -> memref<1x80xi32, #tpu.memory_space<vmem>>
      %dma_start3A_47 = tpu.memref_squeeze %dma_start3A_46 : memref<1x80xi32, #tpu.memory_space<vmem>> -> memref<80xi32, #tpu.memory_space<vmem>>
      %dma_start3A_48 = arith.constant 0 : i32
      %dma_start3A_49 = arith.constant 0 : i32
      %dma_start3A_50 = tpu.memref_slice %arg2[%dma_start3A_48, %dma_start3A_49] : memref<20480x48xf32, #tpu.memory_space<hbm>> -> memref<20480x48xf32, #tpu.memory_space<hbm>>
      tpu.enqueue_indirect_dma source(%dma_start3A_50 : memref<20480x48xf32, #tpu.memory_space<hbm>>) target(%arg9 : memref<80x48xf32, #tpu.memory_space<vmem>>) offsets(%dma_start3A_47 : memref<80xi32, #tpu.memory_space<vmem>>) semaphore(%arg12 : memref<!tpu.dma_semaphore, #tpu.memory_space<semaphore_mem>>)
      %dma_wait3A_51 = arith.constant 0 : i32
      %dma_wait3A_52 = tpu.memref_slice %arg7[%add3A_30, %dma_wait3A_51] : memref<125x80xi32, #tpu.memory_space<vmem>> -> memref<1x80xi32, #tpu.memory_space<vmem>>
      %dma_wait3A_53 = tpu.memref_squeeze %dma_wait3A_52 : memref<1x80xi32, #tpu.memory_space<vmem>> -> memref<80xi32, #tpu.memory_space<vmem>>
      %dma_wait3A_54 = arith.constant 0 : i32
      %dma_wait3A_55 = arith.constant 0 : i32
      %dma_wait3A_56 = tpu.memref_slice %arg2[%dma_wait3A_54, %dma_wait3A_55] : memref<20480x48xf32, #tpu.memory_space<hbm>> -> memref<20480x48xf32, #tpu.memory_space<hbm>>
      tpu.wait_indirect_dma semaphore(%arg13 : memref<!tpu.dma_semaphore, #tpu.memory_space<semaphore_mem>>) src(%dma_wait3A_56 : memref<20480x48xf32, #tpu.memory_space<hbm>>) dst(%arg10 : memref<80x48xf32, #tpu.memory_space<vmem>>)
      "tpu.region"() ({
        %run_scoped3A_57 = tpu.sem_alloc : memref<!tpu.dma_semaphore, #tpu.memory_space<semaphore_mem>>
        %dma_start3A_58 = arith.constant 0 : i32
        %dma_start3A_59 = tpu.memref_slice %arg8[%add3A_30, %dma_start3A_58] : memref<125x80xi32, #tpu.memory_space<vmem>> -> memref<1x80xi32, #tpu.memory_space<vmem>>
        %dma_start3A_60 = tpu.memref_squeeze %dma_start3A_59 : memref<1x80xi32, #tpu.memory_space<vmem>> -> memref<80xi32, #tpu.memory_space<vmem>>
        %dma_start3A_61 = arith.constant 0 : i32
        %dma_start3A_62 = arith.constant 0 : i32
        %dma_start3A_63 = tpu.memref_slice %arg11[%dma_start3A_61, %dma_start3A_62] : memref<10240x48xf32, #tpu.memory_space<vmem_shared>> -> memref<10240x48xf32, #tpu.memory_space<vmem_shared>>
        tpu.enqueue_indirect_dma source(%arg10 : memref<80x48xf32, #tpu.memory_space<vmem>>) target(%dma_start3A_63 : memref<10240x48xf32, #tpu.memory_space<vmem_shared>>) offsets(%dma_start3A_60 : memref<80xi32, #tpu.memory_space<vmem>>) semaphore(%run_scoped3A_57 : memref<!tpu.dma_semaphore, #tpu.memory_space<semaphore_mem>>) {add = true}
        %dma_wait3A_64 = arith.constant 0 : i32
        %dma_wait3A_65 = tpu.memref_slice %arg8[%add3A_30, %dma_wait3A_64] : memref<125x80xi32, #tpu.memory_space<vmem>> -> memref<1x80xi32, #tpu.memory_space<vmem>>
        %dma_wait3A_66 = tpu.memref_squeeze %dma_wait3A_65 : memref<1x80xi32, #tpu.memory_space<vmem>> -> memref<80xi32, #tpu.memory_space<vmem>>
        %dma_wait3A_67 = arith.constant 0 : i32
        %dma_wait3A_68 = arith.constant 0 : i32
        %dma_wait3A_69 = tpu.memref_slice %arg11[%dma_wait3A_67, %dma_wait3A_68] : memref<10240x48xf32, #tpu.memory_space<vmem_shared>> -> memref<10240x48xf32, #tpu.memory_space<vmem_shared>>
        tpu.wait_indirect_dma semaphore(%run_scoped3A_57 : memref<!tpu.dma_semaphore, #tpu.memory_space<semaphore_mem>>) src(%arg10 : memref<80x48xf32, #tpu.memory_space<vmem>>) dst(%dma_wait3A_69 : memref<10240x48xf32, #tpu.memory_space<vmem_shared>>)
        tpu.yield
      }) : () -> ()
    }
    %scan3A_15 = arith.constant 62 : i32
    %dma_wait3A = arith.constant 0 : i32
    %dma_wait3A_16 = arith.constant 0 : i32
    %dma_wait3A_17 = tpu.memref_slice %arg7[%dma_wait3A, %dma_wait3A_16] : memref<125x80xi32, #tpu.memory_space<vmem>> -> memref<1x80xi32, #tpu.memory_space<vmem>>
    %dma_wait3A_18 = tpu.memref_squeeze %dma_wait3A_17 : memref<1x80xi32, #tpu.memory_space<vmem>> -> memref<80xi32, #tpu.memory_space<vmem>>
    %dma_wait3A_19 = arith.constant 0 : i32
    %dma_wait3A_20 = arith.constant 0 : i32
    %dma_wait3A_21 = tpu.memref_slice %arg2[%dma_wait3A_19, %dma_wait3A_20] : memref<20480x48xf32, #tpu.memory_space<hbm>> -> memref<20480x48xf32, #tpu.memory_space<hbm>>
    tpu.wait_indirect_dma semaphore(%arg12 : memref<!tpu.dma_semaphore, #tpu.memory_space<semaphore_mem>>) src(%dma_wait3A_21 : memref<20480x48xf32, #tpu.memory_space<hbm>>) dst(%arg9 : memref<80x48xf32, #tpu.memory_space<vmem>>)
    %run_scoped3A = arith.constant 124 : i32
    "tpu.region"() ({
      %run_scoped3A_26 = tpu.sem_alloc : memref<!tpu.dma_semaphore, #tpu.memory_space<semaphore_mem>>
      %dma_start3A_27 = arith.constant 0 : i32
      %dma_start3A_28 = tpu.memref_slice %arg8[%run_scoped3A, %dma_start3A_27] : memref<125x80xi32, #tpu.memory_space<vmem>> -> memref<1x80xi32, #tpu.memory_space<vmem>>
      %dma_start3A_29 = tpu.memref_squeeze %dma_start3A_28 : memref<1x80xi32, #tpu.memory_space<vmem>> -> memref<80xi32, #tpu.memory_space<vmem>>
      %dma_start3A_30 = arith.constant 0 : i32
      %dma_start3A_31 = arith.constant 0 : i32
      %dma_start3A_32 = tpu.memref_slice %arg11[%dma_start3A_30, %dma_start3A_31] : memref<10240x48xf32, #tpu.memory_space<vmem_shared>> -> memref<10240x48xf32, #tpu.memory_space<vmem_shared>>
      tpu.enqueue_indirect_dma source(%arg9 : memref<80x48xf32, #tpu.memory_space<vmem>>) target(%dma_start3A_32 : memref<10240x48xf32, #tpu.memory_space<vmem_shared>>) offsets(%dma_start3A_29 : memref<80xi32, #tpu.memory_space<vmem>>) semaphore(%run_scoped3A_26 : memref<!tpu.dma_semaphore, #tpu.memory_space<semaphore_mem>>) {add = true}
      %dma_wait3A_33 = arith.constant 0 : i32
      %dma_wait3A_34 = tpu.memref_slice %arg8[%run_scoped3A, %dma_wait3A_33] : memref<125x80xi32, #tpu.memory_space<vmem>> -> memref<1x80xi32, #tpu.memory_space<vmem>>
      %dma_wait3A_35 = tpu.memref_squeeze %dma_wait3A_34 : memref<1x80xi32, #tpu.memory_space<vmem>> -> memref<80xi32, #tpu.memory_space<vmem>>
      %dma_wait3A_36 = arith.constant 0 : i32
      %dma_wait3A_37 = arith.constant 0 : i32
      %dma_wait3A_38 = tpu.memref_slice %arg11[%dma_wait3A_36, %dma_wait3A_37] : memref<10240x48xf32, #tpu.memory_space<vmem_shared>> -> memref<10240x48xf32, #tpu.memory_space<vmem_shared>>
      tpu.wait_indirect_dma semaphore(%run_scoped3A_26 : memref<!tpu.dma_semaphore, #tpu.memory_space<semaphore_mem>>) src(%arg9 : memref<80x48xf32, #tpu.memory_space<vmem>>) dst(%dma_wait3A_38 : memref<10240x48xf32, #tpu.memory_space<vmem_shared>>)
      tpu.yield
    }) : () -> ()
    %barrier3A = arith.constant 0 : index
    tpu.barrier barrier_id(%barrier3A)
    %mul3A_22 = arith.constant 640 : i32
    %mul3A_23 = arith.muli %arg1, %mul3A_22 : i32
    %mul3A_24 = arith.constant 640 : i32
    %mul3A_25 = arith.muli %arg1, %mul3A_24 : i32
    "tpu.region"() ({
      %run_scoped3A_26 = tpu.sem_alloc : memref<!tpu.dma_semaphore, #tpu.memory_space<semaphore_mem>>
      %dma_start3A_27 = arith.constant 0 : i32
      %dma_start3A_28 = tpu.memref_slice %arg6[%arg0, %mul3A_25, %dma_start3A_27] : memref<2x10240x48xf32, #tpu.memory_space<hbm>> -> memref<1x640x48xf32, #tpu.memory_space<hbm>>
      %dma_start3A_29 = tpu.memref_squeeze %dma_start3A_28 : memref<1x640x48xf32, #tpu.memory_space<hbm>> -> memref<640x48xf32, #tpu.memory_space<hbm>>
      %dma_start3A_30 = arith.constant 0 : i32
      %dma_start3A_31 = tpu.memref_slice %arg11[%mul3A_23, %dma_start3A_30] : memref<10240x48xf32, #tpu.memory_space<vmem_shared>> -> memref<640x48xf32, #tpu.memory_space<vmem_shared>>
      tpu.enqueue_dma source(%dma_start3A_31 : memref<640x48xf32, #tpu.memory_space<vmem_shared>>) target(%dma_start3A_29 : memref<640x48xf32, #tpu.memory_space<hbm>>) target_semaphore(%run_scoped3A_26 : memref<!tpu.dma_semaphore, #tpu.memory_space<semaphore_mem>>)
      %dma_wait3A_32 = arith.constant 0 : i32
      %dma_wait3A_33 = tpu.memref_slice %arg6[%arg0, %mul3A_25, %dma_wait3A_32] : memref<2x10240x48xf32, #tpu.memory_space<hbm>> -> memref<1x640x48xf32, #tpu.memory_space<hbm>>
      %dma_wait3A_34 = tpu.memref_squeeze %dma_wait3A_33 : memref<1x640x48xf32, #tpu.memory_space<hbm>> -> memref<640x48xf32, #tpu.memory_space<hbm>>
      %dma_wait3A_35 = arith.constant 0 : i32
      %dma_wait3A_36 = tpu.memref_slice %arg11[%mul3A_23, %dma_wait3A_35] : memref<10240x48xf32, #tpu.memory_space<vmem_shared>> -> memref<640x48xf32, #tpu.memory_space<vmem_shared>>
      tpu.wait_dma2 semaphore(%run_scoped3A_26 : memref<!tpu.dma_semaphore, #tpu.memory_space<semaphore_mem>>) src(%dma_wait3A_36 : memref<640x48xf32, #tpu.memory_space<vmem_shared>>) dst(%dma_wait3A_34 : memref<640x48xf32, #tpu.memory_space<hbm>>)
      tpu.yield
    }) : () -> ()
    return
  }
}

#map = affine_map<(d0, d1) -> (0, 0)>
#map1 = affine_map<(d0, d1) -> (0, 0, 0)>
module attributes {stable_mosaic.version = 14 : i64} {
  func.func @agg(%arg0: i32, %arg1: i32, %arg2: memref<20480x48xf32, #tpu.memory_space<hbm>>, %arg3: memref<32x125x80xi32, #tpu.memory_space<hbm>>, %arg4: memref<32x125x80xi32, #tpu.memory_space<hbm>>, %arg5: memref<10240x48xf32, #tpu.memory_space<hbm>>, %arg6: memref<2x10240x48xf32, #tpu.memory_space<hbm>>, %arg7: memref<125x80xi32, #tpu.memory_space<vmem>>, %arg8: memref<125x80xi32, #tpu.memory_space<vmem>>, %arg9: memref<80x48xf32, #tpu.memory_space<vmem>>, %arg10: memref<80x48xf32, #tpu.memory_space<vmem>>, %arg11: memref<10240x48xf32, #tpu.memory_space<vmem_shared>>, %arg12: memref<!tpu.dma_semaphore, #tpu.memory_space<semaphore_mem>>, %arg13: memref<!tpu.dma_semaphore, #tpu.memory_space<semaphore_mem>>) attributes {dimension_semantics = [#tpu.dimension_semantics<core_parallel>, #tpu.dimension_semantics<subcore_parallel>], iteration_bounds = array<i64: 2, 16>, scalar_prefetch = 0 : i64, scratch_operands = 7 : i64, tpu.core_type = #tpu.core_type<sc_vector_subcore>, window_params = [{transform_indices = #map}, {transform_indices = #map1}, {transform_indices = #map1}, {transform_indices = #map}, {transform_indices = #map1}]} {
    %mul3A = arith.constant 2 : i32
    %mul3A_0 = arith.muli %arg1, %mul3A : i32
    %add3A = arith.addi %mul3A_0, %arg0 : i32
    %mul3A_1 = arith.constant 640 : i32
    %mul3A_2 = arith.muli %arg1, %mul3A_1 : i32
    %mul3A_3 = arith.constant 640 : i32
    %mul3A_4 = arith.muli %arg1, %mul3A_3 : i32
    "tpu.region"() ({
      %run_scoped3A_26 = tpu.sem_alloc : memref<!tpu.dma_semaphore, #tpu.memory_space<semaphore_mem>>
      %dma_start3A_27 = arith.constant 0 : i32
      %dma_start3A_28 = tpu.memref_slice %arg11[%mul3A_4, %dma_start3A_27] : memref<10240x48xf32, #tpu.memory_space<vmem_shared>> -> memref<640x48xf32, #tpu.memory_space<vmem_shared>>
      %dma_start3A_29 = arith.constant 0 : i32
      %dma_start3A_30 = tpu.memref_slice %arg5[%mul3A_2, %dma_start3A_29] : memref<10240x48xf32, #tpu.memory_space<hbm>> -> memref<640x48xf32, #tpu.memory_space<hbm>>
      tpu.enqueue_dma source(%dma_start3A_30 : memref<640x48xf32, #tpu.memory_space<hbm>>) target(%dma_start3A_28 : memref<640x48xf32, #tpu.memory_space<vmem_shared>>) target_semaphore(%run_scoped3A_26 : memref<!tpu.dma_semaphore, #tpu.memory_space<semaphore_mem>>)
      %dma_wait3A_31 = arith.constant 0 : i32
      %dma_wait3A_32 = tpu.memref_slice %arg11[%mul3A_4, %dma_wait3A_31] : memref<10240x48xf32, #tpu.memory_space<vmem_shared>> -> memref<640x48xf32, #tpu.memory_space<vmem_shared>>
      %dma_wait3A_33 = arith.constant 0 : i32
      %dma_wait3A_34 = tpu.memref_slice %arg5[%mul3A_2, %dma_wait3A_33] : memref<10240x48xf32, #tpu.memory_space<hbm>> -> memref<640x48xf32, #tpu.memory_space<hbm>>
      tpu.wait_dma2 semaphore(%run_scoped3A_26 : memref<!tpu.dma_semaphore, #tpu.memory_space<semaphore_mem>>) src(%dma_wait3A_34 : memref<640x48xf32, #tpu.memory_space<hbm>>) dst(%dma_wait3A_32 : memref<640x48xf32, #tpu.memory_space<vmem_shared>>)
      tpu.yield
    }) : () -> ()
    "tpu.region"() ({
      %run_scoped3A_26 = tpu.sem_alloc : memref<!tpu.dma_semaphore, #tpu.memory_space<semaphore_mem>>
      %dma_start3A_27 = arith.constant 0 : i32
      %dma_start3A_28 = arith.constant 0 : i32
      %dma_start3A_29 = tpu.memref_slice %arg3[%add3A, %dma_start3A_27, %dma_start3A_28] : memref<32x125x80xi32, #tpu.memory_space<hbm>> -> memref<1x125x80xi32, #tpu.memory_space<hbm>>
      %dma_start3A_30 = tpu.memref_squeeze %dma_start3A_29 : memref<1x125x80xi32, #tpu.memory_space<hbm>> -> memref<125x80xi32, #tpu.memory_space<hbm>>
      %dma_start3A_31 = arith.constant 0 : i32
      %dma_start3A_32 = arith.constant 0 : i32
      %dma_start3A_33 = tpu.memref_slice %arg3[%add3A, %dma_start3A_31, %dma_start3A_32] : memref<32x125x80xi32, #tpu.memory_space<hbm>> -> memref<1x125x80xi32, #tpu.memory_space<hbm>>
      %dma_start3A_34 = tpu.memref_squeeze %dma_start3A_33 : memref<1x125x80xi32, #tpu.memory_space<hbm>> -> memref<125x80xi32, #tpu.memory_space<hbm>>
      tpu.enqueue_dma source(%dma_start3A_34 : memref<125x80xi32, #tpu.memory_space<hbm>>) target(%arg7 : memref<125x80xi32, #tpu.memory_space<vmem>>) target_semaphore(%run_scoped3A_26 : memref<!tpu.dma_semaphore, #tpu.memory_space<semaphore_mem>>)
      %dma_wait3A_35 = arith.constant 0 : i32
      %dma_wait3A_36 = arith.constant 0 : i32
      %dma_wait3A_37 = tpu.memref_slice %arg3[%add3A, %dma_wait3A_35, %dma_wait3A_36] : memref<32x125x80xi32, #tpu.memory_space<hbm>> -> memref<1x125x80xi32, #tpu.memory_space<hbm>>
      %dma_wait3A_38 = tpu.memref_squeeze %dma_wait3A_37 : memref<1x125x80xi32, #tpu.memory_space<hbm>> -> memref<125x80xi32, #tpu.memory_space<hbm>>
      %dma_wait3A_39 = arith.constant 0 : i32
      %dma_wait3A_40 = arith.constant 0 : i32
      %dma_wait3A_41 = tpu.memref_slice %arg3[%add3A, %dma_wait3A_39, %dma_wait3A_40] : memref<32x125x80xi32, #tpu.memory_space<hbm>> -> memref<1x125x80xi32, #tpu.memory_space<hbm>>
      %dma_wait3A_42 = tpu.memref_squeeze %dma_wait3A_41 : memref<1x125x80xi32, #tpu.memory_space<hbm>> -> memref<125x80xi32, #tpu.memory_space<hbm>>
      tpu.wait_dma2 semaphore(%run_scoped3A_26 : memref<!tpu.dma_semaphore, #tpu.memory_space<semaphore_mem>>) src(%dma_wait3A_42 : memref<125x80xi32, #tpu.memory_space<hbm>>) dst(%arg7 : memref<125x80xi32, #tpu.memory_space<vmem>>)
      tpu.yield
    }) : () -> ()
    "tpu.region"() ({
      %run_scoped3A_26 = tpu.sem_alloc : memref<!tpu.dma_semaphore, #tpu.memory_space<semaphore_mem>>
      %dma_start3A_27 = arith.constant 0 : i32
      %dma_start3A_28 = arith.constant 0 : i32
      %dma_start3A_29 = tpu.memref_slice %arg4[%add3A, %dma_start3A_27, %dma_start3A_28] : memref<32x125x80xi32, #tpu.memory_space<hbm>> -> memref<1x125x80xi32, #tpu.memory_space<hbm>>
      %dma_start3A_30 = tpu.memref_squeeze %dma_start3A_29 : memref<1x125x80xi32, #tpu.memory_space<hbm>> -> memref<125x80xi32, #tpu.memory_space<hbm>>
      %dma_start3A_31 = arith.constant 0 : i32
      %dma_start3A_32 = arith.constant 0 : i32
      %dma_start3A_33 = tpu.memref_slice %arg4[%add3A, %dma_start3A_31, %dma_start3A_32] : memref<32x125x80xi32, #tpu.memory_space<hbm>> -> memref<1x125x80xi32, #tpu.memory_space<hbm>>
      %dma_start3A_34 = tpu.memref_squeeze %dma_start3A_33 : memref<1x125x80xi32, #tpu.memory_space<hbm>> -> memref<125x80xi32, #tpu.memory_space<hbm>>
      tpu.enqueue_dma source(%dma_start3A_34 : memref<125x80xi32, #tpu.memory_space<hbm>>) target(%arg8 : memref<125x80xi32, #tpu.memory_space<vmem>>) target_semaphore(%run_scoped3A_26 : memref<!tpu.dma_semaphore, #tpu.memory_space<semaphore_mem>>)
      %dma_wait3A_35 = arith.constant 0 : i32
      %dma_wait3A_36 = arith.constant 0 : i32
      %dma_wait3A_37 = tpu.memref_slice %arg4[%add3A, %dma_wait3A_35, %dma_wait3A_36] : memref<32x125x80xi32, #tpu.memory_space<hbm>> -> memref<1x125x80xi32, #tpu.memory_space<hbm>>
      %dma_wait3A_38 = tpu.memref_squeeze %dma_wait3A_37 : memref<1x125x80xi32, #tpu.memory_space<hbm>> -> memref<125x80xi32, #tpu.memory_space<hbm>>
      %dma_wait3A_39 = arith.constant 0 : i32
      %dma_wait3A_40 = arith.constant 0 : i32
      %dma_wait3A_41 = tpu.memref_slice %arg4[%add3A, %dma_wait3A_39, %dma_wait3A_40] : memref<32x125x80xi32, #tpu.memory_space<hbm>> -> memref<1x125x80xi32, #tpu.memory_space<hbm>>
      %dma_wait3A_42 = tpu.memref_squeeze %dma_wait3A_41 : memref<1x125x80xi32, #tpu.memory_space<hbm>> -> memref<125x80xi32, #tpu.memory_space<hbm>>
      tpu.wait_dma2 semaphore(%run_scoped3A_26 : memref<!tpu.dma_semaphore, #tpu.memory_space<semaphore_mem>>) src(%dma_wait3A_42 : memref<125x80xi32, #tpu.memory_space<hbm>>) dst(%arg8 : memref<125x80xi32, #tpu.memory_space<vmem>>)
      tpu.yield
    }) : () -> ()
    %dma_start3A = arith.constant 0 : i32
    %dma_start3A_5 = arith.constant 0 : i32
    %dma_start3A_6 = tpu.memref_slice %arg7[%dma_start3A, %dma_start3A_5] : memref<125x80xi32, #tpu.memory_space<vmem>> -> memref<1x80xi32, #tpu.memory_space<vmem>>
    %dma_start3A_7 = tpu.memref_squeeze %dma_start3A_6 : memref<1x80xi32, #tpu.memory_space<vmem>> -> memref<80xi32, #tpu.memory_space<vmem>>
    %dma_start3A_8 = arith.constant 0 : i32
    %dma_start3A_9 = arith.constant 0 : i32
    %dma_start3A_10 = tpu.memref_slice %arg2[%dma_start3A_8, %dma_start3A_9] : memref<20480x48xf32, #tpu.memory_space<hbm>> -> memref<20480x48xf32, #tpu.memory_space<hbm>>
    tpu.enqueue_indirect_dma source(%dma_start3A_10 : memref<20480x48xf32, #tpu.memory_space<hbm>>) target(%arg9 : memref<80x48xf32, #tpu.memory_space<vmem>>) offsets(%dma_start3A_7 : memref<80xi32, #tpu.memory_space<vmem>>) semaphore(%arg12 : memref<!tpu.dma_semaphore, #tpu.memory_space<semaphore_mem>>)
    %scan3A = arith.constant 0 : i32
    %scan3A_11 = arith.constant 0 : i32
    %scan3A_12 = arith.constant 62 : i32
    %scan3A_13 = arith.addi %scan3A_11, %scan3A_12 : i32
    %scan3A_14 = arith.constant 1 : i32
    scf.for %scan3A_26 = %scan3A_11 to %scan3A_13 step %scan3A_14  : i32 {
      %mul3A_27 = arith.constant 2 : i32
      %mul3A_28 = arith.muli %mul3A_27, %scan3A_26 : i32
      %add3A_29 = arith.constant 1 : i32
      %add3A_30 = arith.addi %mul3A_28, %add3A_29 : i32
      %dma_start3A_31 = arith.constant 0 : i32
      %dma_start3A_32 = tpu.memref_slice %arg7[%add3A_30, %dma_start3A_31] : memref<125x80xi32, #tpu.memory_space<vmem>> -> memref<1x80xi32, #tpu.memory_space<vmem>>
      %dma_start3A_33 = tpu.memref_squeeze %dma_start3A_32 : memref<1x80xi32, #tpu.memory_space<vmem>> -> memref<80xi32, #tpu.memory_space<vmem>>
      %dma_start3A_34 = arith.constant 0 : i32
      %dma_start3A_35 = arith.constant 0 : i32
      %dma_start3A_36 = tpu.memref_slice %arg2[%dma_start3A_34, %dma_start3A_35] : memref<20480x48xf32, #tpu.memory_space<hbm>> -> memref<20480x48xf32, #tpu.memory_space<hbm>>
      tpu.enqueue_indirect_dma source(%dma_start3A_36 : memref<20480x48xf32, #tpu.memory_space<hbm>>) target(%arg10 : memref<80x48xf32, #tpu.memory_space<vmem>>) offsets(%dma_start3A_33 : memref<80xi32, #tpu.memory_space<vmem>>) semaphore(%arg13 : memref<!tpu.dma_semaphore, #tpu.memory_space<semaphore_mem>>)
      %dma_wait3A_37 = arith.constant 0 : i32
      %dma_wait3A_38 = tpu.memref_slice %arg7[%mul3A_28, %dma_wait3A_37] : memref<125x80xi32, #tpu.memory_space<vmem>> -> memref<1x80xi32, #tpu.memory_space<vmem>>
      %dma_wait3A_39 = tpu.memref_squeeze %dma_wait3A_38 : memref<1x80xi32, #tpu.memory_space<vmem>> -> memref<80xi32, #tpu.memory_space<vmem>>
      %dma_wait3A_40 = arith.constant 0 : i32
      %dma_wait3A_41 = arith.constant 0 : i32
      %dma_wait3A_42 = tpu.memref_slice %arg2[%dma_wait3A_40, %dma_wait3A_41] : memref<20480x48xf32, #tpu.memory_space<hbm>> -> memref<20480x48xf32, #tpu.memory_space<hbm>>
      tpu.wait_indirect_dma semaphore(%arg12 : memref<!tpu.dma_semaphore, #tpu.memory_space<semaphore_mem>>) src(%dma_wait3A_42 : memref<20480x48xf32, #tpu.memory_space<hbm>>) dst(%arg9 : memref<80x48xf32, #tpu.memory_space<vmem>>)
      "tpu.region"() ({
        %run_scoped3A_57 = tpu.sem_alloc : memref<!tpu.dma_semaphore, #tpu.memory_space<semaphore_mem>>
        %dma_start3A_58 = arith.constant 0 : i32
        %dma_start3A_59 = tpu.memref_slice %arg8[%mul3A_28, %dma_start3A_58] : memref<125x80xi32, #tpu.memory_space<vmem>> -> memref<1x80xi32, #tpu.memory_space<vmem>>
        %dma_start3A_60 = tpu.memref_squeeze %dma_start3A_59 : memref<1x80xi32, #tpu.memory_space<vmem>> -> memref<80xi32, #tpu.memory_space<vmem>>
        %dma_start3A_61 = arith.constant 0 : i32
        %dma_start3A_62 = arith.constant 0 : i32
        %dma_start3A_63 = tpu.memref_slice %arg11[%dma_start3A_61, %dma_start3A_62] : memref<10240x48xf32, #tpu.memory_space<vmem_shared>> -> memref<10240x48xf32, #tpu.memory_space<vmem_shared>>
        tpu.enqueue_indirect_dma source(%arg9 : memref<80x48xf32, #tpu.memory_space<vmem>>) target(%dma_start3A_63 : memref<10240x48xf32, #tpu.memory_space<vmem_shared>>) offsets(%dma_start3A_60 : memref<80xi32, #tpu.memory_space<vmem>>) semaphore(%run_scoped3A_57 : memref<!tpu.dma_semaphore, #tpu.memory_space<semaphore_mem>>) {add = true}
        %dma_wait3A_64 = arith.constant 0 : i32
        %dma_wait3A_65 = tpu.memref_slice %arg8[%mul3A_28, %dma_wait3A_64] : memref<125x80xi32, #tpu.memory_space<vmem>> -> memref<1x80xi32, #tpu.memory_space<vmem>>
        %dma_wait3A_66 = tpu.memref_squeeze %dma_wait3A_65 : memref<1x80xi32, #tpu.memory_space<vmem>> -> memref<80xi32, #tpu.memory_space<vmem>>
        %dma_wait3A_67 = arith.constant 0 : i32
        %dma_wait3A_68 = arith.constant 0 : i32
        %dma_wait3A_69 = tpu.memref_slice %arg11[%dma_wait3A_67, %dma_wait3A_68] : memref<10240x48xf32, #tpu.memory_space<vmem_shared>> -> memref<10240x48xf32, #tpu.memory_space<vmem_shared>>
        tpu.wait_indirect_dma semaphore(%run_scoped3A_57 : memref<!tpu.dma_semaphore, #tpu.memory_space<semaphore_mem>>) src(%arg9 : memref<80x48xf32, #tpu.memory_space<vmem>>) dst(%dma_wait3A_69 : memref<10240x48xf32, #tpu.memory_space<vmem_shared>>)
        tpu.yield
      }) : () -> ()
      %add3A_43 = arith.constant 2 : i32
      %add3A_44 = arith.addi %mul3A_28, %add3A_43 : i32
      %dma_start3A_45 = arith.constant 0 : i32
      %dma_start3A_46 = tpu.memref_slice %arg7[%add3A_44, %dma_start3A_45] : memref<125x80xi32, #tpu.memory_space<vmem>> -> memref<1x80xi32, #tpu.memory_space<vmem>>
      %dma_start3A_47 = tpu.memref_squeeze %dma_start3A_46 : memref<1x80xi32, #tpu.memory_space<vmem>> -> memref<80xi32, #tpu.memory_space<vmem>>
      %dma_start3A_48 = arith.constant 0 : i32
      %dma_start3A_49 = arith.constant 0 : i32
      %dma_start3A_50 = tpu.memref_slice %arg2[%dma_start3A_48, %dma_start3A_49] : memref<20480x48xf32, #tpu.memory_space<hbm>> -> memref<20480x48xf32, #tpu.memory_space<hbm>>
      tpu.enqueue_indirect_dma source(%dma_start3A_50 : memref<20480x48xf32, #tpu.memory_space<hbm>>) target(%arg9 : memref<80x48xf32, #tpu.memory_space<vmem>>) offsets(%dma_start3A_47 : memref<80xi32, #tpu.memory_space<vmem>>) semaphore(%arg12 : memref<!tpu.dma_semaphore, #tpu.memory_space<semaphore_mem>>)
      %dma_wait3A_51 = arith.constant 0 : i32
      %dma_wait3A_52 = tpu.memref_slice %arg7[%add3A_30, %dma_wait3A_51] : memref<125x80xi32, #tpu.memory_space<vmem>> -> memref<1x80xi32, #tpu.memory_space<vmem>>
      %dma_wait3A_53 = tpu.memref_squeeze %dma_wait3A_52 : memref<1x80xi32, #tpu.memory_space<vmem>> -> memref<80xi32, #tpu.memory_space<vmem>>
      %dma_wait3A_54 = arith.constant 0 : i32
      %dma_wait3A_55 = arith.constant 0 : i32
      %dma_wait3A_56 = tpu.memref_slice %arg2[%dma_wait3A_54, %dma_wait3A_55] : memref<20480x48xf32, #tpu.memory_space<hbm>> -> memref<20480x48xf32, #tpu.memory_space<hbm>>
      tpu.wait_indirect_dma semaphore(%arg13 : memref<!tpu.dma_semaphore, #tpu.memory_space<semaphore_mem>>) src(%dma_wait3A_56 : memref<20480x48xf32, #tpu.memory_space<hbm>>) dst(%arg10 : memref<80x48xf32, #tpu.memory_space<vmem>>)
      "tpu.region"() ({
        %run_scoped3A_57 = tpu.sem_alloc : memref<!tpu.dma_semaphore, #tpu.memory_space<semaphore_mem>>
        %dma_start3A_58 = arith.constant 0 : i32
        %dma_start3A_59 = tpu.memref_slice %arg8[%add3A_30, %dma_start3A_58] : memref<125x80xi32, #tpu.memory_space<vmem>> -> memref<1x80xi32, #tpu.memory_space<vmem>>
        %dma_start3A_60 = tpu.memref_squeeze %dma_start3A_59 : memref<1x80xi32, #tpu.memory_space<vmem>> -> memref<80xi32, #tpu.memory_space<vmem>>
        %dma_start3A_61 = arith.constant 0 : i32
        %dma_start3A_62 = arith.constant 0 : i32
        %dma_start3A_63 = tpu.memref_slice %arg11[%dma_start3A_61, %dma_start3A_62] : memref<10240x48xf32, #tpu.memory_space<vmem_shared>> -> memref<10240x48xf32, #tpu.memory_space<vmem_shared>>
        tpu.enqueue_indirect_dma source(%arg10 : memref<80x48xf32, #tpu.memory_space<vmem>>) target(%dma_start3A_63 : memref<10240x48xf32, #tpu.memory_space<vmem_shared>>) offsets(%dma_start3A_60 : memref<80xi32, #tpu.memory_space<vmem>>) semaphore(%run_scoped3A_57 : memref<!tpu.dma_semaphore, #tpu.memory_space<semaphore_mem>>) {add = true}
        %dma_wait3A_64 = arith.constant 0 : i32
        %dma_wait3A_65 = tpu.memref_slice %arg8[%add3A_30, %dma_wait3A_64] : memref<125x80xi32, #tpu.memory_space<vmem>> -> memref<1x80xi32, #tpu.memory_space<vmem>>
        %dma_wait3A_66 = tpu.memref_squeeze %dma_wait3A_65 : memref<1x80xi32, #tpu.memory_space<vmem>> -> memref<80xi32, #tpu.memory_space<vmem>>
        %dma_wait3A_67 = arith.constant 0 : i32
        %dma_wait3A_68 = arith.constant 0 : i32
        %dma_wait3A_69 = tpu.memref_slice %arg11[%dma_wait3A_67, %dma_wait3A_68] : memref<10240x48xf32, #tpu.memory_space<vmem_shared>> -> memref<10240x48xf32, #tpu.memory_space<vmem_shared>>
        tpu.wait_indirect_dma semaphore(%run_scoped3A_57 : memref<!tpu.dma_semaphore, #tpu.memory_space<semaphore_mem>>) src(%arg10 : memref<80x48xf32, #tpu.memory_space<vmem>>) dst(%dma_wait3A_69 : memref<10240x48xf32, #tpu.memory_space<vmem_shared>>)
        tpu.yield
      }) : () -> ()
    }
    %scan3A_15 = arith.constant 62 : i32
    %dma_wait3A = arith.constant 0 : i32
    %dma_wait3A_16 = arith.constant 0 : i32
    %dma_wait3A_17 = tpu.memref_slice %arg7[%dma_wait3A, %dma_wait3A_16] : memref<125x80xi32, #tpu.memory_space<vmem>> -> memref<1x80xi32, #tpu.memory_space<vmem>>
    %dma_wait3A_18 = tpu.memref_squeeze %dma_wait3A_17 : memref<1x80xi32, #tpu.memory_space<vmem>> -> memref<80xi32, #tpu.memory_space<vmem>>
    %dma_wait3A_19 = arith.constant 0 : i32
    %dma_wait3A_20 = arith.constant 0 : i32
    %dma_wait3A_21 = tpu.memref_slice %arg2[%dma_wait3A_19, %dma_wait3A_20] : memref<20480x48xf32, #tpu.memory_space<hbm>> -> memref<20480x48xf32, #tpu.memory_space<hbm>>
    tpu.wait_indirect_dma semaphore(%arg12 : memref<!tpu.dma_semaphore, #tpu.memory_space<semaphore_mem>>) src(%dma_wait3A_21 : memref<20480x48xf32, #tpu.memory_space<hbm>>) dst(%arg9 : memref<80x48xf32, #tpu.memory_space<vmem>>)
    %run_scoped3A = arith.constant 124 : i32
    "tpu.region"() ({
      %run_scoped3A_26 = tpu.sem_alloc : memref<!tpu.dma_semaphore, #tpu.memory_space<semaphore_mem>>
      %dma_start3A_27 = arith.constant 0 : i32
      %dma_start3A_28 = tpu.memref_slice %arg8[%run_scoped3A, %dma_start3A_27] : memref<125x80xi32, #tpu.memory_space<vmem>> -> memref<1x80xi32, #tpu.memory_space<vmem>>
      %dma_start3A_29 = tpu.memref_squeeze %dma_start3A_28 : memref<1x80xi32, #tpu.memory_space<vmem>> -> memref<80xi32, #tpu.memory_space<vmem>>
      %dma_start3A_30 = arith.constant 0 : i32
      %dma_start3A_31 = arith.constant 0 : i32
      %dma_start3A_32 = tpu.memref_slice %arg11[%dma_start3A_30, %dma_start3A_31] : memref<10240x48xf32, #tpu.memory_space<vmem_shared>> -> memref<10240x48xf32, #tpu.memory_space<vmem_shared>>
      tpu.enqueue_indirect_dma source(%arg9 : memref<80x48xf32, #tpu.memory_space<vmem>>) target(%dma_start3A_32 : memref<10240x48xf32, #tpu.memory_space<vmem_shared>>) offsets(%dma_start3A_29 : memref<80xi32, #tpu.memory_space<vmem>>) semaphore(%run_scoped3A_26 : memref<!tpu.dma_semaphore, #tpu.memory_space<semaphore_mem>>) {add = true}
      %dma_wait3A_33 = arith.constant 0 : i32
      %dma_wait3A_34 = tpu.memref_slice %arg8[%run_scoped3A, %dma_wait3A_33] : memref<125x80xi32, #tpu.memory_space<vmem>> -> memref<1x80xi32, #tpu.memory_space<vmem>>
      %dma_wait3A_35 = tpu.memref_squeeze %dma_wait3A_34 : memref<1x80xi32, #tpu.memory_space<vmem>> -> memref<80xi32, #tpu.memory_space<vmem>>
      %dma_wait3A_36 = arith.constant 0 : i32
      %dma_wait3A_37 = arith.constant 0 : i32
      %dma_wait3A_38 = tpu.memref_slice %arg11[%dma_wait3A_36, %dma_wait3A_37] : memref<10240x48xf32, #tpu.memory_space<vmem_shared>> -> memref<10240x48xf32, #tpu.memory_space<vmem_shared>>
      tpu.wait_indirect_dma semaphore(%run_scoped3A_26 : memref<!tpu.dma_semaphore, #tpu.memory_space<semaphore_mem>>) src(%arg9 : memref<80x48xf32, #tpu.memory_space<vmem>>) dst(%dma_wait3A_38 : memref<10240x48xf32, #tpu.memory_space<vmem_shared>>)
      tpu.yield
    }) : () -> ()
    %barrier3A = arith.constant 0 : index
    tpu.barrier barrier_id(%barrier3A)
    %mul3A_22 = arith.constant 640 : i32
    %mul3A_23 = arith.muli %arg1, %mul3A_22 : i32
    %mul3A_24 = arith.constant 640 : i32
    %mul3A_25 = arith.muli %arg1, %mul3A_24 : i32
    "tpu.region"() ({
      %run_scoped3A_26 = tpu.sem_alloc : memref<!tpu.dma_semaphore, #tpu.memory_space<semaphore_mem>>
      %dma_start3A_27 = arith.constant 0 : i32
      %dma_start3A_28 = tpu.memref_slice %arg6[%arg0, %mul3A_25, %dma_start3A_27] : memref<2x10240x48xf32, #tpu.memory_space<hbm>> -> memref<1x640x48xf32, #tpu.memory_space<hbm>>
      %dma_start3A_29 = tpu.memref_squeeze %dma_start3A_28 : memref<1x640x48xf32, #tpu.memory_space<hbm>> -> memref<640x48xf32, #tpu.memory_space<hbm>>
      %dma_start3A_30 = arith.constant 0 : i32
      %dma_start3A_31 = tpu.memref_slice %arg11[%mul3A_23, %dma_start3A_30] : memref<10240x48xf32, #tpu.memory_space<vmem_shared>> -> memref<640x48xf32, #tpu.memory_space<vmem_shared>>
      tpu.enqueue_dma source(%dma_start3A_31 : memref<640x48xf32, #tpu.memory_space<vmem_shared>>) target(%dma_start3A_29 : memref<640x48xf32, #tpu.memory_space<hbm>>) target_semaphore(%run_scoped3A_26 : memref<!tpu.dma_semaphore, #tpu.memory_space<semaphore_mem>>)
      %dma_wait3A_32 = arith.constant 0 : i32
      %dma_wait3A_33 = tpu.memref_slice %arg6[%arg0, %mul3A_25, %dma_wait3A_32] : memref<2x10240x48xf32, #tpu.memory_space<hbm>> -> memref<1x640x48xf32, #tpu.memory_space<hbm>>
      %dma_wait3A_34 = tpu.memref_squeeze %dma_wait3A_33 : memref<1x640x48xf32, #tpu.memory_space<hbm>> -> memref<640x48xf32, #tpu.memory_space<hbm>>
      %dma_wait3A_35 = arith.constant 0 : i32
      %dma_wait3A_36 = tpu.memref_slice %arg11[%mul3A_23, %dma_wait3A_35] : memref<10240x48xf32, #tpu.memory_space<vmem_shared>> -> memref<640x48xf32, #tpu.memory_space<vmem_shared>>
      tpu.wait_dma2 semaphore(%run_scoped3A_26 : memref<!tpu.dma_semaphore, #tpu.memory_space<semaphore_mem>>) src(%dma_wait3A_36 : memref<640x48xf32, #tpu.memory_space<vmem_shared>>) dst(%dma_wait3A_34 : memref<640x48xf32, #tpu.memory_space<hbm>>)
      tpu.yield
    }) : () -> ()
    return
  }
}

module attributes {stable_mosaic.version = 14 : i64} {
  func.func @_stage_b_body(%arg0: i32, %arg1: memref<1024x128xf32, #tpu.memory_space<vmem>>, %arg2: memref<1024x128xf32, #tpu.memory_space<vmem>>, %arg3: memref<128x128xf32, #tpu.memory_space<vmem>>, %arg4: memref<1024x16xf32, #tpu.memory_space<vmem>>, %arg5: memref<2x1024x128xf32, #tpu.memory_space<vmem>>) attributes {dimension_semantics = [#tpu.dimension_semantics<arbitrary>], iteration_bounds = array<i64: 10>, scalar_prefetch = 0 : i64, scratch_operands = 0 : i64, tpu.core_type = #tpu.core_type<tc>, window_params = [{transform_indices = @transform_0, window_bounds = array<i64: 1024, 128>}, {transform_indices = @transform_1, window_bounds = array<i64: 1024, 128>}, {pipeline_mode = #tpu.pipeline_mode<synchronous>, transform_indices = @transform_2, window_bounds = array<i64: 128, 128>}, {transform_indices = @transform_3, window_bounds = array<i64: 1024, 16>}, {transform_indices = @transform_4, window_bounds = array<i64: 2, 1024, 128>}]} {
    %get3A = arith.constant 0 : index
    %get3A_0 = arith.constant 0 : index
    %get3A_1 = vector.load %arg4[%get3A, %get3A_0] : memref<1024x16xf32, #tpu.memory_space<vmem>>, vector<1024x16xf32>
    %slice3A = vector.extract_strided_slice %get3A_1 {offsets = [0, 0], sizes = [1024, 1], strides = [1, 1]} : vector<1024x16xf32> to vector<1024x1xf32>
    %add3A = arith.constant 1.000000e+00 : f32
    %add3A_2 = vector.broadcast %add3A : f32 to vector<1024x1xf32>
    %add3A_3 = arith.addf %slice3A, %add3A_2 : vector<1024x1xf32>
    %rsqrt3A = math.rsqrt %add3A_3 : vector<1024x1xf32>
    %slice3A_4 = vector.extract_strided_slice %get3A_1 {offsets = [0, 8], sizes = [1024, 1], strides = [1, 1]} : vector<1024x16xf32> to vector<1024x1xf32>
    %add3A_5 = arith.constant 1.000000e+00 : f32
    %add3A_6 = vector.broadcast %add3A_5 : f32 to vector<1024x1xf32>
    %add3A_7 = arith.addf %slice3A_4, %add3A_6 : vector<1024x1xf32>
    %rsqrt3A_8 = math.rsqrt %add3A_7 : vector<1024x1xf32>
    %get3A_9 = arith.constant 0 : index
    %get3A_10 = arith.constant 0 : index
    %get3A_11 = vector.load %arg3[%get3A_9, %get3A_10] : memref<128x128xf32, #tpu.memory_space<vmem>>, vector<128x128xf32>
    %get3A_12 = arith.constant 0 : index
    %get3A_13 = arith.constant 0 : index
    %get3A_14 = vector.load %arg1[%get3A_12, %get3A_13] : memref<1024x128xf32, #tpu.memory_space<vmem>>, vector<1024x128xf32>
    %dot_general3A = arith.constant dense<0.000000e+00> : vector<1024x128xf32>
    %dot_general3A_15 = tpu.matmul %get3A_14, %get3A_11, %dot_general3A {dimension_numbers = #tpu.dot_dimension_numbers<[1], [0], [0], [1], [0, 0, 1, 1], [], []>, transpose_lhs_hint = false} : vector<1024x128xf32>, vector<128x128xf32>, vector<1024x128xf32> -> vector<1024x128xf32>
    %mul3A = vector.broadcast %rsqrt3A : vector<1024x1xf32> to vector<1024x128xf32>
    %mul3A_16 = arith.mulf %dot_general3A_15, %mul3A : vector<1024x128xf32>
    %swap3A = arith.constant 0 : index
    %swap3A_17 = arith.constant 0 : index
    %swap3A_18 = arith.constant 0 : index
    %swap3A_19 = vector.load %arg5[%swap3A, %swap3A_17, %swap3A_18] : memref<2x1024x128xf32, #tpu.memory_space<vmem>>, vector<1x1024x128xf32>
    %swap3A_20 = vector.shape_cast %swap3A_19 : vector<1x1024x128xf32> to vector<1024x128xf32>
    %swap3A_21 = vector.shape_cast %mul3A_16 : vector<1024x128xf32> to vector<1x1024x128xf32>
    tpu.vector_store %arg5[%swap3A, %swap3A_17, %swap3A_18], %swap3A_21 {strides = array<i32>} : memref<2x1024x128xf32, #tpu.memory_space<vmem>>, vector<1x1024x128xf32>,
    %get3A_22 = arith.constant 0 : index
    %get3A_23 = arith.constant 0 : index
    %get3A_24 = vector.load %arg2[%get3A_22, %get3A_23] : memref<1024x128xf32, #tpu.memory_space<vmem>>, vector<1024x128xf32>
    %dot_general3A_25 = arith.constant dense<0.000000e+00> : vector<1024x128xf32>
    %dot_general3A_26 = tpu.matmul %get3A_24, %get3A_11, %dot_general3A_25 {dimension_numbers = #tpu.dot_dimension_numbers<[1], [0], [0], [1], [0, 0, 1, 1], [], []>, transpose_lhs_hint = false} : vector<1024x128xf32>, vector<128x128xf32>, vector<1024x128xf32> -> vector<1024x128xf32>
    %mul3A_27 = vector.broadcast %rsqrt3A_8 : vector<1024x1xf32> to vector<1024x128xf32>
    %mul3A_28 = arith.mulf %dot_general3A_26, %mul3A_27 : vector<1024x128xf32>
    %swap3A_29 = arith.constant 1 : index
    %swap3A_30 = arith.constant 0 : index
    %swap3A_31 = arith.constant 0 : index
    %swap3A_32 = vector.load %arg5[%swap3A_29, %swap3A_30, %swap3A_31] : memref<2x1024x128xf32, #tpu.memory_space<vmem>>, vector<1x1024x128xf32>
    %swap3A_33 = vector.shape_cast %swap3A_32 : vector<1x1024x128xf32> to vector<1024x128xf32>
    %swap3A_34 = vector.shape_cast %mul3A_28 : vector<1024x128xf32> to vector<1x1024x128xf32>
    tpu.vector_store %arg5[%swap3A_29, %swap3A_30, %swap3A_31], %swap3A_34 {strides = array<i32>} : memref<2x1024x128xf32, #tpu.memory_space<vmem>>, vector<1x1024x128xf32>,
    return
  }
  func.func @transform_0(%arg0: i32) -> (i32, i32) {
    %c0_i32 = arith.constant 0 : i32
    %c0_i32_0 = arith.constant 0 : i32
    return %arg0, %c0_i32 : i32, i32
  }
  func.func @transform_1(%arg0: i32) -> (i32, i32) {
    %c0_i32 = arith.constant 0 : i32
    %c0_i32_0 = arith.constant 0 : i32
    return %arg0, %c0_i32 : i32, i32
  }
  func.func @transform_2(%arg0: i32) -> (i32, i32) {
    %c0_i32 = arith.constant 0 : i32
    %c0_i32_0 = arith.constant 0 : i32
    %c0_i32_1 = arith.constant 0 : i32
    return %c0_i32, %c0_i32_0 : i32, i32
  }
  func.func @transform_3(%arg0: i32) -> (i32, i32) {
    %c0_i32 = arith.constant 0 : i32
    %c0_i32_0 = arith.constant 0 : i32
    return %arg0, %c0_i32 : i32, i32
  }
  func.func @transform_4(%arg0: i32) -> (i32, i32, i32) {
    %c0_i32 = arith.constant 0 : i32
    %c0_i32_0 = arith.constant 0 : i32
    %c0_i32_1 = arith.constant 0 : i32
    return %c0_i32, %arg0, %c0_i32_0 : i32, i32, i32
  }
}

module attributes {stable_mosaic.version = 14 : i64} {
  func.func @_stage_d_body(%arg0: i32, %arg1: memref<1x1024x128xf32, #tpu.memory_space<vmem>>, %arg2: memref<1x1024x128xf32, #tpu.memory_space<vmem>>, %arg3: memref<1x1024x128xf32, #tpu.memory_space<vmem>>, %arg4: memref<1x1024x128xf32, #tpu.memory_space<vmem>>, %arg5: memref<1x1024x128xf32, #tpu.memory_space<vmem>>, %arg6: memref<1x1024x128xf32, #tpu.memory_space<vmem>>, %arg7: memref<128x48xf32, #tpu.memory_space<vmem>>, %arg8: memref<1x128xf32, #tpu.memory_space<vmem>>, %arg9: memref<1024x16xf32, #tpu.memory_space<vmem>>, %arg10: memref<2x1024x48xf32, #tpu.memory_space<vmem>>) attributes {dimension_semantics = [#tpu.dimension_semantics<arbitrary>], iteration_bounds = array<i64: 10>, scalar_prefetch = 0 : i64, scratch_operands = 0 : i64, tpu.core_type = #tpu.core_type<tc>, window_params = [{transform_indices = @transform_0, window_bounds = array<i64: 1, 1024, 128>}, {transform_indices = @transform_1, window_bounds = array<i64: 1, 1024, 128>}, {transform_indices = @transform_2, window_bounds = array<i64: 1, 1024, 128>}, {transform_indices = @transform_3, window_bounds = array<i64: 1, 1024, 128>}, {transform_indices = @transform_4, window_bounds = array<i64: 1, 1024, 128>}, {transform_indices = @transform_5, window_bounds = array<i64: 1, 1024, 128>}, {pipeline_mode = #tpu.pipeline_mode<synchronous>, transform_indices = @transform_6, window_bounds = array<i64: 128, 48>}, {pipeline_mode = #tpu.pipeline_mode<synchronous>, transform_indices = @transform_7, window_bounds = array<i64: 1, 128>}, {transform_indices = @transform_8, window_bounds = array<i64: 1024, 16>}, {transform_indices = @transform_9, window_bounds = array<i64: 2, 1024, 48>}]} {
    %get3A = arith.constant 0 : index
    %get3A_0 = arith.constant 0 : index
    %get3A_1 = vector.load %arg9[%get3A, %get3A_0] : memref<1024x16xf32, #tpu.memory_space<vmem>>, vector<1024x16xf32>
    %slice3A = vector.extract_strided_slice %get3A_1 {offsets = [0, 0], sizes = [1024, 1], strides = [1, 1]} : vector<1024x16xf32> to vector<1024x1xf32>
    %add3A = arith.constant 1.000000e+00 : f32
    %add3A_2 = vector.broadcast %add3A : f32 to vector<1024x1xf32>
    %add3A_3 = arith.addf %slice3A, %add3A_2 : vector<1024x1xf32>
    %rsqrt3A = math.rsqrt %add3A_3 : vector<1024x1xf32>
    %slice3A_4 = vector.extract_strided_slice %get3A_1 {offsets = [0, 8], sizes = [1024, 1], strides = [1, 1]} : vector<1024x16xf32> to vector<1024x1xf32>
    %add3A_5 = arith.constant 1.000000e+00 : f32
    %add3A_6 = vector.broadcast %add3A_5 : f32 to vector<1024x1xf32>
    %add3A_7 = arith.addf %slice3A_4, %add3A_6 : vector<1024x1xf32>
    %rsqrt3A_8 = math.rsqrt %add3A_7 : vector<1024x1xf32>
    %get3A_9 = arith.constant 0 : index
    %get3A_10 = arith.constant 0 : index
    %get3A_11 = vector.load %arg7[%get3A_9, %get3A_10] : memref<128x48xf32, #tpu.memory_space<vmem>>, vector<128x48xf32>
    %get3A_12 = arith.constant 0 : index
    %get3A_13 = arith.constant 0 : index
    %get3A_14 = vector.load %arg8[%get3A_12, %get3A_13] : memref<1x128xf32, #tpu.memory_space<vmem>>, vector<1x128xf32>
    %get3A_15 = arith.constant 0 : index
    %get3A_16 = arith.constant 0 : index
    %get3A_17 = arith.constant 0 : index
    %get3A_18 = vector.load %arg2[%get3A_15, %get3A_16, %get3A_17] : memref<1x1024x128xf32, #tpu.memory_space<vmem>>, vector<1x1024x128xf32>
    %get3A_19 = vector.shape_cast %get3A_18 : vector<1x1024x128xf32> to vector<1024x128xf32>
    %get3A_20 = arith.constant 0 : index
    %get3A_21 = arith.constant 0 : index
    %get3A_22 = arith.constant 0 : index
    %get3A_23 = vector.load %arg3[%get3A_20, %get3A_21, %get3A_22] : memref<1x1024x128xf32, #tpu.memory_space<vmem>>, vector<1x1024x128xf32>
    %get3A_24 = vector.shape_cast %get3A_23 : vector<1x1024x128xf32> to vector<1024x128xf32>
    %add3A_25 = arith.addf %get3A_19, %get3A_24 : vector<1024x128xf32>
    %get3A_26 = arith.constant 0 : index
    %get3A_27 = arith.constant 0 : index
    %get3A_28 = arith.constant 0 : index
    %get3A_29 = vector.load %arg1[%get3A_26, %get3A_27, %get3A_28] : memref<1x1024x128xf32, #tpu.memory_space<vmem>>, vector<1x1024x128xf32>
    %get3A_30 = vector.shape_cast %get3A_29 : vector<1x1024x128xf32> to vector<1024x128xf32>
    %add3A_31 = arith.addf %add3A_25, %get3A_30 : vector<1024x128xf32>
    %mul3A = vector.broadcast %rsqrt3A : vector<1024x1xf32> to vector<1024x128xf32>
    %mul3A_32 = arith.mulf %mul3A, %add3A_31 : vector<1024x128xf32>
    %add3A_33 = vector.broadcast %get3A_14 : vector<1x128xf32> to vector<1024x128xf32>
    %add3A_34 = arith.addf %mul3A_32, %add3A_33 : vector<1024x128xf32>
    %max3A = arith.constant 0.000000e+00 : f32
    %max3A_35 = vector.broadcast %max3A : f32 to vector<1024x128xf32>
    %max3A_36 = arith.maximumf %add3A_34, %max3A_35 : vector<1024x128xf32>
    %get3A_37 = arith.constant 0 : index
    %get3A_38 = arith.constant 0 : index
    %get3A_39 = arith.constant 0 : index
    %get3A_40 = vector.load %arg5[%get3A_37, %get3A_38, %get3A_39] : memref<1x1024x128xf32, #tpu.memory_space<vmem>>, vector<1x1024x128xf32>
    %get3A_41 = vector.shape_cast %get3A_40 : vector<1x1024x128xf32> to vector<1024x128xf32>
    %get3A_42 = arith.constant 0 : index
    %get3A_43 = arith.constant 0 : index
    %get3A_44 = arith.constant 0 : index
    %get3A_45 = vector.load %arg6[%get3A_42, %get3A_43, %get3A_44] : memref<1x1024x128xf32, #tpu.memory_space<vmem>>, vector<1x1024x128xf32>
    %get3A_46 = vector.shape_cast %get3A_45 : vector<1x1024x128xf32> to vector<1024x128xf32>
    %add3A_47 = arith.addf %get3A_41, %get3A_46 : vector<1024x128xf32>
    %get3A_48 = arith.constant 0 : index
    %get3A_49 = arith.constant 0 : index
    %get3A_50 = arith.constant 0 : index
    %get3A_51 = vector.load %arg4[%get3A_48, %get3A_49, %get3A_50] : memref<1x1024x128xf32, #tpu.memory_space<vmem>>, vector<1x1024x128xf32>
    %get3A_52 = vector.shape_cast %get3A_51 : vector<1x1024x128xf32> to vector<1024x128xf32>
    %add3A_53 = arith.addf %add3A_47, %get3A_52 : vector<1024x128xf32>
    %mul3A_54 = vector.broadcast %rsqrt3A_8 : vector<1024x1xf32> to vector<1024x128xf32>
    %mul3A_55 = arith.mulf %mul3A_54, %add3A_53 : vector<1024x128xf32>
    %add3A_56 = vector.broadcast %get3A_14 : vector<1x128xf32> to vector<1024x128xf32>
    %add3A_57 = arith.addf %mul3A_55, %add3A_56 : vector<1024x128xf32>
    %max3A_58 = arith.constant 0.000000e+00 : f32
    %max3A_59 = vector.broadcast %max3A_58 : f32 to vector<1024x128xf32>
    %max3A_60 = arith.maximumf %add3A_57, %max3A_59 : vector<1024x128xf32>
    %dot_general3A = arith.constant dense<0.000000e+00> : vector<1024x48xf32>
    %dot_general3A_61 = tpu.matmul %max3A_36, %get3A_11, %dot_general3A {dimension_numbers = #tpu.dot_dimension_numbers<[1], [0], [0], [1], [0, 0, 1, 1], [], []>, transpose_lhs_hint = false} : vector<1024x128xf32>, vector<128x48xf32>, vector<1024x48xf32> -> vector<1024x48xf32>
    %mul3A_62 = vector.broadcast %rsqrt3A : vector<1024x1xf32> to vector<1024x48xf32>
    %mul3A_63 = arith.mulf %dot_general3A_61, %mul3A_62 : vector<1024x48xf32>
    %swap3A = arith.constant 0 : index
    %swap3A_64 = arith.constant 0 : index
    %swap3A_65 = arith.constant 0 : index
    %swap3A_66 = vector.load %arg10[%swap3A, %swap3A_64, %swap3A_65] : memref<2x1024x48xf32, #tpu.memory_space<vmem>>, vector<1x1024x48xf32>
    %swap3A_67 = vector.shape_cast %swap3A_66 : vector<1x1024x48xf32> to vector<1024x48xf32>
    %swap3A_68 = vector.shape_cast %mul3A_63 : vector<1024x48xf32> to vector<1x1024x48xf32>
    tpu.vector_store %arg10[%swap3A, %swap3A_64, %swap3A_65], %swap3A_68 {strides = array<i32>} : memref<2x1024x48xf32, #tpu.memory_space<vmem>>, vector<1x1024x48xf32>,
    %dot_general3A_69 = arith.constant dense<0.000000e+00> : vector<1024x48xf32>
    %dot_general3A_70 = tpu.matmul %max3A_60, %get3A_11, %dot_general3A_69 {dimension_numbers = #tpu.dot_dimension_numbers<[1], [0], [0], [1], [0, 0, 1, 1], [], []>, transpose_lhs_hint = false} : vector<1024x128xf32>, vector<128x48xf32>, vector<1024x48xf32> -> vector<1024x48xf32>
    %mul3A_71 = vector.broadcast %rsqrt3A_8 : vector<1024x1xf32> to vector<1024x48xf32>
    %mul3A_72 = arith.mulf %dot_general3A_70, %mul3A_71 : vector<1024x48xf32>
    %swap3A_73 = arith.constant 1 : index
    %swap3A_74 = arith.constant 0 : index
    %swap3A_75 = arith.constant 0 : index
    %swap3A_76 = vector.load %arg10[%swap3A_73, %swap3A_74, %swap3A_75] : memref<2x1024x48xf32, #tpu.memory_space<vmem>>, vector<1x1024x48xf32>
    %swap3A_77 = vector.shape_cast %swap3A_76 : vector<1x1024x48xf32> to vector<1024x48xf32>
    %swap3A_78 = vector.shape_cast %mul3A_72 : vector<1024x48xf32> to vector<1x1024x48xf32>
    tpu.vector_store %arg10[%swap3A_73, %swap3A_74, %swap3A_75], %swap3A_78 {strides = array<i32>} : memref<2x1024x48xf32, #tpu.memory_space<vmem>>, vector<1x1024x48xf32>,
    return
  }
  func.func @transform_0(%arg0: i32) -> (i32, i32, i32) {
    %c0_i32 = arith.constant 0 : i32
    %c0_i32_0 = arith.constant 0 : i32
    %c0_i32_1 = arith.constant 0 : i32
    return %c0_i32, %arg0, %c0_i32_0 : i32, i32, i32
  }
  func.func @transform_1(%arg0: i32) -> (i32, i32, i32) {
    %c0_i32 = arith.constant 0 : i32
    %c0_i32_0 = arith.constant 0 : i32
    %c0_i32_1 = arith.constant 0 : i32
    return %c0_i32, %arg0, %c0_i32_0 : i32, i32, i32
  }
  func.func @transform_2(%arg0: i32) -> (i32, i32, i32) {
    %c1_i32 = arith.constant 1 : i32
    %c0_i32 = arith.constant 0 : i32
    %c0_i32_0 = arith.constant 0 : i32
    return %c1_i32, %arg0, %c0_i32 : i32, i32, i32
  }
  func.func @transform_3(%arg0: i32) -> (i32, i32, i32) {
    %c1_i32 = arith.constant 1 : i32
    %c0_i32 = arith.constant 0 : i32
    %c0_i32_0 = arith.constant 0 : i32
    return %c1_i32, %arg0, %c0_i32 : i32, i32, i32
  }
  func.func @transform_4(%arg0: i32) -> (i32, i32, i32) {
    %c0_i32 = arith.constant 0 : i32
    %c0_i32_0 = arith.constant 0 : i32
    %c0_i32_1 = arith.constant 0 : i32
    return %c0_i32, %arg0, %c0_i32_0 : i32, i32, i32
  }
  func.func @transform_5(%arg0: i32) -> (i32, i32, i32) {
    %c1_i32 = arith.constant 1 : i32
    %c0_i32 = arith.constant 0 : i32
    %c0_i32_0 = arith.constant 0 : i32
    return %c1_i32, %arg0, %c0_i32 : i32, i32, i32
  }
  func.func @transform_6(%arg0: i32) -> (i32, i32) {
    %c0_i32 = arith.constant 0 : i32
    %c0_i32_0 = arith.constant 0 : i32
    %c0_i32_1 = arith.constant 0 : i32
    return %c0_i32, %c0_i32_0 : i32, i32
  }
  func.func @transform_7(%arg0: i32) -> (i32, i32) {
    %c0_i32 = arith.constant 0 : i32
    %c0_i32_0 = arith.constant 0 : i32
    %c0_i32_1 = arith.constant 0 : i32
    return %c0_i32, %c0_i32_0 : i32, i32
  }
  func.func @transform_8(%arg0: i32) -> (i32, i32) {
    %c0_i32 = arith.constant 0 : i32
    %c0_i32_0 = arith.constant 0 : i32
    return %arg0, %c0_i32 : i32, i32
  }
  func.func @transform_9(%arg0: i32) -> (i32, i32, i32) {
    %c0_i32 = arith.constant 0 : i32
    %c0_i32_0 = arith.constant 0 : i32
    %c0_i32_1 = arith.constant 0 : i32
    return %c0_i32, %arg0, %c0_i32_0 : i32, i32, i32
  }
}

module attributes {stable_mosaic.version = 14 : i64} {
  func.func @_stage_f_body(%arg0: i32, %arg1: memref<1x1000x48xf32, #tpu.memory_space<vmem>>, %arg2: memref<1x1000x48xf32, #tpu.memory_space<vmem>>, %arg3: memref<1x1000x48xf32, #tpu.memory_space<vmem>>, %arg4: memref<1x1000x48xf32, #tpu.memory_space<vmem>>, %arg5: memref<1x1000x48xf32, #tpu.memory_space<vmem>>, %arg6: memref<1x1000x48xf32, #tpu.memory_space<vmem>>, %arg7: memref<1x48xf32, #tpu.memory_space<vmem>>, %arg8: memref<1000x16xf32, #tpu.memory_space<vmem>>, %arg9: memref<1000x48xf32, #tpu.memory_space<vmem>>, %arg10: memref<1000x48xf32, #tpu.memory_space<vmem>>, %arg11: memref<1000x1xf32, #tpu.memory_space<vmem>>) attributes {dimension_semantics = [#tpu.dimension_semantics<arbitrary>], iteration_bounds = array<i64: 10>, scalar_prefetch = 0 : i64, scratch_operands = 0 : i64, tpu.core_type = #tpu.core_type<tc>, window_params = [{transform_indices = @transform_0, window_bounds = array<i64: 1, 1000, 48>}, {transform_indices = @transform_1, window_bounds = array<i64: 1, 1000, 48>}, {transform_indices = @transform_2, window_bounds = array<i64: 1, 1000, 48>}, {transform_indices = @transform_3, window_bounds = array<i64: 1, 1000, 48>}, {transform_indices = @transform_4, window_bounds = array<i64: 1, 1000, 48>}, {transform_indices = @transform_5, window_bounds = array<i64: 1, 1000, 48>}, {pipeline_mode = #tpu.pipeline_mode<synchronous>, transform_indices = @transform_6, window_bounds = array<i64: 1, 48>}, {transform_indices = @transform_7, window_bounds = array<i64: 1000, 16>}, {transform_indices = @transform_8, window_bounds = array<i64: 1000, 48>}, {transform_indices = @transform_9, window_bounds = array<i64: 1000, 48>}, {transform_indices = @transform_10, window_bounds = array<i64: 1000, 1>}]} {
    %get3A = arith.constant 0 : index
    %get3A_0 = arith.constant 0 : index
    %get3A_1 = vector.load %arg8[%get3A, %get3A_0] : memref<1000x16xf32, #tpu.memory_space<vmem>>, vector<1000x16xf32>
    %slice3A = vector.extract_strided_slice %get3A_1 {offsets = [0, 0], sizes = [1000, 1], strides = [1, 1]} : vector<1000x16xf32> to vector<1000x1xf32>
    %add3A = arith.constant 1.000000e+00 : f32
    %add3A_2 = vector.broadcast %add3A : f32 to vector<1000x1xf32>
    %add3A_3 = arith.addf %slice3A, %add3A_2 : vector<1000x1xf32>
    %rsqrt3A = math.rsqrt %add3A_3 : vector<1000x1xf32>
    %slice3A_4 = vector.extract_strided_slice %get3A_1 {offsets = [0, 8], sizes = [1000, 1], strides = [1, 1]} : vector<1000x16xf32> to vector<1000x1xf32>
    %add3A_5 = arith.constant 1.000000e+00 : f32
    %add3A_6 = vector.broadcast %add3A_5 : f32 to vector<1000x1xf32>
    %add3A_7 = arith.addf %slice3A_4, %add3A_6 : vector<1000x1xf32>
    %rsqrt3A_8 = math.rsqrt %add3A_7 : vector<1000x1xf32>
    %get3A_9 = arith.constant 0 : index
    %get3A_10 = arith.constant 0 : index
    %get3A_11 = vector.load %arg7[%get3A_9, %get3A_10] : memref<1x48xf32, #tpu.memory_space<vmem>>, vector<1x48xf32>
    %get3A_12 = arith.constant 0 : index
    %get3A_13 = arith.constant 0 : index
    %get3A_14 = arith.constant 0 : index
    %get3A_15 = vector.load %arg2[%get3A_12, %get3A_13, %get3A_14] : memref<1x1000x48xf32, #tpu.memory_space<vmem>>, vector<1x1000x48xf32>
    %get3A_16 = vector.shape_cast %get3A_15 : vector<1x1000x48xf32> to vector<1000x48xf32>
    %get3A_17 = arith.constant 0 : index
    %get3A_18 = arith.constant 0 : index
    %get3A_19 = arith.constant 0 : index
    %get3A_20 = vector.load %arg3[%get3A_17, %get3A_18, %get3A_19] : memref<1x1000x48xf32, #tpu.memory_space<vmem>>, vector<1x1000x48xf32>
    %get3A_21 = vector.shape_cast %get3A_20 : vector<1x1000x48xf32> to vector<1000x48xf32>
    %add3A_22 = arith.addf %get3A_16, %get3A_21 : vector<1000x48xf32>
    %get3A_23 = arith.constant 0 : index
    %get3A_24 = arith.constant 0 : index
    %get3A_25 = arith.constant 0 : index
    %get3A_26 = vector.load %arg1[%get3A_23, %get3A_24, %get3A_25] : memref<1x1000x48xf32, #tpu.memory_space<vmem>>, vector<1x1000x48xf32>
    %get3A_27 = vector.shape_cast %get3A_26 : vector<1x1000x48xf32> to vector<1000x48xf32>
    %add3A_28 = arith.addf %add3A_22, %get3A_27 : vector<1000x48xf32>
    %mul3A = vector.broadcast %rsqrt3A : vector<1000x1xf32> to vector<1000x48xf32>
    %mul3A_29 = arith.mulf %mul3A, %add3A_28 : vector<1000x48xf32>
    %add3A_30 = vector.broadcast %get3A_11 : vector<1x48xf32> to vector<1000x48xf32>
    %add3A_31 = arith.addf %mul3A_29, %add3A_30 : vector<1000x48xf32>
    %get3A_32 = arith.constant 0 : index
    %get3A_33 = arith.constant 0 : index
    %get3A_34 = arith.constant 0 : index
    %get3A_35 = vector.load %arg5[%get3A_32, %get3A_33, %get3A_34] : memref<1x1000x48xf32, #tpu.memory_space<vmem>>, vector<1x1000x48xf32>
    %get3A_36 = vector.shape_cast %get3A_35 : vector<1x1000x48xf32> to vector<1000x48xf32>
    %get3A_37 = arith.constant 0 : index
    %get3A_38 = arith.constant 0 : index
    %get3A_39 = arith.constant 0 : index
    %get3A_40 = vector.load %arg6[%get3A_37, %get3A_38, %get3A_39] : memref<1x1000x48xf32, #tpu.memory_space<vmem>>, vector<1x1000x48xf32>
    %get3A_41 = vector.shape_cast %get3A_40 : vector<1x1000x48xf32> to vector<1000x48xf32>
    %add3A_42 = arith.addf %get3A_36, %get3A_41 : vector<1000x48xf32>
    %get3A_43 = arith.constant 0 : index
    %get3A_44 = arith.constant 0 : index
    %get3A_45 = arith.constant 0 : index
    %get3A_46 = vector.load %arg4[%get3A_43, %get3A_44, %get3A_45] : memref<1x1000x48xf32, #tpu.memory_space<vmem>>, vector<1x1000x48xf32>
    %get3A_47 = vector.shape_cast %get3A_46 : vector<1x1000x48xf32> to vector<1000x48xf32>
    %add3A_48 = arith.addf %add3A_42, %get3A_47 : vector<1000x48xf32>
    %mul3A_49 = vector.broadcast %rsqrt3A_8 : vector<1000x1xf32> to vector<1000x48xf32>
    %mul3A_50 = arith.mulf %mul3A_49, %add3A_48 : vector<1000x48xf32>
    %add3A_51 = vector.broadcast %get3A_11 : vector<1x48xf32> to vector<1000x48xf32>
    %add3A_52 = arith.addf %mul3A_50, %add3A_51 : vector<1000x48xf32>
    %mul3A_53 = arith.mulf %add3A_31, %add3A_31 : vector<1000x48xf32>
    %reduce_sum3A = arith.constant dense<0.000000e+00> : vector<1000xf32>
    %reduce_sum3A_54 = vector.multi_reduction <add>, %mul3A_53, %reduce_sum3A [1] : vector<1000x48xf32> to vector<1000xf32>
    %broadcast_in_dim3A = vector.shape_cast %reduce_sum3A_54 : vector<1000xf32> to vector<1000x1xf32>
    %sqrt3A = math.sqrt %broadcast_in_dim3A : vector<1000x1xf32>
    %max3A = arith.constant 9.99999993E-9 : f32
    %max3A_55 = vector.broadcast %max3A : f32 to vector<1000x1xf32>
    %max3A_56 = arith.maximumf %sqrt3A, %max3A_55 : vector<1000x1xf32>
    %mul3A_57 = arith.mulf %add3A_52, %add3A_52 : vector<1000x48xf32>
    %reduce_sum3A_58 = arith.constant dense<0.000000e+00> : vector<1000xf32>
    %reduce_sum3A_59 = vector.multi_reduction <add>, %mul3A_57, %reduce_sum3A_58 [1] : vector<1000x48xf32> to vector<1000xf32>
    %broadcast_in_dim3A_60 = vector.shape_cast %reduce_sum3A_59 : vector<1000xf32> to vector<1000x1xf32>
    %sqrt3A_61 = math.sqrt %broadcast_in_dim3A_60 : vector<1000x1xf32>
    %max3A_62 = arith.constant 9.99999993E-9 : f32
    %max3A_63 = vector.broadcast %max3A_62 : f32 to vector<1000x1xf32>
    %max3A_64 = arith.maximumf %sqrt3A_61, %max3A_63 : vector<1000x1xf32>
    %mul3A_65 = arith.mulf %add3A_31, %add3A_52 : vector<1000x48xf32>
    %reduce_sum3A_66 = arith.constant dense<0.000000e+00> : vector<1000xf32>
    %reduce_sum3A_67 = vector.multi_reduction <add>, %mul3A_65, %reduce_sum3A_66 [1] : vector<1000x48xf32> to vector<1000xf32>
    %broadcast_in_dim3A_68 = vector.shape_cast %reduce_sum3A_67 : vector<1000xf32> to vector<1000x1xf32>
    %mul3A_69 = arith.mulf %max3A_56, %max3A_64 : vector<1000x1xf32>
    %div3A = arith.divf %broadcast_in_dim3A_68, %mul3A_69 : vector<1000x1xf32>
    %sub3A = arith.constant 1.000000e+00 : f32
    %sub3A_70 = vector.broadcast %sub3A : f32 to vector<1000x1xf32>
    %sub3A_71 = arith.subf %sub3A_70, %div3A : vector<1000x1xf32>
    %swap3A = arith.constant 0 : index
    %swap3A_72 = arith.constant 0 : index
    %swap3A_73 = vector.load %arg11[%swap3A, %swap3A_72] : memref<1000x1xf32, #tpu.memory_space<vmem>>, vector<1000x1xf32>
    tpu.vector_store %arg11[%swap3A, %swap3A_72], %sub3A_71 {strides = array<i32>} : memref<1000x1xf32, #tpu.memory_space<vmem>>, vector<1000x1xf32>,
    %iota3A = tpu.iota {dimensions = array<i32: 1>} : vector<1000x48xi32>
    %lt3A = arith.constant 40 : i32
    %lt3A_74 = vector.broadcast %lt3A : i32 to vector<1000x48xi32>
    %lt3A_75 = arith.cmpi slt, %iota3A, %lt3A_74 : vector<1000x48xi32>
    %jit3A = arith.constant -1.000000e+30 : f32
    %broadcast_in_dim3A_76 = vector.broadcast %jit3A : f32 to vector<1000x48xf32>
    %select_n3A = arith.select %lt3A_75, %add3A_31, %broadcast_in_dim3A_76 : vector<1000x48xi1>, vector<1000x48xf32>
    %reduce_max3A = arith.constant dense<0xFF800000> : vector<1000xf32>
    %reduce_max3A_77 = vector.multi_reduction <maximumf>, %select_n3A, %reduce_max3A [1] : vector<1000x48xf32> to vector<1000xf32>
    %broadcast_in_dim3A_78 = vector.shape_cast %reduce_max3A_77 : vector<1000xf32> to vector<1000x1xf32>
    %jit3A_79 = arith.constant -1.000000e+30 : f32
    %broadcast_in_dim3A_80 = vector.broadcast %jit3A_79 : f32 to vector<1000x48xf32>
    %select_n3A_81 = arith.select %lt3A_75, %add3A_52, %broadcast_in_dim3A_80 : vector<1000x48xi1>, vector<1000x48xf32>
    %reduce_max3A_82 = arith.constant dense<0xFF800000> : vector<1000xf32>
    %reduce_max3A_83 = vector.multi_reduction <maximumf>, %select_n3A_81, %reduce_max3A_82 [1] : vector<1000x48xf32> to vector<1000xf32>
    %broadcast_in_dim3A_84 = vector.shape_cast %reduce_max3A_83 : vector<1000xf32> to vector<1000x1xf32>
    %sub3A_85 = vector.broadcast %broadcast_in_dim3A_78 : vector<1000x1xf32> to vector<1000x48xf32>
    %sub3A_86 = arith.subf %add3A_31, %sub3A_85 : vector<1000x48xf32>
    %exp3A = math.exp %sub3A_86 : vector<1000x48xf32>
    %jit3A_87 = arith.constant 0.000000e+00 : f32
    %broadcast_in_dim3A_88 = vector.broadcast %jit3A_87 : f32 to vector<1000x48xf32>
    %select_n3A_89 = arith.select %lt3A_75, %exp3A, %broadcast_in_dim3A_88 : vector<1000x48xi1>, vector<1000x48xf32>
    %reduce_sum3A_90 = arith.constant dense<0.000000e+00> : vector<1000xf32>
    %reduce_sum3A_91 = vector.multi_reduction <add>, %select_n3A_89, %reduce_sum3A_90 [1] : vector<1000x48xf32> to vector<1000xf32>
    %broadcast_in_dim3A_92 = vector.shape_cast %reduce_sum3A_91 : vector<1000xf32> to vector<1000x1xf32>
    %log3A = math.log %broadcast_in_dim3A_92 : vector<1000x1xf32>
    %sub3A_93 = vector.broadcast %broadcast_in_dim3A_84 : vector<1000x1xf32> to vector<1000x48xf32>
    %sub3A_94 = arith.subf %add3A_52, %sub3A_93 : vector<1000x48xf32>
    %exp3A_95 = math.exp %sub3A_94 : vector<1000x48xf32>
    %jit3A_96 = arith.constant 0.000000e+00 : f32
    %broadcast_in_dim3A_97 = vector.broadcast %jit3A_96 : f32 to vector<1000x48xf32>
    %select_n3A_98 = arith.select %lt3A_75, %exp3A_95, %broadcast_in_dim3A_97 : vector<1000x48xi1>, vector<1000x48xf32>
    %reduce_sum3A_99 = arith.constant dense<0.000000e+00> : vector<1000xf32>
    %reduce_sum3A_100 = vector.multi_reduction <add>, %select_n3A_98, %reduce_sum3A_99 [1] : vector<1000x48xf32> to vector<1000xf32>
    %broadcast_in_dim3A_101 = vector.shape_cast %reduce_sum3A_100 : vector<1000xf32> to vector<1000x1xf32>
    %log3A_102 = math.log %broadcast_in_dim3A_101 : vector<1000x1xf32>
    %sub3A_103 = vector.broadcast %broadcast_in_dim3A_78 : vector<1000x1xf32> to vector<1000x48xf32>
    %sub3A_104 = arith.subf %add3A_31, %sub3A_103 : vector<1000x48xf32>
    %sub3A_105 = vector.broadcast %log3A : vector<1000x1xf32> to vector<1000x48xf32>
    %sub3A_106 = arith.subf %sub3A_104, %sub3A_105 : vector<1000x48xf32>
    %swap3A_107 = arith.constant 0 : index
    %swap3A_108 = arith.constant 0 : index
    %swap3A_109 = vector.load %arg9[%swap3A_107, %swap3A_108] : memref<1000x48xf32, #tpu.memory_space<vmem>>, vector<1000x48xf32>
    tpu.vector_store %arg9[%swap3A_107, %swap3A_108], %sub3A_106 {strides = array<i32>} : memref<1000x48xf32, #tpu.memory_space<vmem>>, vector<1000x48xf32>,
    %sub3A_110 = vector.broadcast %broadcast_in_dim3A_84 : vector<1000x1xf32> to vector<1000x48xf32>
    %sub3A_111 = arith.subf %add3A_52, %sub3A_110 : vector<1000x48xf32>
    %sub3A_112 = vector.broadcast %log3A_102 : vector<1000x1xf32> to vector<1000x48xf32>
    %sub3A_113 = arith.subf %sub3A_111, %sub3A_112 : vector<1000x48xf32>
    %swap3A_114 = arith.constant 0 : index
    %swap3A_115 = arith.constant 0 : index
    %swap3A_116 = vector.load %arg10[%swap3A_114, %swap3A_115] : memref<1000x48xf32, #tpu.memory_space<vmem>>, vector<1000x48xf32>
    tpu.vector_store %arg10[%swap3A_114, %swap3A_115], %sub3A_113 {strides = array<i32>} : memref<1000x48xf32, #tpu.memory_space<vmem>>, vector<1000x48xf32>,
    return
  }
  func.func @transform_0(%arg0: i32) -> (i32, i32, i32) {
    %c0_i32 = arith.constant 0 : i32
    %c0_i32_0 = arith.constant 0 : i32
    %c0_i32_1 = arith.constant 0 : i32
    return %c0_i32, %arg0, %c0_i32_0 : i32, i32, i32
  }
  func.func @transform_1(%arg0: i32) -> (i32, i32, i32) {
    %c0_i32 = arith.constant 0 : i32
    %c0_i32_0 = arith.constant 0 : i32
    %c0_i32_1 = arith.constant 0 : i32
    return %c0_i32, %arg0, %c0_i32_0 : i32, i32, i32
  }
  func.func @transform_2(%arg0: i32) -> (i32, i32, i32) {
    %c1_i32 = arith.constant 1 : i32
    %c0_i32 = arith.constant 0 : i32
    %c0_i32_0 = arith.constant 0 : i32
    return %c1_i32, %arg0, %c0_i32 : i32, i32, i32
  }
  func.func @transform_3(%arg0: i32) -> (i32, i32, i32) {
    %c1_i32 = arith.constant 1 : i32
    %c0_i32 = arith.constant 0 : i32
    %c0_i32_0 = arith.constant 0 : i32
    return %c1_i32, %arg0, %c0_i32 : i32, i32, i32
  }
  func.func @transform_4(%arg0: i32) -> (i32, i32, i32) {
    %c0_i32 = arith.constant 0 : i32
    %c0_i32_0 = arith.constant 0 : i32
    %c0_i32_1 = arith.constant 0 : i32
    return %c0_i32, %arg0, %c0_i32_0 : i32, i32, i32
  }
  func.func @transform_5(%arg0: i32) -> (i32, i32, i32) {
    %c1_i32 = arith.constant 1 : i32
    %c0_i32 = arith.constant 0 : i32
    %c0_i32_0 = arith.constant 0 : i32
    return %c1_i32, %arg0, %c0_i32 : i32, i32, i32
  }
  func.func @transform_6(%arg0: i32) -> (i32, i32) {
    %c0_i32 = arith.constant 0 : i32
    %c0_i32_0 = arith.constant 0 : i32
    %c0_i32_1 = arith.constant 0 : i32
    return %c0_i32, %c0_i32_0 : i32, i32
  }
  func.func @transform_7(%arg0: i32) -> (i32, i32) {
    %c0_i32 = arith.constant 0 : i32
    %c0_i32_0 = arith.constant 0 : i32
    return %arg0, %c0_i32 : i32, i32
  }
  func.func @transform_8(%arg0: i32) -> (i32, i32) {
    %c0_i32 = arith.constant 0 : i32
    %c0_i32_0 = arith.constant 0 : i32
    return %arg0, %c0_i32 : i32, i32
  }
  func.func @transform_9(%arg0: i32) -> (i32, i32) {
    %c0_i32 = arith.constant 0 : i32
    %c0_i32_0 = arith.constant 0 : i32
    return %arg0, %c0_i32 : i32, i32
  }
  func.func @transform_10(%arg0: i32) -> (i32, i32) {
    %c0_i32 = arith.constant 0 : i32
    %c0_i32_0 = arith.constant 0 : i32
    return %arg0, %c0_i32 : i32, i32
  }
}

</mosaic_0001>

<sc_bundles>
// kernel: kernel.10.cloned.1.call-start
scs
__scs_entry_jumppad:
0x0: {  	(pc) =	sbr.rel $0x88, $3  }
0x1: {  	(tag) =	ssettag $0x0;
	lr =	simm.s32 $0x1  }
0x2: {  	[smem:$0x3F99] =	sst lr;
	_ =	strace $0xD0000000  }
0x3: {  	_ = 	snop  }
0x4: {  	_ = 	snop  }
0x5: {  	_ = 	snop  }
0x6: {  	_ = 	snop  }
0x7: {  	_ = 	snop  }
__scs_overlays_trampoline_lowered:
0x8: {  	[smem:$0x3FA8] =	sst s0  }
0x9: {  	[smem:$0x3FA9] =	sst s1  }
0xa: {  	[smem:$0x3FAA] =	sst s2  }
0xb: {  	[smem:$0x3FAB] =	sst s3  }
0xc: {  	[smem:$0x3FAC] =	sst s4  }
0xd: {  	[smem:$0x3FAD] =	sst s5  }
0xe: {  	[smem:$0x3FAE] =	sst s6  }
0xf: {  	[smem:$0x3FAF] =	sst s7  }
0x10: {  	[smem:$0x3FB0] =	sst s8  }
0x11: {  	[smem:$0x3FB1] =	sst s9;
	s0 =	simm.s32 @!p0 $0x0  }
0x12: {  	s1 =	sld [smem:$0x3F97];
	s0 =	simm.s32 @p0 $0x1  }
0x13: {  	[smem:$0x3FB2] =	sst s0;
	s0 =	simm.s32 @!p1 $0x0  }
0x14: {  	s2 =	sld [smem:$0x3F96];
	s0 =	simm.s32 @p1 $0x1  }
0x15: {  	[smem:$0x3FB3] =	sst s0;
	s0 =	simm.s32 @!p2 $0x0  }
0x16: {  	s3 =	sld [smem:$0x3FDB];
	s0 =	simm.s32 @p2 $0x1  }
0x17: {  	s4 =	simm.s32 $0x1BF5;
	[smem:$0x3FB5] =	sst s0  }
0x18: {  	s0 =	sld [smem:$0x3F98];
	_ =	swait.ge [sflag:s4], $0x0  }
0x19: {  	s7 =	sld [smem:$0x3F99]  }
0x1a: {  	s8 =	sadd.s32 $0xFFFFE003, lr  }
0x1b: {  	s9 =	sadd.s32 $0xFFFFFEF7, lr;
	s5 =	simm.s32 $0xFFFFFFFF;
	p2 =	slt.u32 s8, $0xFFFFF086  }
0x1c: {  	p1 =	slt.u32 s9, $0xF7A;
	s5 =	simm.s32 @!p2 $0x0  }
0x1d: {  	s5 =	simm.s32 @p1 $0x1;
	p0 =	seq.s32 s7, s2  }
0x1e: {  	s7 =	smul.u32 @!p0 $0xF7A, s2;
	p2 =	seq.s32 @!p0 s5, $0x0  }
0x1f: {  	s9 =	smul.u32 $0xF7A, s1;
	s8 =	simm.s32 @!p0 $0x1BF5;
	p2 =	por !p2, p0  }
0x20: {  	[sflag:s8] =	ssyncset.s32 @!p0 $0xFFFFF086;
	s6 =	sadd.s32 @!p0 s3, s7;
	s7 =	simm.s32 @!p0 $0x108  }
0x21: {  	s3 =	sadd.s32 s3, s9;
	s6 =	sadd.s32 @!p0 $0x88, s6;
	s7 =	simm.s32 @p2 $0x1082  }
0x22: {  	[simem:s7], [sflag:s8] =	dma.local @!p0 [hbm:s6], $0xF7A  }
0x23: {  	s9 =	sor.u32 $0xD0000000, s2;
	s6 =	simm.s32 $0x108;
	_ =	swait.ge @!p0 [sflag:s8], $0x0  }
0x24: {  	s3 =	sadd.s32 $0x88, s3;
	s6 =	simm.s32 @!p1 $0x1082;
	[sflag:s4] =	ssyncset.s32 $0xFFFFF086  }
0x25: {  	[simem:s6], [sflag:s4] =	dma.local [hbm:s3], $0xF7A  }
0x26: {  	[smem:$0x3F99] =	sst s1;
	(tag) =	ssettag s2;
	_ =	strace s9  }
0x27: {  	s1 =	sld [smem:$0x3FA9]  }
0x28: {  	s2 =	sld [smem:$0x3FAA]  }
0x29: {  	s4 =	sld [smem:$0x3FAC]  }
0x2a: {  	p0 =	seq.s32 s5, $0x0;
	s5 =	sld [smem:$0x3FAD]  }
0x2b: {  	s6 =	sld [smem:$0x3FAE]  }
0x2c: {  	s7 =	sld [smem:$0x3FAF]  }
0x2d: {  	s3 =	simm.s32 $0x108;
	s8 =	sld [smem:$0x3FB0]  }
0x2e: {  	s3 =	simm.s32 @!p0 $0x1082;
	s9 =	sld [smem:$0x3FB1]  }
0x2f: {  	lr =	sadd.s32 s0, s3;
	s0 =	sld [smem:$0x3FA8]  }
0x30: {  	s3 =	sld [smem:$0x3FAB]  }
0x31: {  	[smem:$0x3FB4] =	sst s10  }
0x32: {  	s10 =	sld [smem:$0x3FB2];
	_ =	sdelay $0x3  }
0x33: {  	p0 =	seq.s32 s10, $0x1;
	s10 =	sld [smem:$0x3FB4];
	_ =	sdelay $0x3  }
0x34: {  	[smem:$0x3FB4] =	sst s10  }
0x35: {  	s10 =	sld [smem:$0x3FB3];
	_ =	sdelay $0x3  }
0x36: {  	p1 =	seq.s32 s10, $0x1;
	s10 =	sld [smem:$0x3FB4];
	_ =	sdelay $0x3  }
0x37: {  	[smem:$0x3FB4] =	sst s10  }
0x38: {  	s10 =	sld [smem:$0x3FB5]  }
0x39: {  	_ = 	snop;
	(pc) =	sbr.ind lr, $3  }
0x3a: {  	_ = 	snop  }
0x3b: {  	_ = 	snop  }
0x3c: {  	p2 =	seq.s32 s10, $0x1;
	s10 =	sld [smem:$0x3FB4]  }
0x3d: {  	_ =	shalt  }
0x3e: {  	_ =	shalt  }
0x3f: {  	_ =	shalt  }
0x40: {  	_ =	shalt  }
0x41: {  	_ =	shalt  }
0x42: {  	_ =	shalt  }
0x43: {  	_ =	shalt  }
0x44: {  	_ =	shalt  }
0x45: {  	_ =	shalt  }
0x46: {  	_ =	shalt  }
0x47: {  	_ =	shalt  }
0x48: {  	_ =	shalt  }
0x49: {  	_ =	shalt  }
0x4a: {  	_ =	shalt  }
0x4b: {  	_ =	shalt  }
0x4c: {  	_ =	shalt  }
0x4d: {  	_ =	shalt  }
0x4e: {  	_ =	shalt  }
0x4f: {  	_ =	shalt  }
0x50: {  	_ =	shalt  }
0x51: {  	_ =	shalt  }
0x52: {  	_ =	shalt  }
0x53: {  	_ =	shalt  }
0x54: {  	_ =	shalt  }
0x55: {  	_ =	shalt  }
0x56: {  	_ =	shalt  }
0x57: {  	_ =	shalt  }
0x58: {  	_ =	shalt  }
0x59: {  	_ =	shalt  }
0x5a: {  	_ =	shalt  }
0x5b: {  	_ =	shalt  }
0x5c: {  	_ =	shalt  }
0x5d: {  	_ =	shalt  }
0x5e: {  	_ =	shalt  }
0x5f: {  	_ =	shalt  }
0x60: {  	_ =	shalt  }
0x61: {  	_ =	shalt  }
0x62: {  	_ =	shalt  }
0x63: {  	_ =	shalt  }
0x64: {  	_ =	shalt  }
0x65: {  	_ =	shalt  }
0x66: {  	_ =	shalt  }
0x67: {  	_ =	shalt  }
0x68: {  	_ =	shalt  }
0x69: {  	_ =	shalt  }
0x6a: {  	_ =	shalt  }
0x6b: {  	_ =	shalt  }
0x6c: {  	_ =	shalt  }
0x6d: {  	_ =	shalt  }
0x6e: {  	_ =	shalt  }
0x6f: {  	_ =	shalt  }
0x70: {  	_ =	shalt  }
0x71: {  	_ =	shalt  }
0x72: {  	_ =	shalt  }
0x73: {  	_ =	shalt  }
0x74: {  	_ =	shalt  }
0x75: {  	_ =	shalt  }
0x76: {  	_ =	shalt  }
0x77: {  	_ =	shalt  }
0x78: {  	_ =	shalt  }
0x79: {  	_ =	shalt  }
0x7a: {  	_ =	shalt  }
0x7b: {  	_ =	shalt  }
0x7c: {  	_ =	shalt  }
0x7d: {  	_ =	shalt  }
0x7e: {  	_ =	shalt  }
0x7f: {  	_ =	shalt  }
0x80: {  	_ =	shalt  }
0x81: {  	_ =	shalt  }
0x82: {  	_ =	shalt  }
0x83: {  	_ =	shalt  }
0x84: {  	_ =	shalt  }
0x85: {  	_ =	shalt  }
0x86: {  	_ =	shalt  }
0x87: {  	_ =	shalt  }
.Lfunc_end0:
.L_simem_size_0:
called_computation_lowered:
.L_overlay_start_0:
0x88: {  	s2 =	sld [smem:$0x3FD9]  }
0x89: {  	s3 =	sld [smem:$0x3FFE];
	_ =	sdelay $0x1  }
0x8a: {  	s1 =	srdreg.scid  }
0x8b: {  	s0 =	sand.u32 $0x1, s1  }
0x8c: {  	s14 =	sshll.u32 s0, $0xA;
	s2 =	sadd.s32 s3, s2  }
0x8d: {  	s2 =	sadd.s32 s2, s14  }
0x8e: {  	[smem:$0x3FC0] =	sst s2  }
0x8f: {  	_ = 	snop  }
0x90: {  	s2 =	sld [smem:$0x3FD0];
	_ =	sdelay $0x2  }
0x91: {  	s15 =	simm.s32 $0xB;
	s4 =	simm.s32 $0x10  }
0x92: {  	[smem:s4], [sflag:s15] =	dma.local [hbm:s2], $0x1  }
0x93: {  	_ =	swait.eq [sflag:s15], $0x1  }
0x94: {  	[sflag:s15] =	ssyncset.done $0x0  }
0x95: {  	[sflag:s15] =	ssyncadd.s32 $0xFFFFFFFF  }
0x96: {  	s16 =	sld [smem:$0x11];
	(tm) =	ssettm $0x1  }
0x97: {  	s17 =	sld [smem:$0x3FFB];
	_ =	sdelay $0x3  }
0x98: {  	_ =	strace s17  }
0x99: {  	s3 =	sld [smem:$0x3FFC];
	_ =	sdelay $0x3  }
0x9a: {  	_ =	strace s3  }
0x9b: {  	s3 =	sld [smem:$0x3FFD];
	_ =	sdelay $0x3  }
0x9c: {  	_ =	strace s3  }
0x9d: {  	_ =	strace $0x8FFFFFFF  }
0x9e: {  	s18 =	sld [smem:$0x3FDB];
	_ =	sdelay $0x1  }
0x9f: {  	s19 =	simm.s32 $_scs_section_size  }
0xa0: {  	s5 =	simm.s32 $_size__tile_overlayer_lowered;
	s6 =	simm.s32 $_tile_overlayer_lowered  }
0xa1: {  	s22 =	simm.s32 $0x1BFF;
	s21 =	sshll.u32 s6, $0x1;
	s3 =	sadd.s32 s19, s18  }
0xa2: {  	s7 =	simm.s32 $0x0;
	s20 =	sshll.u32 s5, $0x1;
	s5 =	sadd.s32 s21, s3  }
0xa3: {  	[timem:s7], [sflag:s22] =	dma.local [hbm:s5], s20  }
0xa4: {  	_ =	swait.ge [sflag:s22], s20  }
0xa5: {  	s4 =	ssub.s32 $0x0, s20;
	[sflag:s22] =	ssyncset.done $0x0  }
0xa6: {  	[sflag:s22] =	ssyncadd.s32 s4;
	_ =	sdelay $0x1  }
0xa7: {  	s23 =	simm.s32 $0x1B8B  }
0xa8: {  	_ =	swait.ge [sflag:s23], $0x1  }
0xa9: {  	[sflag:s23] =	ssyncset.done $0x0  }
0xaa: {  	s25 =	simm.s32 $0x1B8E;
	s24 =	sld [smem:$0x3FFE];
	[sflag:s23] =	ssyncadd.s32 $0xFFFFFFFF  }
0xab: {  	s26 =	simm.s32 $execute0_lowered;
	[smem:$0x3FD2] =	sst s25  }
0xac: {  	s5 =	sshll.u32 s26, $0x1;
	_ =	strace $0x80000046;
	[dreg:$0x1] =	wrdreg $0xFFFFFFFF  }
0xad: {  	s28 =	simm.s32 $_size_execute0_lowered;
	s3 =	sadd.s32 s3, s5;
	[dreg:$0x0] =	wrdreg $0x0  }
0xae: {  	s5 =	sshll.u32 s28, $0x1;
	[dreg:$0x2] =	wrdreg s3  }
0xaf: {  	[dreg:$0x3] =	wrdreg s5  }
0xb0: {  	[dreg:$0x4] =	wrdreg $0xC0  }
0xb1: {  	_ =	task [dreg:s7], $0x5FFFF  }
0xb2: {  	[dreg:$0x1] =	wrdreg $0xFFFFFFFF  }
0xb3: {  	[dreg:$0x0] =	wrdreg $0x60  }
0xb4: {  	[dreg:$0x2] =	wrdreg s24  }
0xb5: {  	[dreg:$0x3] =	wrdreg s16  }
0xb6: {  	[dreg:$0x4] =	wrdreg $0x50A00  }
0xb7: {  	[dreg:$0x5] =	wrdreg $0x9  }
0xb8: {  	_ =	task.clear_ibuf [dreg:s7], $0x6FFFF;
	_ =	strace $0x90000046  }
0xb9: {  	s29 =	simm.s32 $0x9;
	_ =	strace $0x80000048  }
0xba: {  	_ =	swait.ge [sflag:s29], $0x1  }
0xbb: {  	[sflag:s29] =	ssyncadd.s32 $0xFFFFFFFF  }
0xbc: {  	_ =	strace $0x90000048  }
0xbd: {  	_ =	sfence  }
0xbe: {  	s30 =	sld [smem:$0x0];
	_ =	sdelay $0x2  }
0xbf: {  	s31 =	sshll.u32 s1, $0xD;
	s1 =	sshrl.u32 s1, $0x2  }
0xc0: {  	s3 =	sand.u32 $0x4000, s31;
	s1 =	sadd.s32 s1, s30  }
0xc1: {  	s0 =	sor.u32 s3, s0;
	s1 =	sshll.u32 s1, $0x11  }
0xc2: {  	s0 =	sor.u32 s1, s0  }
0xc3: {  	s0 =	sadd.s32 $0x8F2B, s0  }
0xc4: {  	[sflag:s0] =	ssyncadd.remote.s32 $0x1  }
0xc5: {  	_ =	sfence.sel $0xFFFF  }
0xc6: {  	[dreg:$0x0] =	wrdreg $0xFFFFFFFF;
	(pc) =	sbr.abs _section_cstart, $3  }
0xc7: {  	[dreg:$0x1] =	wrdreg $0xFFFFFFFF  }
0xc8: {  	_ =	task.clear_ibuf [dreg:s7], $0x2FFFF;
	_ =	strace $0x9FFFFFFF  }
0xc9: {  	(tm) =	ssettm $0x7FFFFFFF  }
tec
execute0_lowered:
.L_overlay_start_1:
0x0: {  	(tag) =	ssettag $0x1  }
0x1: {  	s6 =	rddreg [dreg:$0x0]  }
0x2: {  	s0 =	srdreg.scid;
	s2 =	rddreg [dreg:$0x1]  }
0x3: {  	s3 =	rddreg [dreg:$0x2];
	s4 =	simm.s32 $0x0;
	s13 =	simm.s32 $0x50  }
0x4: {  	s14 =	simm.s32 $0x0;
	s5 =	sand.u32 $0x1, s0;
	s0 =	stileid.u32  }
0x5: {  	[smem:$0x7FF] =	sst s4;
	s1 =	sshll.u32 s5, $0x4;
	s8 =	smul.u32 $0x1400, s0  }
0x6: {  	s9 =	smul.u32 $0x14000, s5;
	s5 =	ssub.s32 $0x2, s5;
	s1 =	sor.u32 s0, s1  }
0x7: {  	s31 =	sshll.u32 s0, $0x6;
	s11 =	sshrl.u32 s5, $0x1;
	s7 =	smul.u32 $0x9C4, s1  }
0x8: {  	s1 =	rddreg [dreg:$0x3];
	_ =	strace $0x80000047;
	s9 =	sadd.s32 s8, s9  }
0x9: {  	s10 =	sshrl.u32 s8, $0x3;
	s11 =	ssub.s32 s5, s11;
	s12 =	sadd.s32 s8, s3  }
0xa: {  	s9 =	sshrl.u32 s9, $0x3;
	s10 =	sadd.s32 s10, s6;
	s7 =	sadd.s32 s7, s6  }
0xb: {  	s9 =	sadd.s32 s9, s6;
	s5 =	sadd.s32 $0x16000, s10;
	s6 =	sor.u32 $0x1C01, s31  }
0xc: {  	s10 =	sshrl.u32 s12, $0x3;
	s12 =	simm.s32 $0x4E20;
	s7 =	sadd.s32 $0x2600, s7  }
0xd: {  	s8 =	sadd.s32 $0x18800, s9;
	s9 =	smax.u32 s11, $0x1;
	s11 =	simm.s32 $0x1  }
.LBB2_1:
0xe: {  	[spmem:s10], [sflag:s6] =	dma.local [hbm:s5], $0x280  }
0xf: {  	_ =	swait.ge [sflag:s11], $0x280  }
0x10: {  	[sflag:s11] =	ssyncset.done $0x0  }
0x11: {  	[sflag:s11] =	ssyncadd.s32 $0xFFFFFD80  }
0x12: {  	[tilespmem:s12], [sflag:$0x1] =	stream.linear.gather [hbm4b:s2+s4], $0x280, $0x38;
	[tilespmem:$0x64A0] =	vst v63  }
0x13: {  	_ =	swait.ge [sflag:s11], $0x280  }
0x14: {  	[sflag:s11] =	ssyncset.done $0x0  }
0x15: {  	[sflag:s11] =	ssyncadd.s32 $0xFFFFFD80  }
0x16: {  	[tilespmem:s4], [sflag:$0x1] =	stream.linear.gather [hbm4b:s7+s4], $0x4E20, $0x38;
	[tilespmem:$0x64A0] =	vst v63  }
0x17: {  	_ =	swait.ge [sflag:s11], $0x4E20  }
0x18: {  	[sflag:s11] =	ssyncset.done $0x0  }
0x19: {  	s15 =	simm.s32 $0x0;
	[sflag:s11] =	ssyncadd.s32 $0xFFFFB1E0  }
0x1a: {  	[spmem:s3] =	stream.indirect.scatter.add.f32 [tilespmem:s12], [sflag:$0x1], $0x8, s15, s13, $0xb8;
	[tilespmem:$0x64A0] =	vst v63  }
0x1b: {  	_ =	swait.ge [sflag:s11], $0x280  }
0x1c: {  	s15 =	simm.s32 $0x140;
	[sflag:s11] =	ssyncset.done $0x0  }
.LBB2_2:
0x1d: {  	s16 =	sshra.s32 s15, $0x2;
	[sflag:s11] =	ssyncadd.s32 $0xFFFFFD80;
	p0 =	sne.s32 s15, $0x13740  }
0x1e: {  	[spmem:s3] =	stream.indirect.scatter.add.f32 [tilespmem:s12], [sflag:$0x1], $0x8, s16, s13, $0xb8;
	[tilespmem:$0x64A0] =	vst v63  }
.Ltmp0:
0x1f: {  	_ = 	snop;
	(pc) =	sbr.rel @p0 .LBB2_2-.Ltmp0, $4  }
0x20: {  	_ = 	snop  }
0x21: {  	s15 =	sadd.s32 $0x140, s15  }
0x22: {  	_ =	swait.ge [sflag:s11], $0x280  }
0x23: {  	[sflag:s11] =	ssyncset.done $0x0  }
0x24: {  	s14 =	sadd.s32 $0x1, s14  }
0x25: {  	[sflag:s11] =	ssyncadd.s32 $0xFFFFFD80;
	p0 =	sne.s32 s14, s9  }
.Ltmp1:
0x26: {  	[bflag:$0x0] =	sbarrier.arrive $0xFFFF;
	(pc) =	sbr.rel @p0 .LBB2_1-.Ltmp1, $4  }
0x27: {  	[hbm:s8], [sflag:s6] =	dma.local [spmem:s10], $0x280  }
0x28: {  	_ =	swait.ge [sflag:s11], $0x280  }
0x29: {  	[sflag:s11] =	ssyncset.done $0x0  }
0x2a: {  	[sflag:s11] =	ssyncadd.s32 $0xFFFFFD80  }
0x2b: {  	_ =	sfence.sel $0x180000  }
0x2c: {  	[bflag:$0x0] =	sbarrier.arrive $0xFFFF  }
0x2d: {  	p0 =	sne.s32 s0, $0x0;
	_ =	strace $0x90000047  }
0x2e: {  	s0 =	sadd.s32 @!p0 $0x100000, s1;
	[bflag:$0x2] =	sbarrier.arrive $0xFFFF  }
0x2f: {  	[sflag:s0] =	ssyncadd.tile.s32 @!p0 $0x1;
	_ =	shalt  }
.Lfunc_end2:
_tile_overlayer_lowered:
.L_overlay_start_2:
0x30: {  	(tag) =	ssettag $0x2  }
0x31: {  	s0 =	rddreg [dreg:$0x0];
	s2 =	stileid.u32  }
0x32: {  	s1 =	rddreg [dreg:$0x1];
	p0 =	sne.s32 s2, $0x0  }
0x33: {  	s3 =	rddreg [dreg:$0x2];
	[bflag:$0x3] =	sbarrier.arrive $0xFFFF;
	s2 =	simm.s32 @!p0 $0x1C01  }
0x34: {  	[timem:s3], [sflag:s2] =	dma.local @!p0 [hbm:s0], s1  }
0x35: {  	s0 =	simm.s32 @!p0 $0x1  }
0x36: {  	_ =	swait.ge @!p0 [sflag:s0], s1  }
0x37: {  	s1 =	ssub.s32 @!p0 $0x0, s1;
	[sflag:s0] =	ssyncset.done @!p0 $0x0  }
0x38: {  	[sflag:s0] =	ssyncadd.s32 @!p0 s1  }
0x39: {  	[bflag:$0x3] =	sbarrier.arrive $0xFFFF  }
0x3a: {  	_ =	shalt  }

// kernel: kernel.13.cloned.1.call-start
scs
__scs_entry_jumppad:
0x0: {  	(pc) =	sbr.rel $0x88, $3  }
0x1: {  	(tag) =	ssettag $0x0;
	lr =	simm.s32 $0x1  }
0x2: {  	[smem:$0x3F99] =	sst lr;
	_ =	strace $0xD0000000  }
0x3: {  	_ = 	snop  }
0x4: {  	_ = 	snop  }
0x5: {  	_ = 	snop  }
0x6: {  	_ = 	snop  }
0x7: {  	_ = 	snop  }
__scs_overlays_trampoline_lowered:
0x8: {  	[smem:$0x3FA8] =	sst s0  }
0x9: {  	[smem:$0x3FA9] =	sst s1  }
0xa: {  	[smem:$0x3FAA] =	sst s2  }
0xb: {  	[smem:$0x3FAB] =	sst s3  }
0xc: {  	[smem:$0x3FAC] =	sst s4  }
0xd: {  	[smem:$0x3FAD] =	sst s5  }
0xe: {  	[smem:$0x3FAE] =	sst s6  }
0xf: {  	[smem:$0x3FAF] =	sst s7  }
0x10: {  	[smem:$0x3FB0] =	sst s8  }
0x11: {  	[smem:$0x3FB1] =	sst s9;
	s0 =	simm.s32 @!p0 $0x0  }
0x12: {  	s1 =	sld [smem:$0x3F97];
	s0 =	simm.s32 @p0 $0x1  }
0x13: {  	[smem:$0x3FB2] =	sst s0;
	s0 =	simm.s32 @!p1 $0x0  }
0x14: {  	s2 =	sld [smem:$0x3F96];
	s0 =	simm.s32 @p1 $0x1  }
0x15: {  	[smem:$0x3FB3] =	sst s0;
	s0 =	simm.s32 @!p2 $0x0  }
0x16: {  	s3 =	sld [smem:$0x3FDB];
	s0 =	simm.s32 @p2 $0x1  }
0x17: {  	s4 =	simm.s32 $0x1BF5;
	[smem:$0x3FB5] =	sst s0  }
0x18: {  	s0 =	sld [smem:$0x3F98];
	_ =	swait.ge [sflag:s4], $0x0  }
0x19: {  	s7 =	sld [smem:$0x3F99]  }
0x1a: {  	s8 =	sadd.s32 $0xFFFFE003, lr  }
0x1b: {  	s9 =	sadd.s32 $0xFFFFFEF7, lr;
	s5 =	simm.s32 $0xFFFFFFFF;
	p2 =	slt.u32 s8, $0xFFFFF086  }
0x1c: {  	p1 =	slt.u32 s9, $0xF7A;
	s5 =	simm.s32 @!p2 $0x0  }
0x1d: {  	s5 =	simm.s32 @p1 $0x1;
	p0 =	seq.s32 s7, s2  }
0x1e: {  	s7 =	smul.u32 @!p0 $0xF7A, s2;
	p2 =	seq.s32 @!p0 s5, $0x0  }
0x1f: {  	s9 =	smul.u32 $0xF7A, s1;
	s8 =	simm.s32 @!p0 $0x1BF5;
	p2 =	por !p2, p0  }
0x20: {  	[sflag:s8] =	ssyncset.s32 @!p0 $0xFFFFF086;
	s6 =	sadd.s32 @!p0 s3, s7;
	s7 =	simm.s32 @!p0 $0x108  }
0x21: {  	s3 =	sadd.s32 s3, s9;
	s6 =	sadd.s32 @!p0 $0x88, s6;
	s7 =	simm.s32 @p2 $0x1082  }
0x22: {  	[simem:s7], [sflag:s8] =	dma.local @!p0 [hbm:s6], $0xF7A  }
0x23: {  	s9 =	sor.u32 $0xD0000000, s2;
	s6 =	simm.s32 $0x108;
	_ =	swait.ge @!p0 [sflag:s8], $0x0  }
0x24: {  	s3 =	sadd.s32 $0x88, s3;
	s6 =	simm.s32 @!p1 $0x1082;
	[sflag:s4] =	ssyncset.s32 $0xFFFFF086  }
0x25: {  	[simem:s6], [sflag:s4] =	dma.local [hbm:s3], $0xF7A  }
0x26: {  	[smem:$0x3F99] =	sst s1;
	(tag) =	ssettag s2;
	_ =	strace s9  }
0x27: {  	s1 =	sld [smem:$0x3FA9]  }
0x28: {  	s2 =	sld [smem:$0x3FAA]  }
0x29: {  	s4 =	sld [smem:$0x3FAC]  }
0x2a: {  	p0 =	seq.s32 s5, $0x0;
	s5 =	sld [smem:$0x3FAD]  }
0x2b: {  	s6 =	sld [smem:$0x3FAE]  }
0x2c: {  	s7 =	sld [smem:$0x3FAF]  }
0x2d: {  	s3 =	simm.s32 $0x108;
	s8 =	sld [smem:$0x3FB0]  }
0x2e: {  	s3 =	simm.s32 @!p0 $0x1082;
	s9 =	sld [smem:$0x3FB1]  }
0x2f: {  	lr =	sadd.s32 s0, s3;
	s0 =	sld [smem:$0x3FA8]  }
0x30: {  	s3 =	sld [smem:$0x3FAB]  }
0x31: {  	[smem:$0x3FB4] =	sst s10  }
0x32: {  	s10 =	sld [smem:$0x3FB2];
	_ =	sdelay $0x3  }
0x33: {  	p0 =	seq.s32 s10, $0x1;
	s10 =	sld [smem:$0x3FB4];
	_ =	sdelay $0x3  }
0x34: {  	[smem:$0x3FB4] =	sst s10  }
0x35: {  	s10 =	sld [smem:$0x3FB3];
	_ =	sdelay $0x3  }
0x36: {  	p1 =	seq.s32 s10, $0x1;
	s10 =	sld [smem:$0x3FB4];
	_ =	sdelay $0x3  }
0x37: {  	[smem:$0x3FB4] =	sst s10  }
0x38: {  	s10 =	sld [smem:$0x3FB5]  }
0x39: {  	_ = 	snop;
	(pc) =	sbr.ind lr, $3  }
0x3a: {  	_ = 	snop  }
0x3b: {  	_ = 	snop  }
0x3c: {  	p2 =	seq.s32 s10, $0x1;
	s10 =	sld [smem:$0x3FB4]  }
0x3d: {  	_ =	shalt  }
0x3e: {  	_ =	shalt  }
0x3f: {  	_ =	shalt  }
0x40: {  	_ =	shalt  }
0x41: {  	_ =	shalt  }
0x42: {  	_ =	shalt  }
0x43: {  	_ =	shalt  }
0x44: {  	_ =	shalt  }
0x45: {  	_ =	shalt  }
0x46: {  	_ =	shalt  }
0x47: {  	_ =	shalt  }
0x48: {  	_ =	shalt  }
0x49: {  	_ =	shalt  }
0x4a: {  	_ =	shalt  }
0x4b: {  	_ =	shalt  }
0x4c: {  	_ =	shalt  }
0x4d: {  	_ =	shalt  }
0x4e: {  	_ =	shalt  }
0x4f: {  	_ =	shalt  }
0x50: {  	_ =	shalt  }
0x51: {  	_ =	shalt  }
0x52: {  	_ =	shalt  }
0x53: {  	_ =	shalt  }
0x54: {  	_ =	shalt  }
0x55: {  	_ =	shalt  }
0x56: {  	_ =	shalt  }
0x57: {  	_ =	shalt  }
0x58: {  	_ =	shalt  }
0x59: {  	_ =	shalt  }
0x5a: {  	_ =	shalt  }
0x5b: {  	_ =	shalt  }
0x5c: {  	_ =	shalt  }
0x5d: {  	_ =	shalt  }
0x5e: {  	_ =	shalt  }
0x5f: {  	_ =	shalt  }
0x60: {  	_ =	shalt  }
0x61: {  	_ =	shalt  }
0x62: {  	_ =	shalt  }
0x63: {  	_ =	shalt  }
0x64: {  	_ =	shalt  }
0x65: {  	_ =	shalt  }
0x66: {  	_ =	shalt  }
0x67: {  	_ =	shalt  }
0x68: {  	_ =	shalt  }
0x69: {  	_ =	shalt  }
0x6a: {  	_ =	shalt  }
0x6b: {  	_ =	shalt  }
0x6c: {  	_ =	shalt  }
0x6d: {  	_ =	shalt  }
0x6e: {  	_ =	shalt  }
0x6f: {  	_ =	shalt  }
0x70: {  	_ =	shalt  }
0x71: {  	_ =	shalt  }
0x72: {  	_ =	shalt  }
0x73: {  	_ =	shalt  }
0x74: {  	_ =	shalt  }
0x75: {  	_ =	shalt  }
0x76: {  	_ =	shalt  }
0x77: {  	_ =	shalt  }
0x78: {  	_ =	shalt  }
0x79: {  	_ =	shalt  }
0x7a: {  	_ =	shalt  }
0x7b: {  	_ =	shalt  }
0x7c: {  	_ =	shalt  }
0x7d: {  	_ =	shalt  }
0x7e: {  	_ =	shalt  }
0x7f: {  	_ =	shalt  }
0x80: {  	_ =	shalt  }
0x81: {  	_ =	shalt  }
0x82: {  	_ =	shalt  }
0x83: {  	_ =	shalt  }
0x84: {  	_ =	shalt  }
0x85: {  	_ =	shalt  }
0x86: {  	_ =	shalt  }
0x87: {  	_ =	shalt  }
.Lfunc_end0:
.L_simem_size_0:
called_computation.1_lowered:
.L_overlay_start_0:
0x88: {  	s2 =	sld [smem:$0x3FD9]  }
0x89: {  	s3 =	sld [smem:$0x3FFE];
	_ =	sdelay $0x1  }
0x8a: {  	s1 =	srdreg.scid  }
0x8b: {  	s0 =	sand.u32 $0x1, s1  }
0x8c: {  	s15 =	sshll.u32 s0, $0xA;
	s2 =	sadd.s32 s3, s2  }
0x8d: {  	s2 =	sadd.s32 s2, s15  }
0x8e: {  	[smem:$0x3FC0] =	sst s2  }
0x8f: {  	_ = 	snop  }
0x90: {  	s2 =	sld [smem:$0x3FD0];
	_ =	sdelay $0x2  }
0x91: {  	s4 =	simm.s32 $0xB;
	s16 =	simm.s32 $0x10  }
0x92: {  	[smem:s16], [sflag:s4] =	dma.local [hbm:s2], $0x1  }
0x93: {  	_ =	swait.eq [sflag:s4], $0x1  }
0x94: {  	[sflag:s4] =	ssyncset.done $0x0  }
0x95: {  	s17 =	sld [smem:$0x12];
	[sflag:s4] =	ssyncadd.s32 $0xFFFFFFFF  }
0x96: {  	s18 =	sld [smem:$0x13];
	(tm) =	ssettm $0x1  }
0x97: {  	s19 =	sld [smem:$0x3FFB];
	_ =	sdelay $0x3  }
0x98: {  	_ =	strace s19  }
0x99: {  	s2 =	sld [smem:$0x3FFC];
	_ =	sdelay $0x3  }
0x9a: {  	_ =	strace s2  }
0x9b: {  	s2 =	sld [smem:$0x3FFD];
	_ =	sdelay $0x3  }
0x9c: {  	_ =	strace s2  }
0x9d: {  	_ =	strace $0x8FFFFFFF  }
0x9e: {  	s20 =	sld [smem:$0x3FDB];
	_ =	sdelay $0x1  }
0x9f: {  	s5 =	simm.s32 $_scs_section_size  }
0xa0: {  	s6 =	simm.s32 $_size__tile_overlayer_lowered;
	s7 =	simm.s32 $_tile_overlayer_lowered  }
0xa1: {  	s8 =	simm.s32 $0x1BFF;
	s21 =	sshll.u32 s7, $0x1;
	s5 =	sadd.s32 s5, s20  }
0xa2: {  	s22 =	simm.s32 $0x0;
	s6 =	sshll.u32 s6, $0x1;
	s7 =	sadd.s32 s21, s5  }
0xa3: {  	[timem:s22], [sflag:s8] =	dma.local [hbm:s7], s6  }
0xa4: {  	_ =	swait.ge [sflag:s8], s6  }
0xa5: {  	s6 =	ssub.s32 $0x0, s6;
	[sflag:s8] =	ssyncset.done $0x0  }
0xa6: {  	[sflag:s8] =	ssyncadd.s32 s6;
	_ =	sdelay $0x1  }
0xa7: {  	s23 =	simm.s32 $0x1B8B  }
0xa8: {  	_ =	swait.ge [sflag:s23], $0x1  }
0xa9: {  	[sflag:s23] =	ssyncset.done $0x0  }
0xaa: {  	[sflag:s23] =	ssyncadd.s32 $0xFFFFFFFF  }
0xab: {  	s6 =	sld [smem:$0x0]  }
0xac: {  	s7 =	sand.u32 $0xFFFFFFFE, s1  }
0xad: {  	p0 =	sne.s32 s1, s7  }
0xae: {  	s7 =	sshll.u32 @p0 s7, $0xE  }
0xaf: {  	s7 =	sadd.s32 @p0 $0x11B8D, s7;
	s8 =	sshll.u32 @p0 s6, $0x11  }
0xb0: {  	s7 =	sor.u32 @p0 s8, s7  }
0xb1: {  	[sflag:s7] =	ssyncadd.remote.s32 @p0 $0x1;
	_ =	sdelay $0x1  }
0xb2: {  	s7 =	simm.s32 @p0 $0x1B8D  }
0xb3: {  	_ =	swait.eq @p0 [sflag:s7], $0x1  }
0xb4: {  	[sflag:s7] =	ssyncadd.s32 @p0 $0xFFFFFFFF  }
0xb5: {  	s8 =	sshll.u32 @!p0 s1, $0xE  }
0xb6: {  	s8 =	sor.u32 @!p0 $0x4000, s8;
	s7 =	simm.s32 @!p0 $0x1B8D  }
0xb7: {  	s6 =	sshll.u32 @!p0 s6, $0x11;
	s8 =	sadd.s32 @!p0 $0x11B8D, s8;
	_ =	swait.eq @!p0 [sflag:s7], $0x1  }
0xb8: {  	s6 =	sor.u32 @!p0 s6, s8;
	[sflag:s7] =	ssyncadd.s32 @!p0 $0xFFFFFFFF  }
0xb9: {  	s25 =	simm.s32 $0x1B8E;
	s24 =	sld [smem:$0x3FFE];
	[sflag:s6] =	ssyncadd.remote.s32 @!p0 $0x1  }
0xba: {  	s26 =	simm.s32 $execute0_lowered;
	[smem:$0x3FD2] =	sst s25  }
0xbb: {  	s7 =	sshll.u32 s26, $0x1;
	_ =	strace $0x8000004C;
	[dreg:$0x1] =	wrdreg $0xFFFFFFFF  }
0xbc: {  	s28 =	simm.s32 $_size_execute0_lowered;
	s5 =	sadd.s32 s5, s7;
	[dreg:$0x0] =	wrdreg $0x0  }
0xbd: {  	s7 =	sshll.u32 s28, $0x1;
	[dreg:$0x2] =	wrdreg s5  }
0xbe: {  	[dreg:$0x3] =	wrdreg s7  }
0xbf: {  	[dreg:$0x4] =	wrdreg $0xC0  }
0xc0: {  	_ =	task [dreg:s22], $0x5FFFF  }
0xc1: {  	[dreg:$0x1] =	wrdreg $0xFFFFFFFF  }
0xc2: {  	[dreg:$0x0] =	wrdreg $0x60  }
0xc3: {  	[dreg:$0x2] =	wrdreg s24  }
0xc4: {  	[dreg:$0x3] =	wrdreg s18  }
0xc5: {  	[dreg:$0x4] =	wrdreg s17  }
0xc6: {  	[dreg:$0x5] =	wrdreg $0x9E200  }
0xc7: {  	[dreg:$0x6] =	wrdreg $0x9  }
0xc8: {  	_ =	task.clear_ibuf [dreg:s22], $0x7FFFF;
	_ =	strace $0x9000004C  }
0xc9: {  	s29 =	simm.s32 $0x9;
	_ =	strace $0x8000004E  }
0xca: {  	_ =	swait.ge [sflag:s29], $0x1  }
0xcb: {  	[sflag:s29] =	ssyncadd.s32 $0xFFFFFFFF  }
0xcc: {  	_ =	strace $0x9000004E  }
0xcd: {  	_ =	sfence  }
0xce: {  	s30 =	sld [smem:$0x0];
	_ =	sdelay $0x2  }
0xcf: {  	s31 =	sshll.u32 s1, $0xD;
	s1 =	sshrl.u32 s1, $0x2  }
0xd0: {  	s4 =	sand.u32 $0x4000, s31;
	s1 =	sadd.s32 s1, s30  }
0xd1: {  	s0 =	sor.u32 s4, s0;
	s1 =	sshll.u32 s1, $0x11  }
0xd2: {  	s0 =	sor.u32 s1, s0  }
0xd3: {  	s0 =	sadd.s32 $0x8F2B, s0  }
0xd4: {  	[sflag:s0] =	ssyncadd.remote.s32 $0x1  }
0xd5: {  	_ =	sfence.sel $0xFFFF  }
0xd6: {  	[dreg:$0x0] =	wrdreg $0xFFFFFFFF;
	(pc) =	sbr.abs _section_cstart, $3  }
0xd7: {  	[dreg:$0x1] =	wrdreg $0xFFFFFFFF  }
0xd8: {  	_ =	task.clear_ibuf [dreg:s22], $0x2FFFF;
	_ =	strace $0x9FFFFFFF  }
0xd9: {  	(tm) =	ssettm $0x7FFFFFFF  }
tec
execute0_lowered:
.L_overlay_start_1:
0x0: {  	(tag) =	ssettag $0x1  }
0x1: {  	s5 =	rddreg [dreg:$0x0]  }
0x2: {  	s7 =	rddreg [dreg:$0x1]  }
0x3: {  	s8 =	rddreg [dreg:$0x2]  }
0x4: {  	s2 =	rddreg [dreg:$0x3];
	s0 =	stileid.u32  }
0x5: {  	s4 =	srdreg.scid;
	s1 =	rddreg [dreg:$0x4]  }
0x6: {  	s3 =	simm.s32 $0x0;
	s15 =	simm.s32 $0x4E20;
	s16 =	simm.s32 $0x7620  }
0x7: {  	s17 =	simm.s32 $0x1;
	s18 =	simm.s32 $0x2;
	s19 =	simm.s32 $0x4DD0  }
0x8: {  	s20 =	simm.s32 $0x0;
	s6 =	smul.u32 $0x14000, s0;
	s9 =	sand.u32 $0x1, s4  }
0x9: {  	[smem:$0x7FF] =	sst s3;
	s4 =	sadd.s32 $0x29800, s5;
	s13 =	sshll.u32 s0, $0x1  }
0xa: {  	s31 =	sshll.u32 s0, $0x6;
	s11 =	smul.u32 $0x140000, s9;
	_ =	strace $0x8000004D  }
0xb: {  	s12 =	ssub.s32 $0x2, s9;
	s9 =	sor.u32 s9, s13;
	s13 =	simm.s32 $0x2710  }
0xc: {  	s10 =	sshrl.u32 s6, $0x3;
	s14 =	sshrl.u32 s12, $0x1;
	s9 =	smul.u32 $0x4E2, s9  }
0xd: {  	s30 =	sadd.s32 s6, s2;
	s10 =	sadd.s32 s10, s5;
	s11 =	sadd.s32 s6, s11  }
0xe: {  	s12 =	ssub.s32 s12, s14;
	s6 =	sor.u32 $0x1C03, s31;
	s14 =	simm.s32 $0x50  }
0xf: {  	s11 =	sshrl.u32 s11, $0x3;
	s7 =	sadd.s32 s7, s9;
	s8 =	sadd.s32 s8, s9  }
0x10: {  	s11 =	sadd.s32 s11, s5;
	s5 =	sadd.s32 $0x79800, s10;
	s10 =	smax.u32 s12, $0x1  }
0x11: {  	s12 =	simm.s32 $0x3;
	s9 =	sadd.s32 $0xF1800, s11;
	s11 =	sshrl.u32 s30, $0x3  }
.LBB2_1:
0x12: {  	[spmem:s11], [sflag:s6] =	dma.local [hbm:s5], $0x2800  }
0x13: {  	_ =	swait.ge [sflag:s12], $0x2800  }
0x14: {  	[sflag:s12] =	ssyncset.done $0x0  }
0x15: {  	[sflag:s12] =	ssyncadd.s32 $0xFFFFD800  }
0x16: {  	[tilespmem:s3], [sflag:$0x3] =	stream.linear.gather [hbm4b:s7+s3], $0x2710, $0x38;
	[tilespmem:$0x1DE20] =	vst v63  }
0x17: {  	_ =	swait.ge [sflag:s12], $0x2710  }
0x18: {  	[sflag:s12] =	ssyncset.done $0x0  }
0x19: {  	[sflag:s12] =	ssyncadd.s32 $0xFFFFD8F0  }
0x1a: {  	[tilespmem:s13], [sflag:$0x3] =	stream.linear.gather [hbm4b:s8+s3], $0x2710, $0x38;
	[tilespmem:$0x1DE20] =	vst v63  }
0x1b: {  	_ =	swait.ge [sflag:s12], $0x2710  }
0x1c: {  	[sflag:s12] =	ssyncset.done $0x0  }
0x1d: {  	[sflag:s12] =	ssyncadd.s32 $0xFFFFD8F0  }
0x1e: {  	[tilespmem:s15], [sflag:$0x1] =	stream.indirect.gather [hbm4b:s4+s14], $0x80, s3, s14, $0xb8;
	[tilespmem:$0x1DE20] =	vst v63  }
0x1f: {  	s21 =	simm.s32 $0x50  }
0x20: {  	[tilespmem:s16], [sflag:$0x2] =	stream.indirect.gather [hbm4b:s4+s14], $0x80, s21, s14, $0xb8;
	[tilespmem:$0x1DE20] =	vst v63  }
0x21: {  	_ =	swait.ge [sflag:s17], $0x2800  }
0x22: {  	[sflag:s17] =	ssyncset.done $0x0  }
0x23: {  	s29 =	simm.s32 $0x2710;
	[sflag:s17] =	ssyncadd.s32 $0xFFFFD800  }
0x24: {  	[spmem:s2] =	stream.indirect.scatter.add.f32 [tilespmem:s15], [sflag:$0x3], $0x80, s29, s14, $0xb8;
	[tilespmem:$0x1DE20] =	vst v63  }
0x25: {  	_ =	swait.ge [sflag:s12], $0x2800  }
0x26: {  	[sflag:s12] =	ssyncset.done $0x0  }
0x27: {  	s30 =	simm.s32 $0xA0;
	[sflag:s12] =	ssyncadd.s32 $0xFFFFD800  }
0x28: {  	[tilespmem:s15], [sflag:$0x1] =	stream.indirect.gather [hbm4b:s4+s14], $0x80, s30, s14, $0xb8;
	[tilespmem:$0x1DE20] =	vst v63  }
0x29: {  	_ =	swait.ge [sflag:s18], $0x2800  }
0x2a: {  	[sflag:s18] =	ssyncset.done $0x0  }
0x2b: {  	s31 =	simm.s32 $0x2760;
	[sflag:s18] =	ssyncadd.s32 $0xFFFFD800  }
0x2c: {  	[spmem:s2] =	stream.indirect.scatter.add.f32 [tilespmem:s16], [sflag:$0x3], $0x80, s31, s14, $0xb8;
	[tilespmem:$0x1DE20] =	vst v63  }
0x2d: {  	_ =	swait.ge [sflag:s12], $0x2800  }
0x2e: {  	s22 =	simm.s32 $0x500;
	s21 =	simm.s32 $0xA0;
	[sflag:s12] =	ssyncset.done $0x0  }
.LBB2_2:
0x2f: {  	s23 =	sadd.s32 $0x50, s21  }
0x30: {  	[sflag:s12] =	ssyncadd.s32 $0xFFFFD800;
	s24 =	smov.u32 s22;
	s25 =	sadd.s32 $0x280, s22  }
0x31: {  	[tilespmem:s16], [sflag:$0x2] =	stream.indirect.gather [hbm4b:s4+s14], $0x80, s23, s14, $0xb8;
	[tilespmem:$0x1DE20] =	vst v63  }
0x32: {  	p0 =	sne.s32 s22, $0x9880;
	_ =	swait.ge [sflag:s17], $0x2800  }
0x33: {  	[sflag:s17] =	ssyncset.done $0x0  }
0x34: {  	s22 =	sadd.s32 $0x2710, s21;
	[sflag:s17] =	ssyncadd.s32 $0xFFFFD800  }
0x35: {  	[spmem:s2] =	stream.indirect.scatter.add.f32 [tilespmem:s15], [sflag:$0x3], $0x80, s22, s14, $0xb8;
	[tilespmem:$0x1DE20] =	vst v63  }
0x36: {  	_ =	swait.ge [sflag:s12], $0x2800  }
0x37: {  	[sflag:s12] =	ssyncset.done $0x0  }
0x38: {  	s22 =	sadd.s32 $0xA0, s21;
	[sflag:s12] =	ssyncadd.s32 $0xFFFFD800  }
0x39: {  	[tilespmem:s15], [sflag:$0x1] =	stream.indirect.gather [hbm4b:s4+s14], $0x80, s22, s14, $0xb8;
	[tilespmem:$0x1DE20] =	vst v63  }
0x3a: {  	_ =	swait.ge [sflag:s18], $0x2800  }
.Ltmp0:
0x3b: {  	[sflag:s18] =	ssyncset.done $0x0;
	(pc) =	sbr.rel @p0 .LBB2_2-.Ltmp0, $4  }
0x3c: {  	s21 =	sadd.s32 $0x2760, s21;
	[sflag:s18] =	ssyncadd.s32 $0xFFFFD800  }
0x3d: {  	[spmem:s2] =	stream.indirect.scatter.add.f32 [tilespmem:s16], [sflag:$0x3], $0x80, s21, s14, $0xb8;
	[tilespmem:$0x1DE20] =	vst v63  }
0x3e: {  	_ =	swait.ge [sflag:s12], $0x2800  }
0x3f: {  	s22 =	smov.u32 s25;
	s21 =	sshra.s32 s24, $0x2;
	[sflag:s12] =	ssyncset.done $0x0  }
0x40: {  	s22 =	sadd.s32 $0x50, s21;
	[sflag:s12] =	ssyncadd.s32 $0xFFFFD800  }
0x41: {  	[tilespmem:s16], [sflag:$0x2] =	stream.indirect.gather [hbm4b:s4+s14], $0x80, s22, s14, $0xb8;
	[tilespmem:$0x1DE20] =	vst v63  }
0x42: {  	_ =	swait.ge [sflag:s17], $0x2800  }
0x43: {  	[sflag:s17] =	ssyncset.done $0x0  }
0x44: {  	s29 =	sadd.s32 $0x2710, s21;
	[sflag:s17] =	ssyncadd.s32 $0xFFFFD800  }
0x45: {  	[spmem:s2] =	stream.indirect.scatter.add.f32 [tilespmem:s15], [sflag:$0x3], $0x80, s29, s14, $0xb8;
	[tilespmem:$0x1DE20] =	vst v63  }
0x46: {  	_ =	swait.ge [sflag:s12], $0x2800  }
0x47: {  	[sflag:s12] =	ssyncset.done $0x0  }
0x48: {  	s30 =	sadd.s32 $0xA0, s21;
	[sflag:s12] =	ssyncadd.s32 $0xFFFFD800  }
0x49: {  	[tilespmem:s15], [sflag:$0x1] =	stream.indirect.gather [hbm4b:s4+s14], $0x80, s30, s14, $0xb8;
	[tilespmem:$0x1DE20] =	vst v63  }
0x4a: {  	_ =	swait.ge [sflag:s18], $0x2800  }
0x4b: {  	[sflag:s18] =	ssyncset.done $0x0  }
0x4c: {  	s31 =	sadd.s32 $0x2760, s21;
	[sflag:s18] =	ssyncadd.s32 $0xFFFFD800  }
0x4d: {  	[spmem:s2] =	stream.indirect.scatter.add.f32 [tilespmem:s16], [sflag:$0x3], $0x80, s31, s14, $0xb8;
	[tilespmem:$0x1DE20] =	vst v63  }
0x4e: {  	_ =	swait.ge [sflag:s12], $0x2800  }
0x4f: {  	[sflag:s12] =	ssyncset.done $0x0  }
0x50: {  	[sflag:s12] =	ssyncadd.s32 $0xFFFFD800  }
0x51: {  	_ =	swait.ge [sflag:s17], $0x2800  }
0x52: {  	[sflag:s17] =	ssyncset.done $0x0  }
0x53: {  	[sflag:s17] =	ssyncadd.s32 $0xFFFFD800  }
0x54: {  	[spmem:s2] =	stream.indirect.scatter.add.f32 [tilespmem:s15], [sflag:$0x3], $0x80, s19, s14, $0xb8;
	[tilespmem:$0x1DE20] =	vst v63  }
0x55: {  	_ =	swait.ge [sflag:s12], $0x2800  }
0x56: {  	s20 =	sadd.s32 $0x1, s20;
	[sflag:s12] =	ssyncset.done $0x0  }
0x57: {  	p0 =	sne.s32 s20, s10;
	[sflag:s12] =	ssyncadd.s32 $0xFFFFD800  }
.Ltmp1:
0x58: {  	[bflag:$0x0] =	sbarrier.arrive $0xFFFF;
	(pc) =	sbr.rel @p0 .LBB2_1-.Ltmp1, $4  }
0x59: {  	[hbm:s9], [sflag:s6] =	dma.local [spmem:s11], $0x2800  }
0x5a: {  	_ =	swait.ge [sflag:s12], $0x2800  }
0x5b: {  	[sflag:s12] =	ssyncset.done $0x0  }
0x5c: {  	[sflag:s12] =	ssyncadd.s32 $0xFFFFD800  }
0x5d: {  	_ =	sfence.sel $0x180000  }
0x5e: {  	[bflag:$0x0] =	sbarrier.arrive $0xFFFF  }
0x5f: {  	p0 =	sne.s32 s0, $0x0;
	_ =	strace $0x9000004D  }
0x60: {  	s0 =	sadd.s32 @!p0 $0x100000, s1;
	[bflag:$0x2] =	sbarrier.arrive $0xFFFF  }
0x61: {  	[sflag:s0] =	ssyncadd.tile.s32 @!p0 $0x1;
	_ =	shalt  }
.Lfunc_end2:
_tile_overlayer_lowered:
.L_overlay_start_2:
0x62: {  	(tag) =	ssettag $0x2  }
0x63: {  	s0 =	rddreg [dreg:$0x0];
	s2 =	stileid.u32  }
0x64: {  	s1 =	rddreg [dreg:$0x1];
	p0 =	sne.s32 s2, $0x0  }
0x65: {  	s3 =	rddreg [dreg:$0x2];
	[bflag:$0x3] =	sbarrier.arrive $0xFFFF;
	s2 =	simm.s32 @!p0 $0x1C03  }
0x66: {  	[timem:s3], [sflag:s2] =	dma.local @!p0 [hbm:s0], s1  }
0x67: {  	s0 =	simm.s32 @!p0 $0x3  }
0x68: {  	_ =	swait.ge @!p0 [sflag:s0], s1  }
0x69: {  	s1 =	ssub.s32 @!p0 $0x0, s1;
	[sflag:s0] =	ssyncset.done @!p0 $0x0  }
0x6a: {  	[sflag:s0] =	ssyncadd.s32 @!p0 s1  }
0x6b: {  	[bflag:$0x3] =	sbarrier.arrive $0xFFFF  }
0x6c: {  	_ =	shalt  }

// kernel: kernel.16.cloned.1.call-start
scs
__scs_entry_jumppad:
0x0: {  	(pc) =	sbr.rel $0x88, $3  }
0x1: {  	(tag) =	ssettag $0x0;
	lr =	simm.s32 $0x1  }
0x2: {  	[smem:$0x3F99] =	sst lr;
	_ =	strace $0xD0000000  }
0x3: {  	_ = 	snop  }
0x4: {  	_ = 	snop  }
0x5: {  	_ = 	snop  }
0x6: {  	_ = 	snop  }
0x7: {  	_ = 	snop  }
__scs_overlays_trampoline_lowered:
0x8: {  	[smem:$0x3FA8] =	sst s0  }
0x9: {  	[smem:$0x3FA9] =	sst s1  }
0xa: {  	[smem:$0x3FAA] =	sst s2  }
0xb: {  	[smem:$0x3FAB] =	sst s3  }
0xc: {  	[smem:$0x3FAC] =	sst s4  }
0xd: {  	[smem:$0x3FAD] =	sst s5  }
0xe: {  	[smem:$0x3FAE] =	sst s6  }
0xf: {  	[smem:$0x3FAF] =	sst s7  }
0x10: {  	[smem:$0x3FB0] =	sst s8  }
0x11: {  	[smem:$0x3FB1] =	sst s9;
	s0 =	simm.s32 @!p0 $0x0  }
0x12: {  	s1 =	sld [smem:$0x3F97];
	s0 =	simm.s32 @p0 $0x1  }
0x13: {  	[smem:$0x3FB2] =	sst s0;
	s0 =	simm.s32 @!p1 $0x0  }
0x14: {  	s2 =	sld [smem:$0x3F96];
	s0 =	simm.s32 @p1 $0x1  }
0x15: {  	[smem:$0x3FB3] =	sst s0;
	s0 =	simm.s32 @!p2 $0x0  }
0x16: {  	s3 =	sld [smem:$0x3FDB];
	s0 =	simm.s32 @p2 $0x1  }
0x17: {  	s4 =	simm.s32 $0x1BF5;
	[smem:$0x3FB5] =	sst s0  }
0x18: {  	s0 =	sld [smem:$0x3F98];
	_ =	swait.ge [sflag:s4], $0x0  }
0x19: {  	s7 =	sld [smem:$0x3F99]  }
0x1a: {  	s8 =	sadd.s32 $0xFFFFE003, lr  }
0x1b: {  	s9 =	sadd.s32 $0xFFFFFEF7, lr;
	s5 =	simm.s32 $0xFFFFFFFF;
	p2 =	slt.u32 s8, $0xFFFFF086  }
0x1c: {  	p1 =	slt.u32 s9, $0xF7A;
	s5 =	simm.s32 @!p2 $0x0  }
0x1d: {  	s5 =	simm.s32 @p1 $0x1;
	p0 =	seq.s32 s7, s2  }
0x1e: {  	s7 =	smul.u32 @!p0 $0xF7A, s2;
	p2 =	seq.s32 @!p0 s5, $0x0  }
0x1f: {  	s9 =	smul.u32 $0xF7A, s1;
	s8 =	simm.s32 @!p0 $0x1BF5;
	p2 =	por !p2, p0  }
0x20: {  	[sflag:s8] =	ssyncset.s32 @!p0 $0xFFFFF086;
	s6 =	sadd.s32 @!p0 s3, s7;
	s7 =	simm.s32 @!p0 $0x108  }
0x21: {  	s3 =	sadd.s32 s3, s9;
	s6 =	sadd.s32 @!p0 $0x88, s6;
	s7 =	simm.s32 @p2 $0x1082  }
0x22: {  	[simem:s7], [sflag:s8] =	dma.local @!p0 [hbm:s6], $0xF7A  }
0x23: {  	s9 =	sor.u32 $0xD0000000, s2;
	s6 =	simm.s32 $0x108;
	_ =	swait.ge @!p0 [sflag:s8], $0x0  }
0x24: {  	s3 =	sadd.s32 $0x88, s3;
	s6 =	simm.s32 @!p1 $0x1082;
	[sflag:s4] =	ssyncset.s32 $0xFFFFF086  }
0x25: {  	[simem:s6], [sflag:s4] =	dma.local [hbm:s3], $0xF7A  }
0x26: {  	[smem:$0x3F99] =	sst s1;
	(tag) =	ssettag s2;
	_ =	strace s9  }
0x27: {  	s1 =	sld [smem:$0x3FA9]  }
0x28: {  	s2 =	sld [smem:$0x3FAA]  }
0x29: {  	s4 =	sld [smem:$0x3FAC]  }
0x2a: {  	p0 =	seq.s32 s5, $0x0;
	s5 =	sld [smem:$0x3FAD]  }
0x2b: {  	s6 =	sld [smem:$0x3FAE]  }
0x2c: {  	s7 =	sld [smem:$0x3FAF]  }
0x2d: {  	s3 =	simm.s32 $0x108;
	s8 =	sld [smem:$0x3FB0]  }
0x2e: {  	s3 =	simm.s32 @!p0 $0x1082;
	s9 =	sld [smem:$0x3FB1]  }
0x2f: {  	lr =	sadd.s32 s0, s3;
	s0 =	sld [smem:$0x3FA8]  }
0x30: {  	s3 =	sld [smem:$0x3FAB]  }
0x31: {  	[smem:$0x3FB4] =	sst s10  }
0x32: {  	s10 =	sld [smem:$0x3FB2];
	_ =	sdelay $0x3  }
0x33: {  	p0 =	seq.s32 s10, $0x1;
	s10 =	sld [smem:$0x3FB4];
	_ =	sdelay $0x3  }
0x34: {  	[smem:$0x3FB4] =	sst s10  }
0x35: {  	s10 =	sld [smem:$0x3FB3];
	_ =	sdelay $0x3  }
0x36: {  	p1 =	seq.s32 s10, $0x1;
	s10 =	sld [smem:$0x3FB4];
	_ =	sdelay $0x3  }
0x37: {  	[smem:$0x3FB4] =	sst s10  }
0x38: {  	s10 =	sld [smem:$0x3FB5]  }
0x39: {  	_ = 	snop;
	(pc) =	sbr.ind lr, $3  }
0x3a: {  	_ = 	snop  }
0x3b: {  	_ = 	snop  }
0x3c: {  	p2 =	seq.s32 s10, $0x1;
	s10 =	sld [smem:$0x3FB4]  }
0x3d: {  	_ =	shalt  }
0x3e: {  	_ =	shalt  }
0x3f: {  	_ =	shalt  }
0x40: {  	_ =	shalt  }
0x41: {  	_ =	shalt  }
0x42: {  	_ =	shalt  }
0x43: {  	_ =	shalt  }
0x44: {  	_ =	shalt  }
0x45: {  	_ =	shalt  }
0x46: {  	_ =	shalt  }
0x47: {  	_ =	shalt  }
0x48: {  	_ =	shalt  }
0x49: {  	_ =	shalt  }
0x4a: {  	_ =	shalt  }
0x4b: {  	_ =	shalt  }
0x4c: {  	_ =	shalt  }
0x4d: {  	_ =	shalt  }
0x4e: {  	_ =	shalt  }
0x4f: {  	_ =	shalt  }
0x50: {  	_ =	shalt  }
0x51: {  	_ =	shalt  }
0x52: {  	_ =	shalt  }
0x53: {  	_ =	shalt  }
0x54: {  	_ =	shalt  }
0x55: {  	_ =	shalt  }
0x56: {  	_ =	shalt  }
0x57: {  	_ =	shalt  }
0x58: {  	_ =	shalt  }
0x59: {  	_ =	shalt  }
0x5a: {  	_ =	shalt  }
0x5b: {  	_ =	shalt  }
0x5c: {  	_ =	shalt  }
0x5d: {  	_ =	shalt  }
0x5e: {  	_ =	shalt  }
0x5f: {  	_ =	shalt  }
0x60: {  	_ =	shalt  }
0x61: {  	_ =	shalt  }
0x62: {  	_ =	shalt  }
0x63: {  	_ =	shalt  }
0x64: {  	_ =	shalt  }
0x65: {  	_ =	shalt  }
0x66: {  	_ =	shalt  }
0x67: {  	_ =	shalt  }
0x68: {  	_ =	shalt  }
0x69: {  	_ =	shalt  }
0x6a: {  	_ =	shalt  }
0x6b: {  	_ =	shalt  }
0x6c: {  	_ =	shalt  }
0x6d: {  	_ =	shalt  }
0x6e: {  	_ =	shalt  }
0x6f: {  	_ =	shalt  }
0x70: {  	_ =	shalt  }
0x71: {  	_ =	shalt  }
0x72: {  	_ =	shalt  }
0x73: {  	_ =	shalt  }
0x74: {  	_ =	shalt  }
0x75: {  	_ =	shalt  }
0x76: {  	_ =	shalt  }
0x77: {  	_ =	shalt  }
0x78: {  	_ =	shalt  }
0x79: {  	_ =	shalt  }
0x7a: {  	_ =	shalt  }
0x7b: {  	_ =	shalt  }
0x7c: {  	_ =	shalt  }
0x7d: {  	_ =	shalt  }
0x7e: {  	_ =	shalt  }
0x7f: {  	_ =	shalt  }
0x80: {  	_ =	shalt  }
0x81: {  	_ =	shalt  }
0x82: {  	_ =	shalt  }
0x83: {  	_ =	shalt  }
0x84: {  	_ =	shalt  }
0x85: {  	_ =	shalt  }
0x86: {  	_ =	shalt  }
0x87: {  	_ =	shalt  }
.Lfunc_end0:
.L_simem_size_0:
called_computation.2_lowered:
.L_overlay_start_0:
0x88: {  	s2 =	sld [smem:$0x3FD9]  }
0x89: {  	s3 =	sld [smem:$0x3FFE];
	_ =	sdelay $0x1  }
0x8a: {  	s1 =	srdreg.scid  }
0x8b: {  	s0 =	sand.u32 $0x1, s1  }
0x8c: {  	s14 =	sshll.u32 s0, $0xA;
	s2 =	sadd.s32 s3, s2  }
0x8d: {  	s2 =	sadd.s32 s2, s14  }
0x8e: {  	[smem:$0x3FC0] =	sst s2  }
0x8f: {  	_ = 	snop  }
0x90: {  	s2 =	sld [smem:$0x3FD0];
	_ =	sdelay $0x2  }
0x91: {  	s15 =	simm.s32 $0xB;
	s4 =	simm.s32 $0x10  }
0x92: {  	[smem:s4], [sflag:s15] =	dma.local [hbm:s2], $0x1  }
0x93: {  	_ =	swait.eq [sflag:s15], $0x1  }
0x94: {  	[sflag:s15] =	ssyncset.done $0x0  }
0x95: {  	s16 =	sld [smem:$0x10];
	[sflag:s15] =	ssyncadd.s32 $0xFFFFFFFF  }
0x96: {  	s17 =	sld [smem:$0x14];
	(tm) =	ssettm $0x1  }
0x97: {  	s18 =	sld [smem:$0x3FFB];
	_ =	sdelay $0x3  }
0x98: {  	_ =	strace s18  }
0x99: {  	s4 =	sld [smem:$0x3FFC];
	_ =	sdelay $0x3  }
0x9a: {  	_ =	strace s4  }
0x9b: {  	s4 =	sld [smem:$0x3FFD];
	_ =	sdelay $0x3  }
0x9c: {  	_ =	strace s4  }
0x9d: {  	_ =	strace $0x8FFFFFFF  }
0x9e: {  	s19 =	sld [smem:$0x3FDB];
	_ =	sdelay $0x1  }
0x9f: {  	s5 =	simm.s32 $_scs_section_size  }
0xa0: {  	s6 =	simm.s32 $_size__tile_overlayer_lowered;
	s7 =	simm.s32 $_tile_overlayer_lowered  }
0xa1: {  	s22 =	simm.s32 $0x1BFF;
	s21 =	sshll.u32 s7, $0x1;
	s4 =	sadd.s32 s5, s19  }
0xa2: {  	s8 =	simm.s32 $0x0;
	s20 =	sshll.u32 s6, $0x1;
	s6 =	sadd.s32 s21, s4  }
0xa3: {  	[timem:s8], [sflag:s22] =	dma.local [hbm:s6], s20  }
0xa4: {  	_ =	swait.ge [sflag:s22], s20  }
0xa5: {  	s5 =	ssub.s32 $0x0, s20;
	[sflag:s22] =	ssyncset.done $0x0  }
0xa6: {  	[sflag:s22] =	ssyncadd.s32 s5;
	_ =	sdelay $0x1  }
0xa7: {  	s23 =	simm.s32 $0x1B8B  }
0xa8: {  	_ =	swait.ge [sflag:s23], $0x1  }
0xa9: {  	[sflag:s23] =	ssyncset.done $0x0  }
0xaa: {  	s25 =	simm.s32 $0x1B8E;
	s24 =	sld [smem:$0x3FFE];
	[sflag:s23] =	ssyncadd.s32 $0xFFFFFFFF  }
0xab: {  	s26 =	simm.s32 $execute0_lowered;
	[smem:$0x3FD2] =	sst s25  }
0xac: {  	s6 =	sshll.u32 s26, $0x1;
	_ =	strace $0x80000049;
	[dreg:$0x1] =	wrdreg $0xFFFFFFFF  }
0xad: {  	s28 =	simm.s32 $_size_execute0_lowered;
	s4 =	sadd.s32 s4, s6;
	[dreg:$0x0] =	wrdreg $0x0  }
0xae: {  	s6 =	sshll.u32 s28, $0x1;
	[dreg:$0x2] =	wrdreg s4  }
0xaf: {  	[dreg:$0x3] =	wrdreg s6  }
0xb0: {  	[dreg:$0x4] =	wrdreg $0xC0  }
0xb1: {  	_ =	task [dreg:s8], $0x5FFFF  }
0xb2: {  	[dreg:$0x1] =	wrdreg $0xFFFFFFFF  }
0xb3: {  	[dreg:$0x0] =	wrdreg $0x60  }
0xb4: {  	[dreg:$0x2] =	wrdreg s24  }
0xb5: {  	[dreg:$0x3] =	wrdreg s17  }
0xb6: {  	[dreg:$0x4] =	wrdreg s16  }
0xb7: {  	[dreg:$0x5] =	wrdreg $0x9E200  }
0xb8: {  	[dreg:$0x6] =	wrdreg $0xA  }
0xb9: {  	_ =	task.clear_ibuf [dreg:s8], $0x7FFFF;
	_ =	strace $0x90000049  }
0xba: {  	s29 =	simm.s32 $0xA;
	_ =	strace $0x8000004B  }
0xbb: {  	_ =	swait.ge [sflag:s29], $0x1  }
0xbc: {  	[sflag:s29] =	ssyncadd.s32 $0xFFFFFFFF  }
0xbd: {  	_ =	strace $0x9000004B  }
0xbe: {  	_ =	sfence  }
0xbf: {  	s30 =	sld [smem:$0x0];
	_ =	sdelay $0x2  }
0xc0: {  	s31 =	sshll.u32 s1, $0xD;
	s1 =	sshrl.u32 s1, $0x2  }
0xc1: {  	s3 =	sand.u32 $0x4000, s31;
	s1 =	sadd.s32 s1, s30  }
0xc2: {  	s0 =	sor.u32 s3, s0;
	s1 =	sshll.u32 s1, $0x11  }
0xc3: {  	s0 =	sor.u32 s1, s0  }
0xc4: {  	s0 =	sadd.s32 $0x8F2B, s0  }
0xc5: {  	[sflag:s0] =	ssyncadd.remote.s32 $0x1  }
0xc6: {  	_ =	sfence.sel $0xFFFF  }
0xc7: {  	[dreg:$0x0] =	wrdreg $0xFFFFFFFF;
	(pc) =	sbr.abs _section_cstart, $3  }
0xc8: {  	[dreg:$0x1] =	wrdreg $0xFFFFFFFF  }
0xc9: {  	_ =	task.clear_ibuf [dreg:s8], $0x2FFFF;
	_ =	strace $0x9FFFFFFF  }
0xca: {  	(tm) =	ssettm $0x7FFFFFFF  }
0xcb: {  	_ =	shalt  }
tec
execute0_lowered:
.L_overlay_start_1:
0x0: {  	(tag) =	ssettag $0x1  }
0x1: {  	s5 =	rddreg [dreg:$0x0]  }
0x2: {  	s7 =	rddreg [dreg:$0x1]  }
0x3: {  	s8 =	rddreg [dreg:$0x2]  }
0x4: {  	s2 =	rddreg [dreg:$0x3];
	s0 =	stileid.u32  }
0x5: {  	s4 =	srdreg.scid;
	s1 =	rddreg [dreg:$0x4]  }
0x6: {  	s3 =	simm.s32 $0x0;
	s15 =	simm.s32 $0x4E20;
	s16 =	simm.s32 $0x7620  }
0x7: {  	s17 =	simm.s32 $0x1;
	s18 =	simm.s32 $0x2;
	s19 =	simm.s32 $0x4DD0  }
0x8: {  	s20 =	simm.s32 $0x0;
	s6 =	smul.u32 $0x14000, s0;
	s9 =	sand.u32 $0x1, s4  }
0x9: {  	[smem:$0x7FF] =	sst s3;
	s4 =	sadd.s32 $0x29800, s5;
	s13 =	sshll.u32 s0, $0x1  }
0xa: {  	s31 =	sshll.u32 s0, $0x6;
	s11 =	smul.u32 $0x140000, s9;
	_ =	strace $0x8000004A  }
0xb: {  	s12 =	ssub.s32 $0x2, s9;
	s9 =	sor.u32 s9, s13;
	s13 =	simm.s32 $0x2710  }
0xc: {  	s10 =	sshrl.u32 s6, $0x3;
	s14 =	sshrl.u32 s12, $0x1;
	s9 =	smul.u32 $0x4E2, s9  }
0xd: {  	s30 =	sadd.s32 s6, s2;
	s10 =	sadd.s32 s10, s5;
	s11 =	sadd.s32 s6, s11  }
0xe: {  	s12 =	ssub.s32 s12, s14;
	s6 =	sor.u32 $0x1C03, s31;
	s14 =	simm.s32 $0x50  }
0xf: {  	s11 =	sshrl.u32 s11, $0x3;
	s7 =	sadd.s32 s7, s9;
	s8 =	sadd.s32 s8, s9  }
0x10: {  	s11 =	sadd.s32 s11, s5;
	s5 =	sadd.s32 $0x79800, s10;
	s10 =	smax.u32 s12, $0x1  }
0x11: {  	s12 =	simm.s32 $0x3;
	s9 =	sadd.s32 $0xA1800, s11;
	s11 =	sshrl.u32 s30, $0x3  }
.LBB2_1:
0x12: {  	[spmem:s11], [sflag:s6] =	dma.local [hbm:s5], $0x2800  }
0x13: {  	_ =	swait.ge [sflag:s12], $0x2800  }
0x14: {  	[sflag:s12] =	ssyncset.done $0x0  }
0x15: {  	[sflag:s12] =	ssyncadd.s32 $0xFFFFD800  }
0x16: {  	[tilespmem:s3], [sflag:$0x3] =	stream.linear.gather [hbm4b:s7+s3], $0x2710, $0x38;
	[tilespmem:$0x1DE20] =	vst v63  }
0x17: {  	_ =	swait.ge [sflag:s12], $0x2710  }
0x18: {  	[sflag:s12] =	ssyncset.done $0x0  }
0x19: {  	[sflag:s12] =	ssyncadd.s32 $0xFFFFD8F0  }
0x1a: {  	[tilespmem:s13], [sflag:$0x3] =	stream.linear.gather [hbm4b:s8+s3], $0x2710, $0x38;
	[tilespmem:$0x1DE20] =	vst v63  }
0x1b: {  	_ =	swait.ge [sflag:s12], $0x2710  }
0x1c: {  	[sflag:s12] =	ssyncset.done $0x0  }
0x1d: {  	[sflag:s12] =	ssyncadd.s32 $0xFFFFD8F0  }
0x1e: {  	[tilespmem:s15], [sflag:$0x1] =	stream.indirect.gather [hbm4b:s4+s14], $0x80, s3, s14, $0xb8;
	[tilespmem:$0x1DE20] =	vst v63  }
0x1f: {  	s21 =	simm.s32 $0x50  }
0x20: {  	[tilespmem:s16], [sflag:$0x2] =	stream.indirect.gather [hbm4b:s4+s14], $0x80, s21, s14, $0xb8;
	[tilespmem:$0x1DE20] =	vst v63  }
0x21: {  	_ =	swait.ge [sflag:s17], $0x2800  }
0x22: {  	[sflag:s17] =	ssyncset.done $0x0  }
0x23: {  	s29 =	simm.s32 $0x2710;
	[sflag:s17] =	ssyncadd.s32 $0xFFFFD800  }
0x24: {  	[spmem:s2] =	stream.indirect.scatter.add.f32 [tilespmem:s15], [sflag:$0x3], $0x80, s29, s14, $0xb8;
	[tilespmem:$0x1DE20] =	vst v63  }
0x25: {  	_ =	swait.ge [sflag:s12], $0x2800  }
0x26: {  	[sflag:s12] =	ssyncset.done $0x0  }
0x27: {  	s30 =	simm.s32 $0xA0;
	[sflag:s12] =	ssyncadd.s32 $0xFFFFD800  }
0x28: {  	[tilespmem:s15], [sflag:$0x1] =	stream.indirect.gather [hbm4b:s4+s14], $0x80, s30, s14, $0xb8;
	[tilespmem:$0x1DE20] =	vst v63  }
0x29: {  	_ =	swait.ge [sflag:s18], $0x2800  }
0x2a: {  	[sflag:s18] =	ssyncset.done $0x0  }
0x2b: {  	s31 =	simm.s32 $0x2760;
	[sflag:s18] =	ssyncadd.s32 $0xFFFFD800  }
0x2c: {  	[spmem:s2] =	stream.indirect.scatter.add.f32 [tilespmem:s16], [sflag:$0x3], $0x80, s31, s14, $0xb8;
	[tilespmem:$0x1DE20] =	vst v63  }
0x2d: {  	_ =	swait.ge [sflag:s12], $0x2800  }
0x2e: {  	s22 =	simm.s32 $0x500;
	s21 =	simm.s32 $0xA0;
	[sflag:s12] =	ssyncset.done $0x0  }
.LBB2_2:
0x2f: {  	s23 =	sadd.s32 $0x50, s21  }
0x30: {  	[sflag:s12] =	ssyncadd.s32 $0xFFFFD800;
	s24 =	smov.u32 s22;
	s25 =	sadd.s32 $0x280, s22  }
0x31: {  	[tilespmem:s16], [sflag:$0x2] =	stream.indirect.gather [hbm4b:s4+s14], $0x80, s23, s14, $0xb8;
	[tilespmem:$0x1DE20] =	vst v63  }
0x32: {  	p0 =	sne.s32 s22, $0x9880;
	_ =	swait.ge [sflag:s17], $0x2800  }
0x33: {  	[sflag:s17] =	ssyncset.done $0x0  }
0x34: {  	s22 =	sadd.s32 $0x2710, s21;
	[sflag:s17] =	ssyncadd.s32 $0xFFFFD800  }
0x35: {  	[spmem:s2] =	stream.indirect.scatter.add.f32 [tilespmem:s15], [sflag:$0x3], $0x80, s22, s14, $0xb8;
	[tilespmem:$0x1DE20] =	vst v63  }
0x36: {  	_ =	swait.ge [sflag:s12], $0x2800  }
0x37: {  	[sflag:s12] =	ssyncset.done $0x0  }
0x38: {  	s22 =	sadd.s32 $0xA0, s21;
	[sflag:s12] =	ssyncadd.s32 $0xFFFFD800  }
0x39: {  	[tilespmem:s15], [sflag:$0x1] =	stream.indirect.gather [hbm4b:s4+s14], $0x80, s22, s14, $0xb8;
	[tilespmem:$0x1DE20] =	vst v63  }
0x3a: {  	_ =	swait.ge [sflag:s18], $0x2800  }
.Ltmp0:
0x3b: {  	[sflag:s18] =	ssyncset.done $0x0;
	(pc) =	sbr.rel @p0 .LBB2_2-.Ltmp0, $4  }
0x3c: {  	s21 =	sadd.s32 $0x2760, s21;
	[sflag:s18] =	ssyncadd.s32 $0xFFFFD800  }
0x3d: {  	[spmem:s2] =	stream.indirect.scatter.add.f32 [tilespmem:s16], [sflag:$0x3], $0x80, s21, s14, $0xb8;
	[tilespmem:$0x1DE20] =	vst v63  }
0x3e: {  	_ =	swait.ge [sflag:s12], $0x2800  }
0x3f: {  	s22 =	smov.u32 s25;
	s21 =	sshra.s32 s24, $0x2;
	[sflag:s12] =	ssyncset.done $0x0  }
0x40: {  	s22 =	sadd.s32 $0x50, s21;
	[sflag:s12] =	ssyncadd.s32 $0xFFFFD800  }
0x41: {  	[tilespmem:s16], [sflag:$0x2] =	stream.indirect.gather [hbm4b:s4+s14], $0x80, s22, s14, $0xb8;
	[tilespmem:$0x1DE20] =	vst v63  }
0x42: {  	_ =	swait.ge [sflag:s17], $0x2800  }
0x43: {  	[sflag:s17] =	ssyncset.done $0x0  }
0x44: {  	s29 =	sadd.s32 $0x2710, s21;
	[sflag:s17] =	ssyncadd.s32 $0xFFFFD800  }
0x45: {  	[spmem:s2] =	stream.indirect.scatter.add.f32 [tilespmem:s15], [sflag:$0x3], $0x80, s29, s14, $0xb8;
	[tilespmem:$0x1DE20] =	vst v63  }
0x46: {  	_ =	swait.ge [sflag:s12], $0x2800  }
0x47: {  	[sflag:s12] =	ssyncset.done $0x0  }
0x48: {  	s30 =	sadd.s32 $0xA0, s21;
	[sflag:s12] =	ssyncadd.s32 $0xFFFFD800  }
0x49: {  	[tilespmem:s15], [sflag:$0x1] =	stream.indirect.gather [hbm4b:s4+s14], $0x80, s30, s14, $0xb8;
	[tilespmem:$0x1DE20] =	vst v63  }
0x4a: {  	_ =	swait.ge [sflag:s18], $0x2800  }
0x4b: {  	[sflag:s18] =	ssyncset.done $0x0  }
0x4c: {  	s31 =	sadd.s32 $0x2760, s21;
	[sflag:s18] =	ssyncadd.s32 $0xFFFFD800  }
0x4d: {  	[spmem:s2] =	stream.indirect.scatter.add.f32 [tilespmem:s16], [sflag:$0x3], $0x80, s31, s14, $0xb8;
	[tilespmem:$0x1DE20] =	vst v63  }
0x4e: {  	_ =	swait.ge [sflag:s12], $0x2800  }
0x4f: {  	[sflag:s12] =	ssyncset.done $0x0  }
0x50: {  	[sflag:s12] =	ssyncadd.s32 $0xFFFFD800  }
0x51: {  	_ =	swait.ge [sflag:s17], $0x2800  }
0x52: {  	[sflag:s17] =	ssyncset.done $0x0  }
0x53: {  	[sflag:s17] =	ssyncadd.s32 $0xFFFFD800  }
0x54: {  	[spmem:s2] =	stream.indirect.scatter.add.f32 [tilespmem:s15], [sflag:$0x3], $0x80, s19, s14, $0xb8;
	[tilespmem:$0x1DE20] =	vst v63  }
0x55: {  	_ =	swait.ge [sflag:s12], $0x2800  }
0x56: {  	s20 =	sadd.s32 $0x1, s20;
	[sflag:s12] =	ssyncset.done $0x0  }
0x57: {  	p0 =	sne.s32 s20, s10;
	[sflag:s12] =	ssyncadd.s32 $0xFFFFD800  }
.Ltmp1:
0x58: {  	[bflag:$0x0] =	sbarrier.arrive $0xFFFF;
	(pc) =	sbr.rel @p0 .LBB2_1-.Ltmp1, $4  }
0x59: {  	[hbm:s9], [sflag:s6] =	dma.local [spmem:s11], $0x2800  }
0x5a: {  	_ =	swait.ge [sflag:s12], $0x2800  }
0x5b: {  	[sflag:s12] =	ssyncset.done $0x0  }
0x5c: {  	[sflag:s12] =	ssyncadd.s32 $0xFFFFD800  }
0x5d: {  	_ =	sfence.sel $0x180000  }
0x5e: {  	[bflag:$0x0] =	sbarrier.arrive $0xFFFF  }
0x5f: {  	p0 =	sne.s32 s0, $0x0;
	_ =	strace $0x9000004A  }
0x60: {  	s0 =	sadd.s32 @!p0 $0x100000, s1;
	[bflag:$0x2] =	sbarrier.arrive $0xFFFF  }
0x61: {  	[sflag:s0] =	ssyncadd.tile.s32 @!p0 $0x1;
	_ =	shalt  }
.Lfunc_end2:
_tile_overlayer_lowered:
.L_overlay_start_2:
0x62: {  	(tag) =	ssettag $0x2  }
0x63: {  	s0 =	rddreg [dreg:$0x0];
	s2 =	stileid.u32  }
0x64: {  	s1 =	rddreg [dreg:$0x1];
	p0 =	sne.s32 s2, $0x0  }
0x65: {  	s3 =	rddreg [dreg:$0x2];
	[bflag:$0x3] =	sbarrier.arrive $0xFFFF;
	s2 =	simm.s32 @!p0 $0x1C03  }
0x66: {  	[timem:s3], [sflag:s2] =	dma.local @!p0 [hbm:s0], s1  }
0x67: {  	s0 =	simm.s32 @!p0 $0x3  }
0x68: {  	_ =	swait.ge @!p0 [sflag:s0], s1  }
0x69: {  	s1 =	ssub.s32 @!p0 $0x0, s1;
	[sflag:s0] =	ssyncset.done @!p0 $0x0  }
0x6a: {  	[sflag:s0] =	ssyncadd.s32 @!p0 s1  }
0x6b: {  	[bflag:$0x3] =	sbarrier.arrive $0xFFFF  }
0x6c: {  	_ =	shalt  }

// kernel: kernel.19.cloned.1.call-start
scs
__scs_entry_jumppad:
0x0: {  	(pc) =	sbr.rel $0x88, $3  }
0x1: {  	(tag) =	ssettag $0x0;
	lr =	simm.s32 $0x1  }
0x2: {  	[smem:$0x3F99] =	sst lr;
	_ =	strace $0xD0000000  }
0x3: {  	_ = 	snop  }
0x4: {  	_ = 	snop  }
0x5: {  	_ = 	snop  }
0x6: {  	_ = 	snop  }
0x7: {  	_ = 	snop  }
__scs_overlays_trampoline_lowered:
0x8: {  	[smem:$0x3FA8] =	sst s0  }
0x9: {  	[smem:$0x3FA9] =	sst s1  }
0xa: {  	[smem:$0x3FAA] =	sst s2  }
0xb: {  	[smem:$0x3FAB] =	sst s3  }
0xc: {  	[smem:$0x3FAC] =	sst s4  }
0xd: {  	[smem:$0x3FAD] =	sst s5  }
0xe: {  	[smem:$0x3FAE] =	sst s6  }
0xf: {  	[smem:$0x3FAF] =	sst s7  }
0x10: {  	[smem:$0x3FB0] =	sst s8  }
0x11: {  	[smem:$0x3FB1] =	sst s9;
	s0 =	simm.s32 @!p0 $0x0  }
0x12: {  	s1 =	sld [smem:$0x3F97];
	s0 =	simm.s32 @p0 $0x1  }
0x13: {  	[smem:$0x3FB2] =	sst s0;
	s0 =	simm.s32 @!p1 $0x0  }
0x14: {  	s2 =	sld [smem:$0x3F96];
	s0 =	simm.s32 @p1 $0x1  }
0x15: {  	[smem:$0x3FB3] =	sst s0;
	s0 =	simm.s32 @!p2 $0x0  }
0x16: {  	s3 =	sld [smem:$0x3FDB];
	s0 =	simm.s32 @p2 $0x1  }
0x17: {  	s4 =	simm.s32 $0x1BF5;
	[smem:$0x3FB5] =	sst s0  }
0x18: {  	s0 =	sld [smem:$0x3F98];
	_ =	swait.ge [sflag:s4], $0x0  }
0x19: {  	s7 =	sld [smem:$0x3F99]  }
0x1a: {  	s8 =	sadd.s32 $0xFFFFE003, lr  }
0x1b: {  	s9 =	sadd.s32 $0xFFFFFEF7, lr;
	s5 =	simm.s32 $0xFFFFFFFF;
	p2 =	slt.u32 s8, $0xFFFFF086  }
0x1c: {  	p1 =	slt.u32 s9, $0xF7A;
	s5 =	simm.s32 @!p2 $0x0  }
0x1d: {  	s5 =	simm.s32 @p1 $0x1;
	p0 =	seq.s32 s7, s2  }
0x1e: {  	s7 =	smul.u32 @!p0 $0xF7A, s2;
	p2 =	seq.s32 @!p0 s5, $0x0  }
0x1f: {  	s9 =	smul.u32 $0xF7A, s1;
	s8 =	simm.s32 @!p0 $0x1BF5;
	p2 =	por !p2, p0  }
0x20: {  	[sflag:s8] =	ssyncset.s32 @!p0 $0xFFFFF086;
	s6 =	sadd.s32 @!p0 s3, s7;
	s7 =	simm.s32 @!p0 $0x108  }
0x21: {  	s3 =	sadd.s32 s3, s9;
	s6 =	sadd.s32 @!p0 $0x88, s6;
	s7 =	simm.s32 @p2 $0x1082  }
0x22: {  	[simem:s7], [sflag:s8] =	dma.local @!p0 [hbm:s6], $0xF7A  }
0x23: {  	s9 =	sor.u32 $0xD0000000, s2;
	s6 =	simm.s32 $0x108;
	_ =	swait.ge @!p0 [sflag:s8], $0x0  }
0x24: {  	s3 =	sadd.s32 $0x88, s3;
	s6 =	simm.s32 @!p1 $0x1082;
	[sflag:s4] =	ssyncset.s32 $0xFFFFF086  }
0x25: {  	[simem:s6], [sflag:s4] =	dma.local [hbm:s3], $0xF7A  }
0x26: {  	[smem:$0x3F99] =	sst s1;
	(tag) =	ssettag s2;
	_ =	strace s9  }
0x27: {  	s1 =	sld [smem:$0x3FA9]  }
0x28: {  	s2 =	sld [smem:$0x3FAA]  }
0x29: {  	s4 =	sld [smem:$0x3FAC]  }
0x2a: {  	p0 =	seq.s32 s5, $0x0;
	s5 =	sld [smem:$0x3FAD]  }
0x2b: {  	s6 =	sld [smem:$0x3FAE]  }
0x2c: {  	s7 =	sld [smem:$0x3FAF]  }
0x2d: {  	s3 =	simm.s32 $0x108;
	s8 =	sld [smem:$0x3FB0]  }
0x2e: {  	s3 =	simm.s32 @!p0 $0x1082;
	s9 =	sld [smem:$0x3FB1]  }
0x2f: {  	lr =	sadd.s32 s0, s3;
	s0 =	sld [smem:$0x3FA8]  }
0x30: {  	s3 =	sld [smem:$0x3FAB]  }
0x31: {  	[smem:$0x3FB4] =	sst s10  }
0x32: {  	s10 =	sld [smem:$0x3FB2];
	_ =	sdelay $0x3  }
0x33: {  	p0 =	seq.s32 s10, $0x1;
	s10 =	sld [smem:$0x3FB4];
	_ =	sdelay $0x3  }
0x34: {  	[smem:$0x3FB4] =	sst s10  }
0x35: {  	s10 =	sld [smem:$0x3FB3];
	_ =	sdelay $0x3  }
0x36: {  	p1 =	seq.s32 s10, $0x1;
	s10 =	sld [smem:$0x3FB4];
	_ =	sdelay $0x3  }
0x37: {  	[smem:$0x3FB4] =	sst s10  }
0x38: {  	s10 =	sld [smem:$0x3FB5]  }
0x39: {  	_ = 	snop;
	(pc) =	sbr.ind lr, $3  }
0x3a: {  	_ = 	snop  }
0x3b: {  	_ = 	snop  }
0x3c: {  	p2 =	seq.s32 s10, $0x1;
	s10 =	sld [smem:$0x3FB4]  }
0x3d: {  	_ =	shalt  }
0x3e: {  	_ =	shalt  }
0x3f: {  	_ =	shalt  }
0x40: {  	_ =	shalt  }
0x41: {  	_ =	shalt  }
0x42: {  	_ =	shalt  }
0x43: {  	_ =	shalt  }
0x44: {  	_ =	shalt  }
0x45: {  	_ =	shalt  }
0x46: {  	_ =	shalt  }
0x47: {  	_ =	shalt  }
0x48: {  	_ =	shalt  }
0x49: {  	_ =	shalt  }
0x4a: {  	_ =	shalt  }
0x4b: {  	_ =	shalt  }
0x4c: {  	_ =	shalt  }
0x4d: {  	_ =	shalt  }
0x4e: {  	_ =	shalt  }
0x4f: {  	_ =	shalt  }
0x50: {  	_ =	shalt  }
0x51: {  	_ =	shalt  }
0x52: {  	_ =	shalt  }
0x53: {  	_ =	shalt  }
0x54: {  	_ =	shalt  }
0x55: {  	_ =	shalt  }
0x56: {  	_ =	shalt  }
0x57: {  	_ =	shalt  }
0x58: {  	_ =	shalt  }
0x59: {  	_ =	shalt  }
0x5a: {  	_ =	shalt  }
0x5b: {  	_ =	shalt  }
0x5c: {  	_ =	shalt  }
0x5d: {  	_ =	shalt  }
0x5e: {  	_ =	shalt  }
0x5f: {  	_ =	shalt  }
0x60: {  	_ =	shalt  }
0x61: {  	_ =	shalt  }
0x62: {  	_ =	shalt  }
0x63: {  	_ =	shalt  }
0x64: {  	_ =	shalt  }
0x65: {  	_ =	shalt  }
0x66: {  	_ =	shalt  }
0x67: {  	_ =	shalt  }
0x68: {  	_ =	shalt  }
0x69: {  	_ =	shalt  }
0x6a: {  	_ =	shalt  }
0x6b: {  	_ =	shalt  }
0x6c: {  	_ =	shalt  }
0x6d: {  	_ =	shalt  }
0x6e: {  	_ =	shalt  }
0x6f: {  	_ =	shalt  }
0x70: {  	_ =	shalt  }
0x71: {  	_ =	shalt  }
0x72: {  	_ =	shalt  }
0x73: {  	_ =	shalt  }
0x74: {  	_ =	shalt  }
0x75: {  	_ =	shalt  }
0x76: {  	_ =	shalt  }
0x77: {  	_ =	shalt  }
0x78: {  	_ =	shalt  }
0x79: {  	_ =	shalt  }
0x7a: {  	_ =	shalt  }
0x7b: {  	_ =	shalt  }
0x7c: {  	_ =	shalt  }
0x7d: {  	_ =	shalt  }
0x7e: {  	_ =	shalt  }
0x7f: {  	_ =	shalt  }
0x80: {  	_ =	shalt  }
0x81: {  	_ =	shalt  }
0x82: {  	_ =	shalt  }
0x83: {  	_ =	shalt  }
0x84: {  	_ =	shalt  }
0x85: {  	_ =	shalt  }
0x86: {  	_ =	shalt  }
0x87: {  	_ =	shalt  }
.Lfunc_end0:
.L_simem_size_0:
called_computation.3_lowered:
.L_overlay_start_0:
0x88: {  	s2 =	sld [smem:$0x3FD9]  }
0x89: {  	s3 =	sld [smem:$0x3FFE];
	_ =	sdelay $0x1  }
0x8a: {  	s1 =	srdreg.scid  }
0x8b: {  	s0 =	sand.u32 $0x1, s1  }
0x8c: {  	s15 =	sshll.u32 s0, $0xA;
	s2 =	sadd.s32 s3, s2  }
0x8d: {  	s2 =	sadd.s32 s2, s15  }
0x8e: {  	[smem:$0x3FC0] =	sst s2  }
0x8f: {  	_ = 	snop  }
0x90: {  	s2 =	sld [smem:$0x3FD0];
	_ =	sdelay $0x2  }
0x91: {  	s4 =	simm.s32 $0xB;
	s16 =	simm.s32 $0x10  }
0x92: {  	[smem:s16], [sflag:s4] =	dma.local [hbm:s2], $0x1  }
0x93: {  	_ =	swait.eq [sflag:s4], $0x1  }
0x94: {  	[sflag:s4] =	ssyncset.done $0x0  }
0x95: {  	s17 =	sld [smem:$0x12];
	[sflag:s4] =	ssyncadd.s32 $0xFFFFFFFF  }
0x96: {  	s18 =	sld [smem:$0x13];
	(tm) =	ssettm $0x1  }
0x97: {  	s19 =	sld [smem:$0x3FFB];
	_ =	sdelay $0x3  }
0x98: {  	_ =	strace s19  }
0x99: {  	s2 =	sld [smem:$0x3FFC];
	_ =	sdelay $0x3  }
0x9a: {  	_ =	strace s2  }
0x9b: {  	s2 =	sld [smem:$0x3FFD];
	_ =	sdelay $0x3  }
0x9c: {  	_ =	strace s2  }
0x9d: {  	_ =	strace $0x8FFFFFFF  }
0x9e: {  	s20 =	sld [smem:$0x3FDB];
	_ =	sdelay $0x1  }
0x9f: {  	s5 =	simm.s32 $_scs_section_size  }
0xa0: {  	s6 =	simm.s32 $_size__tile_overlayer_lowered;
	s7 =	simm.s32 $_tile_overlayer_lowered  }
0xa1: {  	s8 =	simm.s32 $0x1BFF;
	s21 =	sshll.u32 s7, $0x1;
	s5 =	sadd.s32 s5, s20  }
0xa2: {  	s22 =	simm.s32 $0x0;
	s6 =	sshll.u32 s6, $0x1;
	s7 =	sadd.s32 s21, s5  }
0xa3: {  	[timem:s22], [sflag:s8] =	dma.local [hbm:s7], s6  }
0xa4: {  	_ =	swait.ge [sflag:s8], s6  }
0xa5: {  	s6 =	ssub.s32 $0x0, s6;
	[sflag:s8] =	ssyncset.done $0x0  }
0xa6: {  	[sflag:s8] =	ssyncadd.s32 s6;
	_ =	sdelay $0x1  }
0xa7: {  	s23 =	simm.s32 $0x1B8B  }
0xa8: {  	_ =	swait.ge [sflag:s23], $0x1  }
0xa9: {  	[sflag:s23] =	ssyncset.done $0x0  }
0xaa: {  	[sflag:s23] =	ssyncadd.s32 $0xFFFFFFFF  }
0xab: {  	s6 =	sld [smem:$0x0]  }
0xac: {  	s7 =	sand.u32 $0xFFFFFFFE, s1  }
0xad: {  	p0 =	sne.s32 s1, s7  }
0xae: {  	s7 =	sshll.u32 @p0 s7, $0xE  }
0xaf: {  	s7 =	sadd.s32 @p0 $0x11B8D, s7;
	s8 =	sshll.u32 @p0 s6, $0x11  }
0xb0: {  	s7 =	sor.u32 @p0 s8, s7  }
0xb1: {  	[sflag:s7] =	ssyncadd.remote.s32 @p0 $0x1;
	_ =	sdelay $0x1  }
0xb2: {  	s7 =	simm.s32 @p0 $0x1B8D  }
0xb3: {  	_ =	swait.eq @p0 [sflag:s7], $0x1  }
0xb4: {  	[sflag:s7] =	ssyncadd.s32 @p0 $0xFFFFFFFF  }
0xb5: {  	s8 =	sshll.u32 @!p0 s1, $0xE  }
0xb6: {  	s8 =	sor.u32 @!p0 $0x4000, s8;
	s7 =	simm.s32 @!p0 $0x1B8D  }
0xb7: {  	s6 =	sshll.u32 @!p0 s6, $0x11;
	s8 =	sadd.s32 @!p0 $0x11B8D, s8;
	_ =	swait.eq @!p0 [sflag:s7], $0x1  }
0xb8: {  	s6 =	sor.u32 @!p0 s6, s8;
	[sflag:s7] =	ssyncadd.s32 @!p0 $0xFFFFFFFF  }
0xb9: {  	s25 =	simm.s32 $0x1B8E;
	s24 =	sld [smem:$0x3FFE];
	[sflag:s6] =	ssyncadd.remote.s32 @!p0 $0x1  }
0xba: {  	s26 =	simm.s32 $execute0_lowered;
	[smem:$0x3FD2] =	sst s25  }
0xbb: {  	s7 =	sshll.u32 s26, $0x1;
	_ =	strace $0x80000052;
	[dreg:$0x1] =	wrdreg $0xFFFFFFFF  }
0xbc: {  	s28 =	simm.s32 $_size_execute0_lowered;
	s5 =	sadd.s32 s5, s7;
	[dreg:$0x0] =	wrdreg $0x0  }
0xbd: {  	s7 =	sshll.u32 s28, $0x1;
	[dreg:$0x2] =	wrdreg s5  }
0xbe: {  	[dreg:$0x3] =	wrdreg s7  }
0xbf: {  	[dreg:$0x4] =	wrdreg $0xC0  }
0xc0: {  	_ =	task [dreg:s22], $0x5FFFF  }
0xc1: {  	[dreg:$0x1] =	wrdreg $0xFFFFFFFF  }
0xc2: {  	[dreg:$0x0] =	wrdreg $0x60  }
0xc3: {  	[dreg:$0x2] =	wrdreg s24  }
0xc4: {  	[dreg:$0x3] =	wrdreg s18  }
0xc5: {  	[dreg:$0x4] =	wrdreg s17  }
0xc6: {  	[dreg:$0x5] =	wrdreg $0x6C200  }
0xc7: {  	[dreg:$0x6] =	wrdreg $0x9  }
0xc8: {  	_ =	task.clear_ibuf [dreg:s22], $0x7FFFF;
	_ =	strace $0x90000052  }
0xc9: {  	s29 =	simm.s32 $0x9;
	_ =	strace $0x80000054  }
0xca: {  	_ =	swait.ge [sflag:s29], $0x1  }
0xcb: {  	[sflag:s29] =	ssyncadd.s32 $0xFFFFFFFF  }
0xcc: {  	_ =	strace $0x90000054  }
0xcd: {  	_ =	sfence  }
0xce: {  	s30 =	sld [smem:$0x0];
	_ =	sdelay $0x2  }
0xcf: {  	s31 =	sshll.u32 s1, $0xD;
	s1 =	sshrl.u32 s1, $0x2  }
0xd0: {  	s4 =	sand.u32 $0x4000, s31;
	s1 =	sadd.s32 s1, s30  }
0xd1: {  	s0 =	sor.u32 s4, s0;
	s1 =	sshll.u32 s1, $0x11  }
0xd2: {  	s0 =	sor.u32 s1, s0  }
0xd3: {  	s0 =	sadd.s32 $0x8F2B, s0  }
0xd4: {  	[sflag:s0] =	ssyncadd.remote.s32 $0x1  }
0xd5: {  	_ =	sfence.sel $0xFFFF  }
0xd6: {  	[dreg:$0x0] =	wrdreg $0xFFFFFFFF;
	(pc) =	sbr.abs _section_cstart, $3  }
0xd7: {  	[dreg:$0x1] =	wrdreg $0xFFFFFFFF  }
0xd8: {  	_ =	task.clear_ibuf [dreg:s22], $0x2FFFF;
	_ =	strace $0x9FFFFFFF  }
0xd9: {  	(tm) =	ssettm $0x7FFFFFFF  }
tec
execute0_lowered:
.L_overlay_start_1:
0x0: {  	(tag) =	ssettag $0x1  }
0x1: {  	s5 =	rddreg [dreg:$0x0]  }
0x2: {  	s7 =	rddreg [dreg:$0x1]  }
0x3: {  	s8 =	rddreg [dreg:$0x2]  }
0x4: {  	s2 =	rddreg [dreg:$0x3];
	s0 =	stileid.u32  }
0x5: {  	s4 =	srdreg.scid;
	s1 =	rddreg [dreg:$0x4]  }
0x6: {  	s3 =	simm.s32 $0x0;
	s15 =	simm.s32 $0x4E20;
	s16 =	simm.s32 $0x5D20  }
0x7: {  	s17 =	simm.s32 $0x1;
	s18 =	simm.s32 $0x2;
	s19 =	simm.s32 $0x4DD0  }
0x8: {  	s20 =	simm.s32 $0x0;
	s6 =	smul.u32 $0x7800, s0;
	s9 =	sand.u32 $0x1, s4  }
0x9: {  	[smem:$0x7FF] =	sst s3;
	s4 =	sadd.s32 $0x79800, s5;
	s13 =	sshll.u32 s0, $0x1  }
0xa: {  	s31 =	sshll.u32 s0, $0x6;
	s11 =	smul.u32 $0x78000, s9;
	_ =	strace $0x80000053  }
0xb: {  	s12 =	ssub.s32 $0x2, s9;
	s9 =	sor.u32 s9, s13;
	s13 =	simm.s32 $0x2710  }
0xc: {  	s10 =	sshrl.u32 s6, $0x3;
	s14 =	sshrl.u32 s12, $0x1;
	s9 =	smul.u32 $0x4E2, s9  }
0xd: {  	s30 =	sadd.s32 s6, s2;
	s10 =	sadd.s32 s10, s5;
	s11 =	sadd.s32 s6, s11  }
0xe: {  	s12 =	ssub.s32 s12, s14;
	s6 =	sor.u32 $0x1C03, s31;
	s14 =	simm.s32 $0x50  }
0xf: {  	s11 =	sshrl.u32 s11, $0x3;
	s7 =	sadd.s32 s7, s9;
	s8 =	sadd.s32 s8, s9  }
0x10: {  	s11 =	sadd.s32 s11, s5;
	s5 =	sadd.s32 $0x97800, s10;
	s10 =	smax.u32 s12, $0x1  }
0x11: {  	s12 =	simm.s32 $0x3;
	s9 =	sadd.s32 $0xC4800, s11;
	s11 =	sshrl.u32 s30, $0x3  }
.LBB2_1:
0x12: {  	[spmem:s11], [sflag:s6] =	dma.local [hbm:s5], $0xF00  }
0x13: {  	_ =	swait.ge [sflag:s12], $0xF00  }
0x14: {  	[sflag:s12] =	ssyncset.done $0x0  }
0x15: {  	[sflag:s12] =	ssyncadd.s32 $0xFFFFF100  }
0x16: {  	[tilespmem:s3], [sflag:$0x3] =	stream.linear.gather [hbm4b:s7+s3], $0x2710, $0x38;
	[tilespmem:$0xE420] =	vst v63  }
0x17: {  	_ =	swait.ge [sflag:s12], $0x2710  }
0x18: {  	[sflag:s12] =	ssyncset.done $0x0  }
0x19: {  	[sflag:s12] =	ssyncadd.s32 $0xFFFFD8F0  }
0x1a: {  	[tilespmem:s13], [sflag:$0x3] =	stream.linear.gather [hbm4b:s8+s3], $0x2710, $0x38;
	[tilespmem:$0xE420] =	vst v63  }
0x1b: {  	_ =	swait.ge [sflag:s12], $0x2710  }
0x1c: {  	[sflag:s12] =	ssyncset.done $0x0  }
0x1d: {  	[sflag:s12] =	ssyncadd.s32 $0xFFFFD8F0  }
0x1e: {  	[tilespmem:s15], [sflag:$0x1] =	stream.indirect.gather [hbm4b:s4+s14], $0x30, s3, s14, $0xb8;
	[tilespmem:$0xE420] =	vst v63  }
0x1f: {  	s21 =	simm.s32 $0x50  }
0x20: {  	[tilespmem:s16], [sflag:$0x2] =	stream.indirect.gather [hbm4b:s4+s14], $0x30, s21, s14, $0xb8;
	[tilespmem:$0xE420] =	vst v63  }
0x21: {  	_ =	swait.ge [sflag:s17], $0xF00  }
0x22: {  	[sflag:s17] =	ssyncset.done $0x0  }
0x23: {  	s29 =	simm.s32 $0x2710;
	[sflag:s17] =	ssyncadd.s32 $0xFFFFF100  }
0x24: {  	[spmem:s2] =	stream.indirect.scatter.add.f32 [tilespmem:s15], [sflag:$0x3], $0x30, s29, s14, $0xb8;
	[tilespmem:$0xE420] =	vst v63  }
0x25: {  	_ =	swait.ge [sflag:s12], $0xF00  }
0x26: {  	[sflag:s12] =	ssyncset.done $0x0  }
0x27: {  	s30 =	simm.s32 $0xA0;
	[sflag:s12] =	ssyncadd.s32 $0xFFFFF100  }
0x28: {  	[tilespmem:s15], [sflag:$0x1] =	stream.indirect.gather [hbm4b:s4+s14], $0x30, s30, s14, $0xb8;
	[tilespmem:$0xE420] =	vst v63  }
0x29: {  	_ =	swait.ge [sflag:s18], $0xF00  }
0x2a: {  	[sflag:s18] =	ssyncset.done $0x0  }
0x2b: {  	s31 =	simm.s32 $0x2760;
	[sflag:s18] =	ssyncadd.s32 $0xFFFFF100  }
0x2c: {  	[spmem:s2] =	stream.indirect.scatter.add.f32 [tilespmem:s16], [sflag:$0x3], $0x30, s31, s14, $0xb8;
	[tilespmem:$0xE420] =	vst v63  }
0x2d: {  	_ =	swait.ge [sflag:s12], $0xF00  }
0x2e: {  	s22 =	simm.s32 $0x500;
	s21 =	simm.s32 $0xA0;
	[sflag:s12] =	ssyncset.done $0x0  }
.LBB2_2:
0x2f: {  	s23 =	sadd.s32 $0x50, s21  }
0x30: {  	[sflag:s12] =	ssyncadd.s32 $0xFFFFF100;
	s24 =	smov.u32 s22;
	s25 =	sadd.s32 $0x280, s22  }
0x31: {  	[tilespmem:s16], [sflag:$0x2] =	stream.indirect.gather [hbm4b:s4+s14], $0x30, s23, s14, $0xb8;
	[tilespmem:$0xE420] =	vst v63  }
0x32: {  	p0 =	sne.s32 s22, $0x9880;
	_ =	swait.ge [sflag:s17], $0xF00  }
0x33: {  	[sflag:s17] =	ssyncset.done $0x0  }
0x34: {  	s22 =	sadd.s32 $0x2710, s21;
	[sflag:s17] =	ssyncadd.s32 $0xFFFFF100  }
0x35: {  	[spmem:s2] =	stream.indirect.scatter.add.f32 [tilespmem:s15], [sflag:$0x3], $0x30, s22, s14, $0xb8;
	[tilespmem:$0xE420] =	vst v63  }
0x36: {  	_ =	swait.ge [sflag:s12], $0xF00  }
0x37: {  	[sflag:s12] =	ssyncset.done $0x0  }
0x38: {  	s22 =	sadd.s32 $0xA0, s21;
	[sflag:s12] =	ssyncadd.s32 $0xFFFFF100  }
0x39: {  	[tilespmem:s15], [sflag:$0x1] =	stream.indirect.gather [hbm4b:s4+s14], $0x30, s22, s14, $0xb8;
	[tilespmem:$0xE420] =	vst v63  }
0x3a: {  	_ =	swait.ge [sflag:s18], $0xF00  }
.Ltmp0:
0x3b: {  	[sflag:s18] =	ssyncset.done $0x0;
	(pc) =	sbr.rel @p0 .LBB2_2-.Ltmp0, $4  }
0x3c: {  	s21 =	sadd.s32 $0x2760, s21;
	[sflag:s18] =	ssyncadd.s32 $0xFFFFF100  }
0x3d: {  	[spmem:s2] =	stream.indirect.scatter.add.f32 [tilespmem:s16], [sflag:$0x3], $0x30, s21, s14, $0xb8;
	[tilespmem:$0xE420] =	vst v63  }
0x3e: {  	_ =	swait.ge [sflag:s12], $0xF00  }
0x3f: {  	s22 =	smov.u32 s25;
	s21 =	sshra.s32 s24, $0x2;
	[sflag:s12] =	ssyncset.done $0x0  }
0x40: {  	s22 =	sadd.s32 $0x50, s21;
	[sflag:s12] =	ssyncadd.s32 $0xFFFFF100  }
0x41: {  	[tilespmem:s16], [sflag:$0x2] =	stream.indirect.gather [hbm4b:s4+s14], $0x30, s22, s14, $0xb8;
	[tilespmem:$0xE420] =	vst v63  }
0x42: {  	_ =	swait.ge [sflag:s17], $0xF00  }
0x43: {  	[sflag:s17] =	ssyncset.done $0x0  }
0x44: {  	s29 =	sadd.s32 $0x2710, s21;
	[sflag:s17] =	ssyncadd.s32 $0xFFFFF100  }
0x45: {  	[spmem:s2] =	stream.indirect.scatter.add.f32 [tilespmem:s15], [sflag:$0x3], $0x30, s29, s14, $0xb8;
	[tilespmem:$0xE420] =	vst v63  }
0x46: {  	_ =	swait.ge [sflag:s12], $0xF00  }
0x47: {  	[sflag:s12] =	ssyncset.done $0x0  }
0x48: {  	s30 =	sadd.s32 $0xA0, s21;
	[sflag:s12] =	ssyncadd.s32 $0xFFFFF100  }
0x49: {  	[tilespmem:s15], [sflag:$0x1] =	stream.indirect.gather [hbm4b:s4+s14], $0x30, s30, s14, $0xb8;
	[tilespmem:$0xE420] =	vst v63  }
0x4a: {  	_ =	swait.ge [sflag:s18], $0xF00  }
0x4b: {  	[sflag:s18] =	ssyncset.done $0x0  }
0x4c: {  	s31 =	sadd.s32 $0x2760, s21;
	[sflag:s18] =	ssyncadd.s32 $0xFFFFF100  }
0x4d: {  	[spmem:s2] =	stream.indirect.scatter.add.f32 [tilespmem:s16], [sflag:$0x3], $0x30, s31, s14, $0xb8;
	[tilespmem:$0xE420] =	vst v63  }
0x4e: {  	_ =	swait.ge [sflag:s12], $0xF00  }
0x4f: {  	[sflag:s12] =	ssyncset.done $0x0  }
0x50: {  	[sflag:s12] =	ssyncadd.s32 $0xFFFFF100  }
0x51: {  	_ =	swait.ge [sflag:s17], $0xF00  }
0x52: {  	[sflag:s17] =	ssyncset.done $0x0  }
0x53: {  	[sflag:s17] =	ssyncadd.s32 $0xFFFFF100  }
0x54: {  	[spmem:s2] =	stream.indirect.scatter.add.f32 [tilespmem:s15], [sflag:$0x3], $0x30, s19, s14, $0xb8;
	[tilespmem:$0xE420] =	vst v63  }
0x55: {  	_ =	swait.ge [sflag:s12], $0xF00  }
0x56: {  	s20 =	sadd.s32 $0x1, s20;
	[sflag:s12] =	ssyncset.done $0x0  }
0x57: {  	p0 =	sne.s32 s20, s10;
	[sflag:s12] =	ssyncadd.s32 $0xFFFFF100  }
.Ltmp1:
0x58: {  	[bflag:$0x0] =	sbarrier.arrive $0xFFFF;
	(pc) =	sbr.rel @p0 .LBB2_1-.Ltmp1, $4  }
0x59: {  	[hbm:s9], [sflag:s6] =	dma.local [spmem:s11], $0xF00  }
0x5a: {  	_ =	swait.ge [sflag:s12], $0xF00  }
0x5b: {  	[sflag:s12] =	ssyncset.done $0x0  }
0x5c: {  	[sflag:s12] =	ssyncadd.s32 $0xFFFFF100  }
0x5d: {  	_ =	sfence.sel $0x180000  }
0x5e: {  	[bflag:$0x0] =	sbarrier.arrive $0xFFFF  }
0x5f: {  	p0 =	sne.s32 s0, $0x0;
	_ =	strace $0x90000053  }
0x60: {  	s0 =	sadd.s32 @!p0 $0x100000, s1;
	[bflag:$0x2] =	sbarrier.arrive $0xFFFF  }
0x61: {  	[sflag:s0] =	ssyncadd.tile.s32 @!p0 $0x1;
	_ =	shalt  }
.Lfunc_end2:
_tile_overlayer_lowered:
.L_overlay_start_2:
0x62: {  	(tag) =	ssettag $0x2  }
0x63: {  	s0 =	rddreg [dreg:$0x0];
	s2 =	stileid.u32  }
0x64: {  	s1 =	rddreg [dreg:$0x1];
	p0 =	sne.s32 s2, $0x0  }
0x65: {  	s3 =	rddreg [dreg:$0x2];
	[bflag:$0x3] =	sbarrier.arrive $0xFFFF;
	s2 =	simm.s32 @!p0 $0x1C03  }
0x66: {  	[timem:s3], [sflag:s2] =	dma.local @!p0 [hbm:s0], s1  }
0x67: {  	s0 =	simm.s32 @!p0 $0x3  }
0x68: {  	_ =	swait.ge @!p0 [sflag:s0], s1  }
0x69: {  	s1 =	ssub.s32 @!p0 $0x0, s1;
	[sflag:s0] =	ssyncset.done @!p0 $0x0  }
0x6a: {  	[sflag:s0] =	ssyncadd.s32 @!p0 s1  }
0x6b: {  	[bflag:$0x3] =	sbarrier.arrive $0xFFFF  }
0x6c: {  	_ =	shalt  }

// kernel: kernel.22.cloned.1.call-start
scs
__scs_entry_jumppad:
0x0: {  	(pc) =	sbr.rel $0x88, $3  }
0x1: {  	(tag) =	ssettag $0x0;
	lr =	simm.s32 $0x1  }
0x2: {  	[smem:$0x3F99] =	sst lr;
	_ =	strace $0xD0000000  }
0x3: {  	_ = 	snop  }
0x4: {  	_ = 	snop  }
0x5: {  	_ = 	snop  }
0x6: {  	_ = 	snop  }
0x7: {  	_ = 	snop  }
__scs_overlays_trampoline_lowered:
0x8: {  	[smem:$0x3FA8] =	sst s0  }
0x9: {  	[smem:$0x3FA9] =	sst s1  }
0xa: {  	[smem:$0x3FAA] =	sst s2  }
0xb: {  	[smem:$0x3FAB] =	sst s3  }
0xc: {  	[smem:$0x3FAC] =	sst s4  }
0xd: {  	[smem:$0x3FAD] =	sst s5  }
0xe: {  	[smem:$0x3FAE] =	sst s6  }
0xf: {  	[smem:$0x3FAF] =	sst s7  }
0x10: {  	[smem:$0x3FB0] =	sst s8  }
0x11: {  	[smem:$0x3FB1] =	sst s9;
	s0 =	simm.s32 @!p0 $0x0  }
0x12: {  	s1 =	sld [smem:$0x3F97];
	s0 =	simm.s32 @p0 $0x1  }
0x13: {  	[smem:$0x3FB2] =	sst s0;
	s0 =	simm.s32 @!p1 $0x0  }
0x14: {  	s2 =	sld [smem:$0x3F96];
	s0 =	simm.s32 @p1 $0x1  }
0x15: {  	[smem:$0x3FB3] =	sst s0;
	s0 =	simm.s32 @!p2 $0x0  }
0x16: {  	s3 =	sld [smem:$0x3FDB];
	s0 =	simm.s32 @p2 $0x1  }
0x17: {  	s4 =	simm.s32 $0x1BF5;
	[smem:$0x3FB5] =	sst s0  }
0x18: {  	s0 =	sld [smem:$0x3F98];
	_ =	swait.ge [sflag:s4], $0x0  }
0x19: {  	s7 =	sld [smem:$0x3F99]  }
0x1a: {  	s8 =	sadd.s32 $0xFFFFE003, lr  }
0x1b: {  	s9 =	sadd.s32 $0xFFFFFEF7, lr;
	s5 =	simm.s32 $0xFFFFFFFF;
	p2 =	slt.u32 s8, $0xFFFFF086  }
0x1c: {  	p1 =	slt.u32 s9, $0xF7A;
	s5 =	simm.s32 @!p2 $0x0  }
0x1d: {  	s5 =	simm.s32 @p1 $0x1;
	p0 =	seq.s32 s7, s2  }
0x1e: {  	s7 =	smul.u32 @!p0 $0xF7A, s2;
	p2 =	seq.s32 @!p0 s5, $0x0  }
0x1f: {  	s9 =	smul.u32 $0xF7A, s1;
	s8 =	simm.s32 @!p0 $0x1BF5;
	p2 =	por !p2, p0  }
0x20: {  	[sflag:s8] =	ssyncset.s32 @!p0 $0xFFFFF086;
	s6 =	sadd.s32 @!p0 s3, s7;
	s7 =	simm.s32 @!p0 $0x108  }
0x21: {  	s3 =	sadd.s32 s3, s9;
	s6 =	sadd.s32 @!p0 $0x88, s6;
	s7 =	simm.s32 @p2 $0x1082  }
0x22: {  	[simem:s7], [sflag:s8] =	dma.local @!p0 [hbm:s6], $0xF7A  }
0x23: {  	s9 =	sor.u32 $0xD0000000, s2;
	s6 =	simm.s32 $0x108;
	_ =	swait.ge @!p0 [sflag:s8], $0x0  }
0x24: {  	s3 =	sadd.s32 $0x88, s3;
	s6 =	simm.s32 @!p1 $0x1082;
	[sflag:s4] =	ssyncset.s32 $0xFFFFF086  }
0x25: {  	[simem:s6], [sflag:s4] =	dma.local [hbm:s3], $0xF7A  }
0x26: {  	[smem:$0x3F99] =	sst s1;
	(tag) =	ssettag s2;
	_ =	strace s9  }
0x27: {  	s1 =	sld [smem:$0x3FA9]  }
0x28: {  	s2 =	sld [smem:$0x3FAA]  }
0x29: {  	s4 =	sld [smem:$0x3FAC]  }
0x2a: {  	p0 =	seq.s32 s5, $0x0;
	s5 =	sld [smem:$0x3FAD]  }
0x2b: {  	s6 =	sld [smem:$0x3FAE]  }
0x2c: {  	s7 =	sld [smem:$0x3FAF]  }
0x2d: {  	s3 =	simm.s32 $0x108;
	s8 =	sld [smem:$0x3FB0]  }
0x2e: {  	s3 =	simm.s32 @!p0 $0x1082;
	s9 =	sld [smem:$0x3FB1]  }
0x2f: {  	lr =	sadd.s32 s0, s3;
	s0 =	sld [smem:$0x3FA8]  }
0x30: {  	s3 =	sld [smem:$0x3FAB]  }
0x31: {  	[smem:$0x3FB4] =	sst s10  }
0x32: {  	s10 =	sld [smem:$0x3FB2];
	_ =	sdelay $0x3  }
0x33: {  	p0 =	seq.s32 s10, $0x1;
	s10 =	sld [smem:$0x3FB4];
	_ =	sdelay $0x3  }
0x34: {  	[smem:$0x3FB4] =	sst s10  }
0x35: {  	s10 =	sld [smem:$0x3FB3];
	_ =	sdelay $0x3  }
0x36: {  	p1 =	seq.s32 s10, $0x1;
	s10 =	sld [smem:$0x3FB4];
	_ =	sdelay $0x3  }
0x37: {  	[smem:$0x3FB4] =	sst s10  }
0x38: {  	s10 =	sld [smem:$0x3FB5]  }
0x39: {  	_ = 	snop;
	(pc) =	sbr.ind lr, $3  }
0x3a: {  	_ = 	snop  }
0x3b: {  	_ = 	snop  }
0x3c: {  	p2 =	seq.s32 s10, $0x1;
	s10 =	sld [smem:$0x3FB4]  }
0x3d: {  	_ =	shalt  }
0x3e: {  	_ =	shalt  }
0x3f: {  	_ =	shalt  }
0x40: {  	_ =	shalt  }
0x41: {  	_ =	shalt  }
0x42: {  	_ =	shalt  }
0x43: {  	_ =	shalt  }
0x44: {  	_ =	shalt  }
0x45: {  	_ =	shalt  }
0x46: {  	_ =	shalt  }
0x47: {  	_ =	shalt  }
0x48: {  	_ =	shalt  }
0x49: {  	_ =	shalt  }
0x4a: {  	_ =	shalt  }
0x4b: {  	_ =	shalt  }
0x4c: {  	_ =	shalt  }
0x4d: {  	_ =	shalt  }
0x4e: {  	_ =	shalt  }
0x4f: {  	_ =	shalt  }
0x50: {  	_ =	shalt  }
0x51: {  	_ =	shalt  }
0x52: {  	_ =	shalt  }
0x53: {  	_ =	shalt  }
0x54: {  	_ =	shalt  }
0x55: {  	_ =	shalt  }
0x56: {  	_ =	shalt  }
0x57: {  	_ =	shalt  }
0x58: {  	_ =	shalt  }
0x59: {  	_ =	shalt  }
0x5a: {  	_ =	shalt  }
0x5b: {  	_ =	shalt  }
0x5c: {  	_ =	shalt  }
0x5d: {  	_ =	shalt  }
0x5e: {  	_ =	shalt  }
0x5f: {  	_ =	shalt  }
0x60: {  	_ =	shalt  }
0x61: {  	_ =	shalt  }
0x62: {  	_ =	shalt  }
0x63: {  	_ =	shalt  }
0x64: {  	_ =	shalt  }
0x65: {  	_ =	shalt  }
0x66: {  	_ =	shalt  }
0x67: {  	_ =	shalt  }
0x68: {  	_ =	shalt  }
0x69: {  	_ =	shalt  }
0x6a: {  	_ =	shalt  }
0x6b: {  	_ =	shalt  }
0x6c: {  	_ =	shalt  }
0x6d: {  	_ =	shalt  }
0x6e: {  	_ =	shalt  }
0x6f: {  	_ =	shalt  }
0x70: {  	_ =	shalt  }
0x71: {  	_ =	shalt  }
0x72: {  	_ =	shalt  }
0x73: {  	_ =	shalt  }
0x74: {  	_ =	shalt  }
0x75: {  	_ =	shalt  }
0x76: {  	_ =	shalt  }
0x77: {  	_ =	shalt  }
0x78: {  	_ =	shalt  }
0x79: {  	_ =	shalt  }
0x7a: {  	_ =	shalt  }
0x7b: {  	_ =	shalt  }
0x7c: {  	_ =	shalt  }
0x7d: {  	_ =	shalt  }
0x7e: {  	_ =	shalt  }
0x7f: {  	_ =	shalt  }
0x80: {  	_ =	shalt  }
0x81: {  	_ =	shalt  }
0x82: {  	_ =	shalt  }
0x83: {  	_ =	shalt  }
0x84: {  	_ =	shalt  }
0x85: {  	_ =	shalt  }
0x86: {  	_ =	shalt  }
0x87: {  	_ =	shalt  }
.Lfunc_end0:
.L_simem_size_0:
called_computation.4_lowered:
.L_overlay_start_0:
0x88: {  	s2 =	sld [smem:$0x3FD9]  }
0x89: {  	s3 =	sld [smem:$0x3FFE];
	_ =	sdelay $0x1  }
0x8a: {  	s1 =	srdreg.scid  }
0x8b: {  	s0 =	sand.u32 $0x1, s1  }
0x8c: {  	s14 =	sshll.u32 s0, $0xA;
	s2 =	sadd.s32 s3, s2  }
0x8d: {  	s2 =	sadd.s32 s2, s14  }
0x8e: {  	[smem:$0x3FC0] =	sst s2  }
0x8f: {  	_ = 	snop  }
0x90: {  	s2 =	sld [smem:$0x3FD0];
	_ =	sdelay $0x2  }
0x91: {  	s15 =	simm.s32 $0xB;
	s4 =	simm.s32 $0x10  }
0x92: {  	[smem:s4], [sflag:s15] =	dma.local [hbm:s2], $0x1  }
0x93: {  	_ =	swait.eq [sflag:s15], $0x1  }
0x94: {  	[sflag:s15] =	ssyncset.done $0x0  }
0x95: {  	s16 =	sld [smem:$0x10];
	[sflag:s15] =	ssyncadd.s32 $0xFFFFFFFF  }
0x96: {  	s17 =	sld [smem:$0x14];
	(tm) =	ssettm $0x1  }
0x97: {  	s18 =	sld [smem:$0x3FFB];
	_ =	sdelay $0x3  }
0x98: {  	_ =	strace s18  }
0x99: {  	s4 =	sld [smem:$0x3FFC];
	_ =	sdelay $0x3  }
0x9a: {  	_ =	strace s4  }
0x9b: {  	s4 =	sld [smem:$0x3FFD];
	_ =	sdelay $0x3  }
0x9c: {  	_ =	strace s4  }
0x9d: {  	_ =	strace $0x8FFFFFFF  }
0x9e: {  	s19 =	sld [smem:$0x3FDB];
	_ =	sdelay $0x1  }
0x9f: {  	s5 =	simm.s32 $_scs_section_size  }
0xa0: {  	s6 =	simm.s32 $_size__tile_overlayer_lowered;
	s7 =	simm.s32 $_tile_overlayer_lowered  }
0xa1: {  	s22 =	simm.s32 $0x1BFF;
	s21 =	sshll.u32 s7, $0x1;
	s4 =	sadd.s32 s5, s19  }
0xa2: {  	s8 =	simm.s32 $0x0;
	s20 =	sshll.u32 s6, $0x1;
	s6 =	sadd.s32 s21, s4  }
0xa3: {  	[timem:s8], [sflag:s22] =	dma.local [hbm:s6], s20  }
0xa4: {  	_ =	swait.ge [sflag:s22], s20  }
0xa5: {  	s5 =	ssub.s32 $0x0, s20;
	[sflag:s22] =	ssyncset.done $0x0  }
0xa6: {  	[sflag:s22] =	ssyncadd.s32 s5;
	_ =	sdelay $0x1  }
0xa7: {  	s23 =	simm.s32 $0x1B8B  }
0xa8: {  	_ =	swait.ge [sflag:s23], $0x1  }
0xa9: {  	[sflag:s23] =	ssyncset.done $0x0  }
0xaa: {  	s25 =	simm.s32 $0x1B8E;
	s24 =	sld [smem:$0x3FFE];
	[sflag:s23] =	ssyncadd.s32 $0xFFFFFFFF  }
0xab: {  	s26 =	simm.s32 $execute0_lowered;
	[smem:$0x3FD2] =	sst s25  }
0xac: {  	s6 =	sshll.u32 s26, $0x1;
	_ =	strace $0x8000004F;
	[dreg:$0x1] =	wrdreg $0xFFFFFFFF  }
0xad: {  	s28 =	simm.s32 $_size_execute0_lowered;
	s4 =	sadd.s32 s4, s6;
	[dreg:$0x0] =	wrdreg $0x0  }
0xae: {  	s6 =	sshll.u32 s28, $0x1;
	[dreg:$0x2] =	wrdreg s4  }
0xaf: {  	[dreg:$0x3] =	wrdreg s6  }
0xb0: {  	[dreg:$0x4] =	wrdreg $0xC0  }
0xb1: {  	_ =	task [dreg:s8], $0x5FFFF  }
0xb2: {  	[dreg:$0x1] =	wrdreg $0xFFFFFFFF  }
0xb3: {  	[dreg:$0x0] =	wrdreg $0x60  }
0xb4: {  	[dreg:$0x2] =	wrdreg s24  }
0xb5: {  	[dreg:$0x3] =	wrdreg s17  }
0xb6: {  	[dreg:$0x4] =	wrdreg s16  }
0xb7: {  	[dreg:$0x5] =	wrdreg $0x6C200  }
0xb8: {  	[dreg:$0x6] =	wrdreg $0xA  }
0xb9: {  	_ =	task.clear_ibuf [dreg:s8], $0x7FFFF;
	_ =	strace $0x9000004F  }
0xba: {  	s29 =	simm.s32 $0xA;
	_ =	strace $0x80000051  }
0xbb: {  	_ =	swait.ge [sflag:s29], $0x1  }
0xbc: {  	[sflag:s29] =	ssyncadd.s32 $0xFFFFFFFF  }
0xbd: {  	_ =	strace $0x90000051  }
0xbe: {  	_ =	sfence  }
0xbf: {  	s30 =	sld [smem:$0x0];
	_ =	sdelay $0x2  }
0xc0: {  	s31 =	sshll.u32 s1, $0xD;
	s1 =	sshrl.u32 s1, $0x2  }
0xc1: {  	s3 =	sand.u32 $0x4000, s31;
	s1 =	sadd.s32 s1, s30  }
0xc2: {  	s0 =	sor.u32 s3, s0;
	s1 =	sshll.u32 s1, $0x11  }
0xc3: {  	s0 =	sor.u32 s1, s0  }
0xc4: {  	s0 =	sadd.s32 $0x8F2B, s0  }
0xc5: {  	[sflag:s0] =	ssyncadd.remote.s32 $0x1  }
0xc6: {  	_ =	sfence.sel $0xFFFF  }
0xc7: {  	[dreg:$0x0] =	wrdreg $0xFFFFFFFF;
	(pc) =	sbr.abs _section_cstart, $3  }
0xc8: {  	[dreg:$0x1] =	wrdreg $0xFFFFFFFF  }
0xc9: {  	_ =	task.clear_ibuf [dreg:s8], $0x2FFFF;
	_ =	strace $0x9FFFFFFF  }
0xca: {  	(tm) =	ssettm $0x7FFFFFFF  }
0xcb: {  	_ =	shalt  }
tec
execute0_lowered:
.L_overlay_start_1:
0x0: {  	(tag) =	ssettag $0x1  }
0x1: {  	s5 =	rddreg [dreg:$0x0]  }
0x2: {  	s7 =	rddreg [dreg:$0x1]  }
0x3: {  	s8 =	rddreg [dreg:$0x2]  }
0x4: {  	s2 =	rddreg [dreg:$0x3];
	s0 =	stileid.u32  }
0x5: {  	s4 =	srdreg.scid;
	s1 =	rddreg [dreg:$0x4]  }
0x6: {  	s3 =	simm.s32 $0x0;
	s15 =	simm.s32 $0x4E20;
	s16 =	simm.s32 $0x5D20  }
0x7: {  	s17 =	simm.s32 $0x1;
	s18 =	simm.s32 $0x2;
	s19 =	simm.s32 $0x4DD0  }
0x8: {  	s20 =	simm.s32 $0x0;
	s6 =	smul.u32 $0x7800, s0;
	s9 =	sand.u32 $0x1, s4  }
0x9: {  	[smem:$0x7FF] =	sst s3;
	s4 =	sadd.s32 $0x79800, s5;
	s13 =	sshll.u32 s0, $0x1  }
0xa: {  	s31 =	sshll.u32 s0, $0x6;
	s11 =	smul.u32 $0x78000, s9;
	_ =	strace $0x80000050  }
0xb: {  	s12 =	ssub.s32 $0x2, s9;
	s9 =	sor.u32 s9, s13;
	s13 =	simm.s32 $0x2710  }
0xc: {  	s10 =	sshrl.u32 s6, $0x3;
	s14 =	sshrl.u32 s12, $0x1;
	s9 =	smul.u32 $0x4E2, s9  }
0xd: {  	s30 =	sadd.s32 s6, s2;
	s10 =	sadd.s32 s10, s5;
	s11 =	sadd.s32 s6, s11  }
0xe: {  	s12 =	ssub.s32 s12, s14;
	s6 =	sor.u32 $0x1C03, s31;
	s14 =	simm.s32 $0x50  }
0xf: {  	s11 =	sshrl.u32 s11, $0x3;
	s7 =	sadd.s32 s7, s9;
	s8 =	sadd.s32 s8, s9  }
0x10: {  	s11 =	sadd.s32 s11, s5;
	s5 =	sadd.s32 $0x97800, s10;
	s10 =	smax.u32 s12, $0x1  }
0x11: {  	s12 =	simm.s32 $0x3;
	s9 =	sadd.s32 $0xA6800, s11;
	s11 =	sshrl.u32 s30, $0x3  }
.LBB2_1:
0x12: {  	[spmem:s11], [sflag:s6] =	dma.local [hbm:s5], $0xF00  }
0x13: {  	_ =	swait.ge [sflag:s12], $0xF00  }
0x14: {  	[sflag:s12] =	ssyncset.done $0x0  }
0x15: {  	[sflag:s12] =	ssyncadd.s32 $0xFFFFF100  }
0x16: {  	[tilespmem:s3], [sflag:$0x3] =	stream.linear.gather [hbm4b:s7+s3], $0x2710, $0x38;
	[tilespmem:$0xE420] =	vst v63  }
0x17: {  	_ =	swait.ge [sflag:s12], $0x2710  }
0x18: {  	[sflag:s12] =	ssyncset.done $0x0  }
0x19: {  	[sflag:s12] =	ssyncadd.s32 $0xFFFFD8F0  }
0x1a: {  	[tilespmem:s13], [sflag:$0x3] =	stream.linear.gather [hbm4b:s8+s3], $0x2710, $0x38;
	[tilespmem:$0xE420] =	vst v63  }
0x1b: {  	_ =	swait.ge [sflag:s12], $0x2710  }
0x1c: {  	[sflag:s12] =	ssyncset.done $0x0  }
0x1d: {  	[sflag:s12] =	ssyncadd.s32 $0xFFFFD8F0  }
0x1e: {  	[tilespmem:s15], [sflag:$0x1] =	stream.indirect.gather [hbm4b:s4+s14], $0x30, s3, s14, $0xb8;
	[tilespmem:$0xE420] =	vst v63  }
0x1f: {  	s21 =	simm.s32 $0x50  }
0x20: {  	[tilespmem:s16], [sflag:$0x2] =	stream.indirect.gather [hbm4b:s4+s14], $0x30, s21, s14, $0xb8;
	[tilespmem:$0xE420] =	vst v63  }
0x21: {  	_ =	swait.ge [sflag:s17], $0xF00  }
0x22: {  	[sflag:s17] =	ssyncset.done $0x0  }
0x23: {  	s29 =	simm.s32 $0x2710;
	[sflag:s17] =	ssyncadd.s32 $0xFFFFF100  }
0x24: {  	[spmem:s2] =	stream.indirect.scatter.add.f32 [tilespmem:s15], [sflag:$0x3], $0x30, s29, s14, $0xb8;
	[tilespmem:$0xE420] =	vst v63  }
0x25: {  	_ =	swait.ge [sflag:s12], $0xF00  }
0x26: {  	[sflag:s12] =	ssyncset.done $0x0  }
0x27: {  	s30 =	simm.s32 $0xA0;
	[sflag:s12] =	ssyncadd.s32 $0xFFFFF100  }
0x28: {  	[tilespmem:s15], [sflag:$0x1] =	stream.indirect.gather [hbm4b:s4+s14], $0x30, s30, s14, $0xb8;
	[tilespmem:$0xE420] =	vst v63  }
0x29: {  	_ =	swait.ge [sflag:s18], $0xF00  }
0x2a: {  	[sflag:s18] =	ssyncset.done $0x0  }
0x2b: {  	s31 =	simm.s32 $0x2760;
	[sflag:s18] =	ssyncadd.s32 $0xFFFFF100  }
0x2c: {  	[spmem:s2] =	stream.indirect.scatter.add.f32 [tilespmem:s16], [sflag:$0x3], $0x30, s31, s14, $0xb8;
	[tilespmem:$0xE420] =	vst v63  }
0x2d: {  	_ =	swait.ge [sflag:s12], $0xF00  }
0x2e: {  	s22 =	simm.s32 $0x500;
	s21 =	simm.s32 $0xA0;
	[sflag:s12] =	ssyncset.done $0x0  }
.LBB2_2:
0x2f: {  	s23 =	sadd.s32 $0x50, s21  }
0x30: {  	[sflag:s12] =	ssyncadd.s32 $0xFFFFF100;
	s24 =	smov.u32 s22;
	s25 =	sadd.s32 $0x280, s22  }
0x31: {  	[tilespmem:s16], [sflag:$0x2] =	stream.indirect.gather [hbm4b:s4+s14], $0x30, s23, s14, $0xb8;
	[tilespmem:$0xE420] =	vst v63  }
0x32: {  	p0 =	sne.s32 s22, $0x9880;
	_ =	swait.ge [sflag:s17], $0xF00  }
0x33: {  	[sflag:s17] =	ssyncset.done $0x0  }
0x34: {  	s22 =	sadd.s32 $0x2710, s21;
	[sflag:s17] =	ssyncadd.s32 $0xFFFFF100  }
0x35: {  	[spmem:s2] =	stream.indirect.scatter.add.f32 [tilespmem:s15], [sflag:$0x3], $0x30, s22, s14, $0xb8;
	[tilespmem:$0xE420] =	vst v63  }
0x36: {  	_ =	swait.ge [sflag:s12], $0xF00  }
0x37: {  	[sflag:s12] =	ssyncset.done $0x0  }
0x38: {  	s22 =	sadd.s32 $0xA0, s21;
	[sflag:s12] =	ssyncadd.s32 $0xFFFFF100  }
0x39: {  	[tilespmem:s15], [sflag:$0x1] =	stream.indirect.gather [hbm4b:s4+s14], $0x30, s22, s14, $0xb8;
	[tilespmem:$0xE420] =	vst v63  }
0x3a: {  	_ =	swait.ge [sflag:s18], $0xF00  }
.Ltmp0:
0x3b: {  	[sflag:s18] =	ssyncset.done $0x0;
	(pc) =	sbr.rel @p0 .LBB2_2-.Ltmp0, $4  }
0x3c: {  	s21 =	sadd.s32 $0x2760, s21;
	[sflag:s18] =	ssyncadd.s32 $0xFFFFF100  }
0x3d: {  	[spmem:s2] =	stream.indirect.scatter.add.f32 [tilespmem:s16], [sflag:$0x3], $0x30, s21, s14, $0xb8;
	[tilespmem:$0xE420] =	vst v63  }
0x3e: {  	_ =	swait.ge [sflag:s12], $0xF00  }
0x3f: {  	s22 =	smov.u32 s25;
	s21 =	sshra.s32 s24, $0x2;
	[sflag:s12] =	ssyncset.done $0x0  }
0x40: {  	s22 =	sadd.s32 $0x50, s21;
	[sflag:s12] =	ssyncadd.s32 $0xFFFFF100  }
0x41: {  	[tilespmem:s16], [sflag:$0x2] =	stream.indirect.gather [hbm4b:s4+s14], $0x30, s22, s14, $0xb8;
	[tilespmem:$0xE420] =	vst v63  }
0x42: {  	_ =	swait.ge [sflag:s17], $0xF00  }
0x43: {  	[sflag:s17] =	ssyncset.done $0x0  }
0x44: {  	s29 =	sadd.s32 $0x2710, s21;
	[sflag:s17] =	ssyncadd.s32 $0xFFFFF100  }
0x45: {  	[spmem:s2] =	stream.indirect.scatter.add.f32 [tilespmem:s15], [sflag:$0x3], $0x30, s29, s14, $0xb8;
	[tilespmem:$0xE420] =	vst v63  }
0x46: {  	_ =	swait.ge [sflag:s12], $0xF00  }
0x47: {  	[sflag:s12] =	ssyncset.done $0x0  }
0x48: {  	s30 =	sadd.s32 $0xA0, s21;
	[sflag:s12] =	ssyncadd.s32 $0xFFFFF100  }
0x49: {  	[tilespmem:s15], [sflag:$0x1] =	stream.indirect.gather [hbm4b:s4+s14], $0x30, s30, s14, $0xb8;
	[tilespmem:$0xE420] =	vst v63  }
0x4a: {  	_ =	swait.ge [sflag:s18], $0xF00  }
0x4b: {  	[sflag:s18] =	ssyncset.done $0x0  }
0x4c: {  	s31 =	sadd.s32 $0x2760, s21;
	[sflag:s18] =	ssyncadd.s32 $0xFFFFF100  }
0x4d: {  	[spmem:s2] =	stream.indirect.scatter.add.f32 [tilespmem:s16], [sflag:$0x3], $0x30, s31, s14, $0xb8;
	[tilespmem:$0xE420] =	vst v63  }
0x4e: {  	_ =	swait.ge [sflag:s12], $0xF00  }
0x4f: {  	[sflag:s12] =	ssyncset.done $0x0  }
0x50: {  	[sflag:s12] =	ssyncadd.s32 $0xFFFFF100  }
0x51: {  	_ =	swait.ge [sflag:s17], $0xF00  }
0x52: {  	[sflag:s17] =	ssyncset.done $0x0  }
0x53: {  	[sflag:s17] =	ssyncadd.s32 $0xFFFFF100  }
0x54: {  	[spmem:s2] =	stream.indirect.scatter.add.f32 [tilespmem:s15], [sflag:$0x3], $0x30, s19, s14, $0xb8;
	[tilespmem:$0xE420] =	vst v63  }
0x55: {  	_ =	swait.ge [sflag:s12], $0xF00  }
0x56: {  	s20 =	sadd.s32 $0x1, s20;
	[sflag:s12] =	ssyncset.done $0x0  }
0x57: {  	p0 =	sne.s32 s20, s10;
	[sflag:s12] =	ssyncadd.s32 $0xFFFFF100  }
.Ltmp1:
0x58: {  	[bflag:$0x0] =	sbarrier.arrive $0xFFFF;
	(pc) =	sbr.rel @p0 .LBB2_1-.Ltmp1, $4  }
0x59: {  	[hbm:s9], [sflag:s6] =	dma.local [spmem:s11], $0xF00  }
0x5a: {  	_ =	swait.ge [sflag:s12], $0xF00  }
0x5b: {  	[sflag:s12] =	ssyncset.done $0x0  }
0x5c: {  	[sflag:s12] =	ssyncadd.s32 $0xFFFFF100  }
0x5d: {  	_ =	sfence.sel $0x180000  }
0x5e: {  	[bflag:$0x0] =	sbarrier.arrive $0xFFFF  }
0x5f: {  	p0 =	sne.s32 s0, $0x0;
	_ =	strace $0x90000050  }
0x60: {  	s0 =	sadd.s32 @!p0 $0x100000, s1;
	[bflag:$0x2] =	sbarrier.arrive $0xFFFF  }
0x61: {  	[sflag:s0] =	ssyncadd.tile.s32 @!p0 $0x1;
	_ =	shalt  }
.Lfunc_end2:
_tile_overlayer_lowered:
.L_overlay_start_2:
0x62: {  	(tag) =	ssettag $0x2  }
0x63: {  	s0 =	rddreg [dreg:$0x0];
	s2 =	stileid.u32  }
0x64: {  	s1 =	rddreg [dreg:$0x1];
	p0 =	sne.s32 s2, $0x0  }
0x65: {  	s3 =	rddreg [dreg:$0x2];
	[bflag:$0x3] =	sbarrier.arrive $0xFFFF;
	s2 =	simm.s32 @!p0 $0x1C03  }
0x66: {  	[timem:s3], [sflag:s2] =	dma.local @!p0 [hbm:s0], s1  }
0x67: {  	s0 =	simm.s32 @!p0 $0x3  }
0x68: {  	_ =	swait.ge @!p0 [sflag:s0], s1  }
0x69: {  	s1 =	ssub.s32 @!p0 $0x0, s1;
	[sflag:s0] =	ssyncset.done @!p0 $0x0  }
0x6a: {  	[sflag:s0] =	ssyncadd.s32 @!p0 s1  }
0x6b: {  	[bflag:$0x3] =	sbarrier.arrive $0xFFFF  }
0x6c: {  	_ =	shalt  }

</sc_bundles>
